<compile_context>
chip_gen: v7x
topology: tpu7x:2x2x1
jax: 0.10.2.dev20260603
libtpu: 0.0.44.dev20260713+nightly
codegen_flags: <defaults>
</compile_context>

<pallas_src>
import functools

import jax
import jax.numpy as jnp
from jax import lax
from jax.experimental import pallas as pl
from jax.experimental.pallas import tpu as pltpu
from jax.experimental.pallas import tpu_sc as plsc

D = 128
S = 16384
NC = 2
NS = 16
NW = NC * NS
C = 128
H = C // 2
TOK_PER_W = S // NW
NCHUNK = TOK_PER_W // C
NT = 3
NBUF = 2
L = 16


def _sc_body(ffe_hbm, eid_tab_hbm, dim_tab_hbm,
             fld_hbm, fam_hbm, ety_hbm, eid_hbm, dim_hbm, out_hbm,
             raw_v, idx_v, stage_v, ffe_sh, eid_sh, dim_sh, gsem, osem):
    cid = lax.axis_index("c")
    sid = lax.axis_index("s")
    wid = sid * NC + cid
    wbase = wid * TOK_PER_W
    ih = [pltpu.async_copy(ref.at[pl.ds(wbase, TOK_PER_W)], raw_v.at[t], gsem)
          for t, ref in enumerate((fld_hbm, fam_hbm, ety_hbm, eid_hbm,
                                   dim_hbm))]
    for tab_hbm, tab_sh, rows in ((ffe_hbm, ffe_sh, 1024 // NS),
                                  (eid_tab_hbm, eid_sh, 64 // NS),
                                  (dim_tab_hbm, dim_sh, 512 // NS)):
        tsl = pl.ds(sid * rows, rows)
        ih.append(pltpu.async_copy(tab_hbm.at[tsl], tab_sh.at[tsl], gsem))
    for h in ih:
        h.wait()
    plsc.subcore_barrier()

    def build_idx(ci):
        b = ci % NBUF
        for g in range(C // L):
            sl = pl.ds(ci * C + g * L, L)
            dsl = pl.ds(g * L, L)
            idx_v[b, dsl] = (raw_v[0, sl] * 32 + raw_v[1, sl] * 4
                             + raw_v[2, sl])

    def issue_gathers(ci):
        b = ci % NBUF
        csl = pl.ds(ci * C, C)
        return [
            pltpu.async_copy(ffe_sh.at[idx_v.at[b]], stage_v.at[b, 0], gsem),
            pltpu.async_copy(eid_sh.at[raw_v.at[3, csl]],
                             stage_v.at[b, 1], gsem),
            pltpu.async_copy(dim_sh.at[raw_v.at[4, csl]],
                             stage_v.at[b, 2], gsem),
        ]

    def accumulate(ci):
        b = ci % NBUF

        def row_body(r, carry):
            for g in range(D // L):
                sl = pl.ds(g * L, L)
                stage_v[b, 0, r, sl] = (stage_v[b, 0, r, sl]
                                        + stage_v[b, 1, r, sl]
                                        + stage_v[b, 2, r, sl])
            return carry

        lax.fori_loop(0, C, row_body, 0)

    gh = {}
    oh = {}

    def start(ci):
        if ci - NBUF in oh:
            oh.pop(ci - NBUF).wait()
        build_idx(ci)
        gh[ci] = issue_gathers(ci)

    def finish(cj):
        for h in gh.pop(cj):
            h.wait()
        accumulate(cj)
        oh[cj] = pltpu.async_copy(stage_v.at[cj % NBUF, 0],
                                  out_hbm.at[pl.ds(wbase + cj * C, C)], osem)

    depth = NBUF - 1
    for ci in range(depth):
        start(ci)
    for ci in range(depth, NCHUNK):
        start(ci)
        finish(ci - depth)
    for cj in range(NCHUNK - depth, NCHUNK):
        finish(cj)
    for h in oh.values():
        h.wait()


@functools.cache
def _sc_gather_sum_fn():
    return pl.kernel(
        _sc_body,
        out_type=jax.ShapeDtypeStruct((S, D), jnp.float32),
        mesh=plsc.VectorSubcoreMesh(core_axis_name="c", subcore_axis_name="s",
                                    num_cores=NC, num_subcores=NS),
        compiler_params=pltpu.CompilerParams(use_tc_tiling_on_sc=False),
        scratch_types=[
            pltpu.VMEM((5, TOK_PER_W), jnp.int32),
            pltpu.VMEM((NBUF, C), jnp.int32),
            pltpu.VMEM((NBUF, NT, C, D), jnp.float32),
            pltpu.VMEM_SHARED((1024, D), jnp.float32),
            pltpu.VMEM_SHARED((64, D), jnp.float32),
            pltpu.VMEM_SHARED((512, D), jnp.float32),
            pltpu.SemaphoreType.DMA,
            pltpu.SemaphoreType.DMA,
        ],
    )


def _mlp_body(v_ref, w1_ref, b1_ref, w2_ref, b2_ref, h_ref):
    v = v_ref[...]
    x = jnp.sign(v) * jnp.log1p(jnp.abs(v))
    h1 = x * w1_ref[...] + b1_ref[...]
    h1 = 0.5 * h1 * (1.0 + lax.erf(h1 * 0.7071067811865475))
    h_ref[...] = (jnp.dot(h1, w2_ref[...], preferred_element_type=jnp.float32)
                  + b2_ref[...])


def _ln_body(h_ref, g_ref, gm_ref, bt_ref, o_ref):
    h2 = h_ref[...] + g_ref[...]
    mean = jnp.mean(h2, axis=-1, keepdims=True)
    xc = h2 - mean
    var = jnp.mean(xc * xc, axis=-1, keepdims=True)
    o_ref[...] = xc * lax.rsqrt(var + 1e-5) * gm_ref[...] + bt_ref[...]


BT = 4096


def _tc_mlp(v2, W1, b1, W2, b2):
    vec = pl.BlockSpec((D,), lambda i: (0,))
    return pl.pallas_call(
        _mlp_body,
        grid=(S // BT,),
        in_specs=[
            pl.BlockSpec((BT, 1), lambda i: (i, 0)),
            pl.BlockSpec((1, D), lambda i: (0, 0)),
            vec,
            pl.BlockSpec((D, D), lambda i: (0, 0)),
            vec,
        ],
        out_specs=pl.BlockSpec((BT, D), lambda i: (i, 0)),
        out_shape=jax.ShapeDtypeStruct((S, D), jnp.float32),
    )(v2, W1, b1, W2, b2)


BT_LN = 16384


def _tc_add_ln(h, g, gamma, beta):
    vec = pl.BlockSpec((D,), lambda i: (0,))
    return pl.pallas_call(
        _ln_body,
        grid=(S // BT_LN,),
        in_specs=[
            pl.BlockSpec((BT_LN, D), lambda i: (i, 0)),
            pl.BlockSpec((BT_LN, D), lambda i: (i, 0)),
            vec, vec,
        ],
        out_specs=pl.BlockSpec((BT_LN, D), lambda i: (i, 0)),
        out_shape=jax.ShapeDtypeStruct((S, D), jnp.float32),
    )(h, g, gamma, beta)


def kernel(values, field_idx, family_idx, entity_type_idx, entity_id, dim_idx,
           field_emb, family_emb, entity_type_emb, entity_id_emb, dim_emb,
           W1, b1, W2, b2, gamma, beta):
    ffe = (field_emb[:, None, None, :] + family_emb[None, :, None, :]
           + entity_type_emb[None, None, :, :]).reshape(32 * 8 * 4, D)
    g = _sc_gather_sum_fn()(ffe, entity_id_emb, dim_emb,
                            field_idx, family_idx, entity_type_idx,
                            entity_id, dim_idx)
    h = _tc_mlp(values.reshape(S, 1), W1, b1, W2, b2)
    return _tc_add_ln(h, g, gamma, beta)

# --- scband reference (transcript-rebuilt; emitter-appended) ---
"""Pipeline reference for scband-program-vectorizer-66030827209239 (READ-ONLY COPY).

The authoritative reference and input builder live on the scoring server;
editing this copy changes nothing except your own understanding.
"""

import jax, jax.numpy as jnp
import numpy as np

D = 128
S = 16384

def setup_inputs(seed: int = 0) -> dict:
    key = jax.random.key(seed)
    ks = jax.random.split(key, 16)
    values = jax.random.normal(ks[0], (S,), dtype=jnp.float32)
    field_idx = jax.random.randint(ks[1], (S,), 0, 32)
    family_idx = jax.random.randint(ks[2], (S,), 0, 8)
    entity_type_idx = jax.random.randint(ks[3], (S,), 0, 4)
    entity_id = jax.random.randint(ks[4], (S,), 0, 64)
    dim_idx = jax.random.randint(ks[5], (S,), 0, 512)
    field_emb = jax.random.normal(ks[6], (32, D), dtype=jnp.float32)
    family_emb = jax.random.normal(ks[7], (8, D), dtype=jnp.float32)
    entity_type_emb = jax.random.normal(ks[8], (4, D), dtype=jnp.float32)
    entity_id_emb = jax.random.normal(ks[9], (64, D), dtype=jnp.float32)
    dim_emb = jax.random.normal(ks[10], (512, D), dtype=jnp.float32)
    W1 = jax.random.normal(ks[11], (1, D), dtype=jnp.float32) * 0.5
    b1 = jnp.zeros((D,), dtype=jnp.float32)
    W2 = jax.random.normal(ks[12], (D, D), dtype=jnp.float32) * 0.05
    b2 = jnp.zeros((D,), dtype=jnp.float32)
    gamma = jnp.ones((D,), dtype=jnp.float32)
    beta = jnp.zeros((D,), dtype=jnp.float32)
    return {"values": values, "field_idx": field_idx, "family_idx": family_idx,
            "entity_type_idx": entity_type_idx, "entity_id": entity_id, "dim_idx": dim_idx,
            "field_emb": field_emb, "family_emb": family_emb, "entity_type_emb": entity_type_emb,
            "entity_id_emb": entity_id_emb, "dim_emb": dim_emb,
            "W1": W1, "b1": b1, "W2": W2, "b2": b2, "gamma": gamma, "beta": beta}

def reference(values, field_idx, family_idx, entity_type_idx, entity_id, dim_idx,
              field_emb, family_emb, entity_type_emb, entity_id_emb, dim_emb,
              W1, b1, W2, b2, gamma, beta):
    # normalize_value: sign(x) * log1p(|x|)
    v = jnp.sign(values) * jnp.log1p(jnp.abs(values))
    # value_mlp: Linear(1,D) -> GELU (exact) -> Linear(D,D)
    h = jax.nn.gelu(v[:, None] @ W1 + b1, approximate=False) @ W2 + b2
    # vector_entry token: field + value + family + entity_type + entity_id + dim
    out = (jnp.take(field_emb, field_idx, axis=0)
           + h
           + jnp.take(family_emb, family_idx, axis=0)
           + jnp.take(entity_type_emb, entity_type_idx, axis=0)
           + jnp.take(entity_id_emb, entity_id, axis=0)
           + jnp.take(dim_emb, dim_idx, axis=0))
    # LayerNorm over last dim (eps=1e-5, biased variance like torch)
    mean = jnp.mean(out, axis=-1, keepdims=True)
    var = jnp.var(out, axis=-1, keepdims=True)
    return (out - mean) / jnp.sqrt(var + 1e-5) * gamma + beta

if __name__ == "__main__":
    import jax
    _d = setup_inputs()
    print(jax.jit(kernel)(*tuple(_d.values())))

</pallas_src>

<mosaic_0001>
#map = affine_map<(d0, d1) -> (0, 0)>
#map1 = affine_map<(d0, d1) -> (0)>
module attributes {stable_mosaic.version = 14 : i64} {
  func.func @_sc_body(%arg0: i32, %arg1: i32, %arg2: memref<1024x128xf32, #tpu.memory_space<hbm>>, %arg3: memref<64x128xf32, #tpu.memory_space<hbm>>, %arg4: memref<512x128xf32, #tpu.memory_space<hbm>>, %arg5: memref<16384xi32, #tpu.memory_space<hbm>>, %arg6: memref<16384xi32, #tpu.memory_space<hbm>>, %arg7: memref<16384xi32, #tpu.memory_space<hbm>>, %arg8: memref<16384xi32, #tpu.memory_space<hbm>>, %arg9: memref<16384xi32, #tpu.memory_space<hbm>>, %arg10: memref<16384x128xf32, #tpu.memory_space<hbm>>, %arg11: memref<5x512xi32, #tpu.memory_space<vmem>>, %arg12: memref<2x128xi32, #tpu.memory_space<vmem>>, %arg13: memref<2x3x128x128xf32, #tpu.memory_space<vmem>>, %arg14: memref<1024x128xf32, #tpu.memory_space<vmem_shared>>, %arg15: memref<64x128xf32, #tpu.memory_space<vmem_shared>>, %arg16: memref<512x128xf32, #tpu.memory_space<vmem_shared>>, %arg17: memref<!tpu.dma_semaphore, #tpu.memory_space<semaphore_mem>>, %arg18: memref<!tpu.dma_semaphore, #tpu.memory_space<semaphore_mem>>) attributes {dimension_semantics = [#tpu.dimension_semantics<core_parallel>, #tpu.dimension_semantics<subcore_parallel>], iteration_bounds = array<i64: 2, 16>, scalar_prefetch = 0 : i64, scratch_operands = 8 : i64, tpu.core_type = #tpu.core_type<sc_vector_subcore>, window_params = [{transform_indices = #map}, {transform_indices = #map}, {transform_indices = #map}, {transform_indices = #map1}, {transform_indices = #map1}, {transform_indices = #map1}, {transform_indices = #map1}, {transform_indices = #map1}, {transform_indices = #map}]} {
    %mul3A = arith.constant 2 : i32
    %mul3A_0 = arith.muli %arg1, %mul3A : i32
    %add3A = arith.addi %mul3A_0, %arg0 : i32
    %mul3A_1 = arith.constant 512 : i32
    %mul3A_2 = arith.muli %add3A, %mul3A_1 : i32
    %dma_start3A = arith.constant 0 : i32
    %dma_start3A_3 = arith.constant 0 : i32
    %dma_start3A_4 = tpu.memref_slice %arg11[%dma_start3A, %dma_start3A_3] : memref<5x512xi32, #tpu.memory_space<vmem>> -> memref<1x512xi32, #tpu.memory_space<vmem>>
    %dma_start3A_5 = tpu.memref_squeeze %dma_start3A_4 : memref<1x512xi32, #tpu.memory_space<vmem>> -> memref<512xi32, #tpu.memory_space<vmem>>
    %dma_start3A_6 = tpu.memref_slice %arg5[%mul3A_2] : memref<16384xi32, #tpu.memory_space<hbm>> -> memref<512xi32, #tpu.memory_space<hbm>>
    %dma_start3A_7 = arith.constant 0 : i32
    %dma_start3A_8 = tpu.memref_slice %arg11[%dma_start3A, %dma_start3A_7] : memref<5x512xi32, #tpu.memory_space<vmem>> -> memref<1x512xi32, #tpu.memory_space<vmem>>
    %dma_start3A_9 = tpu.memref_squeeze %dma_start3A_8 : memref<1x512xi32, #tpu.memory_space<vmem>> -> memref<512xi32, #tpu.memory_space<vmem>>
    %dma_start3A_10 = tpu.memref_slice %arg5[%mul3A_2] : memref<16384xi32, #tpu.memory_space<hbm>> -> memref<512xi32, #tpu.memory_space<hbm>>
    tpu.enqueue_dma source(%dma_start3A_10 : memref<512xi32, #tpu.memory_space<hbm>>) target(%dma_start3A_9 : memref<512xi32, #tpu.memory_space<vmem>>) target_semaphore(%arg17 : memref<!tpu.dma_semaphore, #tpu.memory_space<semaphore_mem>>)
    %dma_start3A_11 = arith.constant 1 : i32
    %dma_start3A_12 = arith.constant 0 : i32
    %dma_start3A_13 = tpu.memref_slice %arg11[%dma_start3A_11, %dma_start3A_12] : memref<5x512xi32, #tpu.memory_space<vmem>> -> memref<1x512xi32, #tpu.memory_space<vmem>>
    %dma_start3A_14 = tpu.memref_squeeze %dma_start3A_13 : memref<1x512xi32, #tpu.memory_space<vmem>> -> memref<512xi32, #tpu.memory_space<vmem>>
    %dma_start3A_15 = tpu.memref_slice %arg6[%mul3A_2] : memref<16384xi32, #tpu.memory_space<hbm>> -> memref<512xi32, #tpu.memory_space<hbm>>
    %dma_start3A_16 = arith.constant 0 : i32
    %dma_start3A_17 = tpu.memref_slice %arg11[%dma_start3A_11, %dma_start3A_16] : memref<5x512xi32, #tpu.memory_space<vmem>> -> memref<1x512xi32, #tpu.memory_space<vmem>>
    %dma_start3A_18 = tpu.memref_squeeze %dma_start3A_17 : memref<1x512xi32, #tpu.memory_space<vmem>> -> memref<512xi32, #tpu.memory_space<vmem>>
    %dma_start3A_19 = tpu.memref_slice %arg6[%mul3A_2] : memref<16384xi32, #tpu.memory_space<hbm>> -> memref<512xi32, #tpu.memory_space<hbm>>
    tpu.enqueue_dma source(%dma_start3A_19 : memref<512xi32, #tpu.memory_space<hbm>>) target(%dma_start3A_18 : memref<512xi32, #tpu.memory_space<vmem>>) target_semaphore(%arg17 : memref<!tpu.dma_semaphore, #tpu.memory_space<semaphore_mem>>)
    %dma_start3A_20 = arith.constant 2 : i32
    %dma_start3A_21 = arith.constant 0 : i32
    %dma_start3A_22 = tpu.memref_slice %arg11[%dma_start3A_20, %dma_start3A_21] : memref<5x512xi32, #tpu.memory_space<vmem>> -> memref<1x512xi32, #tpu.memory_space<vmem>>
    %dma_start3A_23 = tpu.memref_squeeze %dma_start3A_22 : memref<1x512xi32, #tpu.memory_space<vmem>> -> memref<512xi32, #tpu.memory_space<vmem>>
    %dma_start3A_24 = tpu.memref_slice %arg7[%mul3A_2] : memref<16384xi32, #tpu.memory_space<hbm>> -> memref<512xi32, #tpu.memory_space<hbm>>
    %dma_start3A_25 = arith.constant 0 : i32
    %dma_start3A_26 = tpu.memref_slice %arg11[%dma_start3A_20, %dma_start3A_25] : memref<5x512xi32, #tpu.memory_space<vmem>> -> memref<1x512xi32, #tpu.memory_space<vmem>>
    %dma_start3A_27 = tpu.memref_squeeze %dma_start3A_26 : memref<1x512xi32, #tpu.memory_space<vmem>> -> memref<512xi32, #tpu.memory_space<vmem>>
    %dma_start3A_28 = tpu.memref_slice %arg7[%mul3A_2] : memref<16384xi32, #tpu.memory_space<hbm>> -> memref<512xi32, #tpu.memory_space<hbm>>
    tpu.enqueue_dma source(%dma_start3A_28 : memref<512xi32, #tpu.memory_space<hbm>>) target(%dma_start3A_27 : memref<512xi32, #tpu.memory_space<vmem>>) target_semaphore(%arg17 : memref<!tpu.dma_semaphore, #tpu.memory_space<semaphore_mem>>)
    %dma_start3A_29 = arith.constant 3 : i32
    %dma_start3A_30 = arith.constant 0 : i32
    %dma_start3A_31 = tpu.memref_slice %arg11[%dma_start3A_29, %dma_start3A_30] : memref<5x512xi32, #tpu.memory_space<vmem>> -> memref<1x512xi32, #tpu.memory_space<vmem>>
    %dma_start3A_32 = tpu.memref_squeeze %dma_start3A_31 : memref<1x512xi32, #tpu.memory_space<vmem>> -> memref<512xi32, #tpu.memory_space<vmem>>
    %dma_start3A_33 = tpu.memref_slice %arg8[%mul3A_2] : memref<16384xi32, #tpu.memory_space<hbm>> -> memref<512xi32, #tpu.memory_space<hbm>>
    %dma_start3A_34 = arith.constant 0 : i32
    %dma_start3A_35 = tpu.memref_slice %arg11[%dma_start3A_29, %dma_start3A_34] : memref<5x512xi32, #tpu.memory_space<vmem>> -> memref<1x512xi32, #tpu.memory_space<vmem>>
    %dma_start3A_36 = tpu.memref_squeeze %dma_start3A_35 : memref<1x512xi32, #tpu.memory_space<vmem>> -> memref<512xi32, #tpu.memory_space<vmem>>
    %dma_start3A_37 = tpu.memref_slice %arg8[%mul3A_2] : memref<16384xi32, #tpu.memory_space<hbm>> -> memref<512xi32, #tpu.memory_space<hbm>>
    tpu.enqueue_dma source(%dma_start3A_37 : memref<512xi32, #tpu.memory_space<hbm>>) target(%dma_start3A_36 : memref<512xi32, #tpu.memory_space<vmem>>) target_semaphore(%arg17 : memref<!tpu.dma_semaphore, #tpu.memory_space<semaphore_mem>>)
    %dma_start3A_38 = arith.constant 4 : i32
    %dma_start3A_39 = arith.constant 0 : i32
    %dma_start3A_40 = tpu.memref_slice %arg11[%dma_start3A_38, %dma_start3A_39] : memref<5x512xi32, #tpu.memory_space<vmem>> -> memref<1x512xi32, #tpu.memory_space<vmem>>
    %dma_start3A_41 = tpu.memref_squeeze %dma_start3A_40 : memref<1x512xi32, #tpu.memory_space<vmem>> -> memref<512xi32, #tpu.memory_space<vmem>>
    %dma_start3A_42 = tpu.memref_slice %arg9[%mul3A_2] : memref<16384xi32, #tpu.memory_space<hbm>> -> memref<512xi32, #tpu.memory_space<hbm>>
    %dma_start3A_43 = arith.constant 0 : i32
    %dma_start3A_44 = tpu.memref_slice %arg11[%dma_start3A_38, %dma_start3A_43] : memref<5x512xi32, #tpu.memory_space<vmem>> -> memref<1x512xi32, #tpu.memory_space<vmem>>
    %dma_start3A_45 = tpu.memref_squeeze %dma_start3A_44 : memref<1x512xi32, #tpu.memory_space<vmem>> -> memref<512xi32, #tpu.memory_space<vmem>>
    %dma_start3A_46 = tpu.memref_slice %arg9[%mul3A_2] : memref<16384xi32, #tpu.memory_space<hbm>> -> memref<512xi32, #tpu.memory_space<hbm>>
    tpu.enqueue_dma source(%dma_start3A_46 : memref<512xi32, #tpu.memory_space<hbm>>) target(%dma_start3A_45 : memref<512xi32, #tpu.memory_space<vmem>>) target_semaphore(%arg17 : memref<!tpu.dma_semaphore, #tpu.memory_space<semaphore_mem>>)
    %mul3A_47 = arith.constant 64 : i32
    %mul3A_48 = arith.muli %arg1, %mul3A_47 : i32
    %dma_start3A_49 = arith.constant 0 : i32
    %dma_start3A_50 = tpu.memref_slice %arg14[%mul3A_48, %dma_start3A_49] : memref<1024x128xf32, #tpu.memory_space<vmem_shared>> -> memref<64x128xf32, #tpu.memory_space<vmem_shared>>
    %dma_start3A_51 = arith.constant 0 : i32
    %dma_start3A_52 = tpu.memref_slice %arg2[%mul3A_48, %dma_start3A_51] : memref<1024x128xf32, #tpu.memory_space<hbm>> -> memref<64x128xf32, #tpu.memory_space<hbm>>
    tpu.enqueue_dma source(%dma_start3A_52 : memref<64x128xf32, #tpu.memory_space<hbm>>) target(%dma_start3A_50 : memref<64x128xf32, #tpu.memory_space<vmem_shared>>) target_semaphore(%arg17 : memref<!tpu.dma_semaphore, #tpu.memory_space<semaphore_mem>>)
    %mul3A_53 = arith.constant 4 : i32
    %mul3A_54 = arith.muli %arg1, %mul3A_53 : i32
    %dma_start3A_55 = arith.constant 0 : i32
    %dma_start3A_56 = tpu.memref_slice %arg15[%mul3A_54, %dma_start3A_55] : memref<64x128xf32, #tpu.memory_space<vmem_shared>> -> memref<4x128xf32, #tpu.memory_space<vmem_shared>>
    %dma_start3A_57 = arith.constant 0 : i32
    %dma_start3A_58 = tpu.memref_slice %arg3[%mul3A_54, %dma_start3A_57] : memref<64x128xf32, #tpu.memory_space<hbm>> -> memref<4x128xf32, #tpu.memory_space<hbm>>
    tpu.enqueue_dma source(%dma_start3A_58 : memref<4x128xf32, #tpu.memory_space<hbm>>) target(%dma_start3A_56 : memref<4x128xf32, #tpu.memory_space<vmem_shared>>) target_semaphore(%arg17 : memref<!tpu.dma_semaphore, #tpu.memory_space<semaphore_mem>>)
    %mul3A_59 = arith.constant 32 : i32
    %mul3A_60 = arith.muli %arg1, %mul3A_59 : i32
    %dma_start3A_61 = arith.constant 0 : i32
    %dma_start3A_62 = tpu.memref_slice %arg16[%mul3A_60, %dma_start3A_61] : memref<512x128xf32, #tpu.memory_space<vmem_shared>> -> memref<32x128xf32, #tpu.memory_space<vmem_shared>>
    %dma_start3A_63 = arith.constant 0 : i32
    %dma_start3A_64 = tpu.memref_slice %arg4[%mul3A_60, %dma_start3A_63] : memref<512x128xf32, #tpu.memory_space<hbm>> -> memref<32x128xf32, #tpu.memory_space<hbm>>
    tpu.enqueue_dma source(%dma_start3A_64 : memref<32x128xf32, #tpu.memory_space<hbm>>) target(%dma_start3A_62 : memref<32x128xf32, #tpu.memory_space<vmem_shared>>) target_semaphore(%arg17 : memref<!tpu.dma_semaphore, #tpu.memory_space<semaphore_mem>>)
    %dma_wait3A = arith.constant 0 : i32
    %dma_wait3A_65 = arith.constant 0 : i32
    %dma_wait3A_66 = tpu.memref_slice %arg11[%dma_wait3A, %dma_wait3A_65] : memref<5x512xi32, #tpu.memory_space<vmem>> -> memref<1x512xi32, #tpu.memory_space<vmem>>
    %dma_wait3A_67 = tpu.memref_squeeze %dma_wait3A_66 : memref<1x512xi32, #tpu.memory_space<vmem>> -> memref<512xi32, #tpu.memory_space<vmem>>
    %dma_wait3A_68 = tpu.memref_slice %arg5[%mul3A_2] : memref<16384xi32, #tpu.memory_space<hbm>> -> memref<512xi32, #tpu.memory_space<hbm>>
    %dma_wait3A_69 = arith.constant 0 : i32
    %dma_wait3A_70 = tpu.memref_slice %arg11[%dma_wait3A, %dma_wait3A_69] : memref<5x512xi32, #tpu.memory_space<vmem>> -> memref<1x512xi32, #tpu.memory_space<vmem>>
    %dma_wait3A_71 = tpu.memref_squeeze %dma_wait3A_70 : memref<1x512xi32, #tpu.memory_space<vmem>> -> memref<512xi32, #tpu.memory_space<vmem>>
    %dma_wait3A_72 = tpu.memref_slice %arg5[%mul3A_2] : memref<16384xi32, #tpu.memory_space<hbm>> -> memref<512xi32, #tpu.memory_space<hbm>>
    tpu.wait_dma2 semaphore(%arg17 : memref<!tpu.dma_semaphore, #tpu.memory_space<semaphore_mem>>) src(%dma_wait3A_72 : memref<512xi32, #tpu.memory_space<hbm>>) dst(%dma_wait3A_71 : memref<512xi32, #tpu.memory_space<vmem>>)
    %dma_wait3A_73 = arith.constant 1 : i32
    %dma_wait3A_74 = arith.constant 0 : i32
    %dma_wait3A_75 = tpu.memref_slice %arg11[%dma_wait3A_73, %dma_wait3A_74] : memref<5x512xi32, #tpu.memory_space<vmem>> -> memref<1x512xi32, #tpu.memory_space<vmem>>
    %dma_wait3A_76 = tpu.memref_squeeze %dma_wait3A_75 : memref<1x512xi32, #tpu.memory_space<vmem>> -> memref<512xi32, #tpu.memory_space<vmem>>
    %dma_wait3A_77 = tpu.memref_slice %arg6[%mul3A_2] : memref<16384xi32, #tpu.memory_space<hbm>> -> memref<512xi32, #tpu.memory_space<hbm>>
    %dma_wait3A_78 = arith.constant 0 : i32
    %dma_wait3A_79 = tpu.memref_slice %arg11[%dma_wait3A_73, %dma_wait3A_78] : memref<5x512xi32, #tpu.memory_space<vmem>> -> memref<1x512xi32, #tpu.memory_space<vmem>>
    %dma_wait3A_80 = tpu.memref_squeeze %dma_wait3A_79 : memref<1x512xi32, #tpu.memory_space<vmem>> -> memref<512xi32, #tpu.memory_space<vmem>>
    %dma_wait3A_81 = tpu.memref_slice %arg6[%mul3A_2] : memref<16384xi32, #tpu.memory_space<hbm>> -> memref<512xi32, #tpu.memory_space<hbm>>
    tpu.wait_dma2 semaphore(%arg17 : memref<!tpu.dma_semaphore, #tpu.memory_space<semaphore_mem>>) src(%dma_wait3A_81 : memref<512xi32, #tpu.memory_space<hbm>>) dst(%dma_wait3A_80 : memref<512xi32, #tpu.memory_space<vmem>>)
    %dma_wait3A_82 = arith.constant 2 : i32
    %dma_wait3A_83 = arith.constant 0 : i32
    %dma_wait3A_84 = tpu.memref_slice %arg11[%dma_wait3A_82, %dma_wait3A_83] : memref<5x512xi32, #tpu.memory_space<vmem>> -> memref<1x512xi32, #tpu.memory_space<vmem>>
    %dma_wait3A_85 = tpu.memref_squeeze %dma_wait3A_84 : memref<1x512xi32, #tpu.memory_space<vmem>> -> memref<512xi32, #tpu.memory_space<vmem>>
    %dma_wait3A_86 = tpu.memref_slice %arg7[%mul3A_2] : memref<16384xi32, #tpu.memory_space<hbm>> -> memref<512xi32, #tpu.memory_space<hbm>>
    %dma_wait3A_87 = arith.constant 0 : i32
    %dma_wait3A_88 = tpu.memref_slice %arg11[%dma_wait3A_82, %dma_wait3A_87] : memref<5x512xi32, #tpu.memory_space<vmem>> -> memref<1x512xi32, #tpu.memory_space<vmem>>
    %dma_wait3A_89 = tpu.memref_squeeze %dma_wait3A_88 : memref<1x512xi32, #tpu.memory_space<vmem>> -> memref<512xi32, #tpu.memory_space<vmem>>
    %dma_wait3A_90 = tpu.memref_slice %arg7[%mul3A_2] : memref<16384xi32, #tpu.memory_space<hbm>> -> memref<512xi32, #tpu.memory_space<hbm>>
    tpu.wait_dma2 semaphore(%arg17 : memref<!tpu.dma_semaphore, #tpu.memory_space<semaphore_mem>>) src(%dma_wait3A_90 : memref<512xi32, #tpu.memory_space<hbm>>) dst(%dma_wait3A_89 : memref<512xi32, #tpu.memory_space<vmem>>)
    %dma_wait3A_91 = arith.constant 3 : i32
    %dma_wait3A_92 = arith.constant 0 : i32
    %dma_wait3A_93 = tpu.memref_slice %arg11[%dma_wait3A_91, %dma_wait3A_92] : memref<5x512xi32, #tpu.memory_space<vmem>> -> memref<1x512xi32, #tpu.memory_space<vmem>>
    %dma_wait3A_94 = tpu.memref_squeeze %dma_wait3A_93 : memref<1x512xi32, #tpu.memory_space<vmem>> -> memref<512xi32, #tpu.memory_space<vmem>>
    %dma_wait3A_95 = tpu.memref_slice %arg8[%mul3A_2] : memref<16384xi32, #tpu.memory_space<hbm>> -> memref<512xi32, #tpu.memory_space<hbm>>
    %dma_wait3A_96 = arith.constant 0 : i32
    %dma_wait3A_97 = tpu.memref_slice %arg11[%dma_wait3A_91, %dma_wait3A_96] : memref<5x512xi32, #tpu.memory_space<vmem>> -> memref<1x512xi32, #tpu.memory_space<vmem>>
    %dma_wait3A_98 = tpu.memref_squeeze %dma_wait3A_97 : memref<1x512xi32, #tpu.memory_space<vmem>> -> memref<512xi32, #tpu.memory_space<vmem>>
    %dma_wait3A_99 = tpu.memref_slice %arg8[%mul3A_2] : memref<16384xi32, #tpu.memory_space<hbm>> -> memref<512xi32, #tpu.memory_space<hbm>>
    tpu.wait_dma2 semaphore(%arg17 : memref<!tpu.dma_semaphore, #tpu.memory_space<semaphore_mem>>) src(%dma_wait3A_99 : memref<512xi32, #tpu.memory_space<hbm>>) dst(%dma_wait3A_98 : memref<512xi32, #tpu.memory_space<vmem>>)
    %dma_wait3A_100 = arith.constant 4 : i32
    %dma_wait3A_101 = arith.constant 0 : i32
    %dma_wait3A_102 = tpu.memref_slice %arg11[%dma_wait3A_100, %dma_wait3A_101] : memref<5x512xi32, #tpu.memory_space<vmem>> -> memref<1x512xi32, #tpu.memory_space<vmem>>
    %dma_wait3A_103 = tpu.memref_squeeze %dma_wait3A_102 : memref<1x512xi32, #tpu.memory_space<vmem>> -> memref<512xi32, #tpu.memory_space<vmem>>
    %dma_wait3A_104 = tpu.memref_slice %arg9[%mul3A_2] : memref<16384xi32, #tpu.memory_space<hbm>> -> memref<512xi32, #tpu.memory_space<hbm>>
    %dma_wait3A_105 = arith.constant 0 : i32
    %dma_wait3A_106 = tpu.memref_slice %arg11[%dma_wait3A_100, %dma_wait3A_105] : memref<5x512xi32, #tpu.memory_space<vmem>> -> memref<1x512xi32, #tpu.memory_space<vmem>>
    %dma_wait3A_107 = tpu.memref_squeeze %dma_wait3A_106 : memref<1x512xi32, #tpu.memory_space<vmem>> -> memref<512xi32, #tpu.memory_space<vmem>>
    %dma_wait3A_108 = tpu.memref_slice %arg9[%mul3A_2] : memref<16384xi32, #tpu.memory_space<hbm>> -> memref<512xi32, #tpu.memory_space<hbm>>
    tpu.wait_dma2 semaphore(%arg17 : memref<!tpu.dma_semaphore, #tpu.memory_space<semaphore_mem>>) src(%dma_wait3A_108 : memref<512xi32, #tpu.memory_space<hbm>>) dst(%dma_wait3A_107 : memref<512xi32, #tpu.memory_space<vmem>>)
    %dma_wait3A_109 = arith.constant 0 : i32
    %dma_wait3A_110 = tpu.memref_slice %arg14[%mul3A_48, %dma_wait3A_109] : memref<1024x128xf32, #tpu.memory_space<vmem_shared>> -> memref<64x128xf32, #tpu.memory_space<vmem_shared>>
    %dma_wait3A_111 = arith.constant 0 : i32
    %dma_wait3A_112 = tpu.memref_slice %arg2[%mul3A_48, %dma_wait3A_111] : memref<1024x128xf32, #tpu.memory_space<hbm>> -> memref<64x128xf32, #tpu.memory_space<hbm>>
    tpu.wait_dma2 semaphore(%arg17 : memref<!tpu.dma_semaphore, #tpu.memory_space<semaphore_mem>>) src(%dma_wait3A_112 : memref<64x128xf32, #tpu.memory_space<hbm>>) dst(%dma_wait3A_110 : memref<64x128xf32, #tpu.memory_space<vmem_shared>>)
    %dma_wait3A_113 = arith.constant 0 : i32
    %dma_wait3A_114 = tpu.memref_slice %arg15[%mul3A_54, %dma_wait3A_113] : memref<64x128xf32, #tpu.memory_space<vmem_shared>> -> memref<4x128xf32, #tpu.memory_space<vmem_shared>>
    %dma_wait3A_115 = arith.constant 0 : i32
    %dma_wait3A_116 = tpu.memref_slice %arg3[%mul3A_54, %dma_wait3A_115] : memref<64x128xf32, #tpu.memory_space<hbm>> -> memref<4x128xf32, #tpu.memory_space<hbm>>
    tpu.wait_dma2 semaphore(%arg17 : memref<!tpu.dma_semaphore, #tpu.memory_space<semaphore_mem>>) src(%dma_wait3A_116 : memref<4x128xf32, #tpu.memory_space<hbm>>) dst(%dma_wait3A_114 : memref<4x128xf32, #tpu.memory_space<vmem_shared>>)
    %dma_wait3A_117 = arith.constant 0 : i32
    %dma_wait3A_118 = tpu.memref_slice %arg16[%mul3A_60, %dma_wait3A_117] : memref<512x128xf32, #tpu.memory_space<vmem_shared>> -> memref<32x128xf32, #tpu.memory_space<vmem_shared>>
    %dma_wait3A_119 = arith.constant 0 : i32
    %dma_wait3A_120 = tpu.memref_slice %arg4[%mul3A_60, %dma_wait3A_119] : memref<512x128xf32, #tpu.memory_space<hbm>> -> memref<32x128xf32, #tpu.memory_space<hbm>>
    tpu.wait_dma2 semaphore(%arg17 : memref<!tpu.dma_semaphore, #tpu.memory_space<semaphore_mem>>) src(%dma_wait3A_120 : memref<32x128xf32, #tpu.memory_space<hbm>>) dst(%dma_wait3A_118 : memref<32x128xf32, #tpu.memory_space<vmem_shared>>)
    %barrier3A = arith.constant 0 : index
    tpu.barrier barrier_id(%barrier3A)
    %get3A = arith.constant 0 : i32
    %get3A_121 = arith.index_cast %get3A : i32 to index
    %get3A_122 = arith.constant 0 : index
    %get3A_123 = tpu.vector_load %arg11[%get3A_121, %get3A_122] {strides = array<i32>} : memref<5x512xi32, #tpu.memory_space<vmem>>, vector<1x16xi32>,
    %get3A_124 = vector.shape_cast %get3A_123 : vector<1x16xi32> to vector<16xi32>
    %mul3A_125 = arith.constant 32 : i32
    %mul3A_126 = vector.broadcast %mul3A_125 : i32 to vector<16xi32>
    %mul3A_127 = arith.muli %get3A_124, %mul3A_126 : vector<16xi32>
    %get3A_128 = arith.constant 1 : i32
    %get3A_129 = arith.index_cast %get3A_128 : i32 to index
    %get3A_130 = arith.constant 0 : index
    %get3A_131 = tpu.vector_load %arg11[%get3A_129, %get3A_130] {strides = array<i32>} : memref<5x512xi32, #tpu.memory_space<vmem>>, vector<1x16xi32>,
    %get3A_132 = vector.shape_cast %get3A_131 : vector<1x16xi32> to vector<16xi32>
    %mul3A_133 = arith.constant 4 : i32
    %mul3A_134 = vector.broadcast %mul3A_133 : i32 to vector<16xi32>
    %mul3A_135 = arith.muli %get3A_132, %mul3A_134 : vector<16xi32>
    %add3A_136 = arith.addi %mul3A_127, %mul3A_135 : vector<16xi32>
    %get3A_137 = arith.constant 2 : i32
    %get3A_138 = arith.index_cast %get3A_137 : i32 to index
    %get3A_139 = arith.constant 0 : index
    %get3A_140 = tpu.vector_load %arg11[%get3A_138, %get3A_139] {strides = array<i32>} : memref<5x512xi32, #tpu.memory_space<vmem>>, vector<1x16xi32>,
    %get3A_141 = vector.shape_cast %get3A_140 : vector<1x16xi32> to vector<16xi32>
    %add3A_142 = arith.addi %add3A_136, %get3A_141 : vector<16xi32>
    %swap3A = arith.constant 0 : i32
    %swap3A_143 = arith.index_cast %swap3A : i32 to index
    %swap3A_144 = arith.constant 0 : index
    %swap3A_145 = tpu.vector_load %arg12[%swap3A_143, %swap3A_144] {strides = array<i32>} : memref<2x128xi32, #tpu.memory_space<vmem>>, vector<1x16xi32>,
    %swap3A_146 = vector.shape_cast %swap3A_145 : vector<1x16xi32> to vector<16xi32>
    %swap3A_147 = vector.shape_cast %add3A_142 : vector<16xi32> to vector<1x16xi32>
    tpu.vector_store %arg12[%swap3A_143, %swap3A_144], %swap3A_147 {strides = array<i32>} : memref<2x128xi32, #tpu.memory_space<vmem>>, vector<1x16xi32>,
    %get3A_148 = arith.constant 0 : i32
    %get3A_149 = arith.index_cast %get3A_148 : i32 to index
    %get3A_150 = arith.constant 16 : index
    %get3A_151 = tpu.vector_load %arg11[%get3A_149, %get3A_150] {strides = array<i32>} : memref<5x512xi32, #tpu.memory_space<vmem>>, vector<1x16xi32>,
    %get3A_152 = vector.shape_cast %get3A_151 : vector<1x16xi32> to vector<16xi32>
    %mul3A_153 = arith.constant 32 : i32
    %mul3A_154 = vector.broadcast %mul3A_153 : i32 to vector<16xi32>
    %mul3A_155 = arith.muli %get3A_152, %mul3A_154 : vector<16xi32>
    %get3A_156 = arith.constant 1 : i32
    %get3A_157 = arith.index_cast %get3A_156 : i32 to index
    %get3A_158 = arith.constant 16 : index
    %get3A_159 = tpu.vector_load %arg11[%get3A_157, %get3A_158] {strides = array<i32>} : memref<5x512xi32, #tpu.memory_space<vmem>>, vector<1x16xi32>,
    %get3A_160 = vector.shape_cast %get3A_159 : vector<1x16xi32> to vector<16xi32>
    %mul3A_161 = arith.constant 4 : i32
    %mul3A_162 = vector.broadcast %mul3A_161 : i32 to vector<16xi32>
    %mul3A_163 = arith.muli %get3A_160, %mul3A_162 : vector<16xi32>
    %add3A_164 = arith.addi %mul3A_155, %mul3A_163 : vector<16xi32>
    %get3A_165 = arith.constant 2 : i32
    %get3A_166 = arith.index_cast %get3A_165 : i32 to index
    %get3A_167 = arith.constant 16 : index
    %get3A_168 = tpu.vector_load %arg11[%get3A_166, %get3A_167] {strides = array<i32>} : memref<5x512xi32, #tpu.memory_space<vmem>>, vector<1x16xi32>,
    %get3A_169 = vector.shape_cast %get3A_168 : vector<1x16xi32> to vector<16xi32>
    %add3A_170 = arith.addi %add3A_164, %get3A_169 : vector<16xi32>
    %swap3A_171 = arith.constant 0 : i32
    %swap3A_172 = arith.index_cast %swap3A_171 : i32 to index
    %swap3A_173 = arith.constant 16 : index
    %swap3A_174 = tpu.vector_load %arg12[%swap3A_172, %swap3A_173] {strides = array<i32>} : memref<2x128xi32, #tpu.memory_space<vmem>>, vector<1x16xi32>,
    %swap3A_175 = vector.shape_cast %swap3A_174 : vector<1x16xi32> to vector<16xi32>
    %swap3A_176 = vector.shape_cast %add3A_170 : vector<16xi32> to vector<1x16xi32>
    tpu.vector_store %arg12[%swap3A_172, %swap3A_173], %swap3A_176 {strides = array<i32>} : memref<2x128xi32, #tpu.memory_space<vmem>>, vector<1x16xi32>,
    %get3A_177 = arith.constant 0 : i32
    %get3A_178 = arith.index_cast %get3A_177 : i32 to index
    %get3A_179 = arith.constant 32 : index
    %get3A_180 = tpu.vector_load %arg11[%get3A_178, %get3A_179] {strides = array<i32>} : memref<5x512xi32, #tpu.memory_space<vmem>>, vector<1x16xi32>,
    %get3A_181 = vector.shape_cast %get3A_180 : vector<1x16xi32> to vector<16xi32>
    %mul3A_182 = arith.constant 32 : i32
    %mul3A_183 = vector.broadcast %mul3A_182 : i32 to vector<16xi32>
    %mul3A_184 = arith.muli %get3A_181, %mul3A_183 : vector<16xi32>
    %get3A_185 = arith.constant 1 : i32
    %get3A_186 = arith.index_cast %get3A_185 : i32 to index
    %get3A_187 = arith.constant 32 : index
    %get3A_188 = tpu.vector_load %arg11[%get3A_186, %get3A_187] {strides = array<i32>} : memref<5x512xi32, #tpu.memory_space<vmem>>, vector<1x16xi32>,
    %get3A_189 = vector.shape_cast %get3A_188 : vector<1x16xi32> to vector<16xi32>
    %mul3A_190 = arith.constant 4 : i32
    %mul3A_191 = vector.broadcast %mul3A_190 : i32 to vector<16xi32>
    %mul3A_192 = arith.muli %get3A_189, %mul3A_191 : vector<16xi32>
    %add3A_193 = arith.addi %mul3A_184, %mul3A_192 : vector<16xi32>
    %get3A_194 = arith.constant 2 : i32
    %get3A_195 = arith.index_cast %get3A_194 : i32 to index
    %get3A_196 = arith.constant 32 : index
    %get3A_197 = tpu.vector_load %arg11[%get3A_195, %get3A_196] {strides = array<i32>} : memref<5x512xi32, #tpu.memory_space<vmem>>, vector<1x16xi32>,
    %get3A_198 = vector.shape_cast %get3A_197 : vector<1x16xi32> to vector<16xi32>
    %add3A_199 = arith.addi %add3A_193, %get3A_198 : vector<16xi32>
    %swap3A_200 = arith.constant 0 : i32
    %swap3A_201 = arith.index_cast %swap3A_200 : i32 to index
    %swap3A_202 = arith.constant 32 : index
    %swap3A_203 = tpu.vector_load %arg12[%swap3A_201, %swap3A_202] {strides = array<i32>} : memref<2x128xi32, #tpu.memory_space<vmem>>, vector<1x16xi32>,
    %swap3A_204 = vector.shape_cast %swap3A_203 : vector<1x16xi32> to vector<16xi32>
    %swap3A_205 = vector.shape_cast %add3A_199 : vector<16xi32> to vector<1x16xi32>
    tpu.vector_store %arg12[%swap3A_201, %swap3A_202], %swap3A_205 {strides = array<i32>} : memref<2x128xi32, #tpu.memory_space<vmem>>, vector<1x16xi32>,
    %get3A_206 = arith.constant 0 : i32
    %get3A_207 = arith.index_cast %get3A_206 : i32 to index
    %get3A_208 = arith.constant 48 : index
    %get3A_209 = tpu.vector_load %arg11[%get3A_207, %get3A_208] {strides = array<i32>} : memref<5x512xi32, #tpu.memory_space<vmem>>, vector<1x16xi32>,
    %get3A_210 = vector.shape_cast %get3A_209 : vector<1x16xi32> to vector<16xi32>
    %mul3A_211 = arith.constant 32 : i32
    %mul3A_212 = vector.broadcast %mul3A_211 : i32 to vector<16xi32>
    %mul3A_213 = arith.muli %get3A_210, %mul3A_212 : vector<16xi32>
    %get3A_214 = arith.constant 1 : i32
    %get3A_215 = arith.index_cast %get3A_214 : i32 to index
    %get3A_216 = arith.constant 48 : index
    %get3A_217 = tpu.vector_load %arg11[%get3A_215, %get3A_216] {strides = array<i32>} : memref<5x512xi32, #tpu.memory_space<vmem>>, vector<1x16xi32>,
    %get3A_218 = vector.shape_cast %get3A_217 : vector<1x16xi32> to vector<16xi32>
    %mul3A_219 = arith.constant 4 : i32
    %mul3A_220 = vector.broadcast %mul3A_219 : i32 to vector<16xi32>
    %mul3A_221 = arith.muli %get3A_218, %mul3A_220 : vector<16xi32>
    %add3A_222 = arith.addi %mul3A_213, %mul3A_221 : vector<16xi32>
    %get3A_223 = arith.constant 2 : i32
    %get3A_224 = arith.index_cast %get3A_223 : i32 to index
    %get3A_225 = arith.constant 48 : index
    %get3A_226 = tpu.vector_load %arg11[%get3A_224, %get3A_225] {strides = array<i32>} : memref<5x512xi32, #tpu.memory_space<vmem>>, vector<1x16xi32>,
    %get3A_227 = vector.shape_cast %get3A_226 : vector<1x16xi32> to vector<16xi32>
    %add3A_228 = arith.addi %add3A_222, %get3A_227 : vector<16xi32>
    %swap3A_229 = arith.constant 0 : i32
    %swap3A_230 = arith.index_cast %swap3A_229 : i32 to index
    %swap3A_231 = arith.constant 48 : index
    %swap3A_232 = tpu.vector_load %arg12[%swap3A_230, %swap3A_231] {strides = array<i32>} : memref<2x128xi32, #tpu.memory_space<vmem>>, vector<1x16xi32>,
    %swap3A_233 = vector.shape_cast %swap3A_232 : vector<1x16xi32> to vector<16xi32>
    %swap3A_234 = vector.shape_cast %add3A_228 : vector<16xi32> to vector<1x16xi32>
    tpu.vector_store %arg12[%swap3A_230, %swap3A_231], %swap3A_234 {strides = array<i32>} : memref<2x128xi32, #tpu.memory_space<vmem>>, vector<1x16xi32>,
    %get3A_235 = arith.constant 0 : i32
    %get3A_236 = arith.index_cast %get3A_235 : i32 to index
    %get3A_237 = arith.constant 64 : index
    %get3A_238 = tpu.vector_load %arg11[%get3A_236, %get3A_237] {strides = array<i32>} : memref<5x512xi32, #tpu.memory_space<vmem>>, vector<1x16xi32>,
    %get3A_239 = vector.shape_cast %get3A_238 : vector<1x16xi32> to vector<16xi32>
    %mul3A_240 = arith.constant 32 : i32
    %mul3A_241 = vector.broadcast %mul3A_240 : i32 to vector<16xi32>
    %mul3A_242 = arith.muli %get3A_239, %mul3A_241 : vector<16xi32>
    %get3A_243 = arith.constant 1 : i32
    %get3A_244 = arith.index_cast %get3A_243 : i32 to index
    %get3A_245 = arith.constant 64 : index
    %get3A_246 = tpu.vector_load %arg11[%get3A_244, %get3A_245] {strides = array<i32>} : memref<5x512xi32, #tpu.memory_space<vmem>>, vector<1x16xi32>,
    %get3A_247 = vector.shape_cast %get3A_246 : vector<1x16xi32> to vector<16xi32>
    %mul3A_248 = arith.constant 4 : i32
    %mul3A_249 = vector.broadcast %mul3A_248 : i32 to vector<16xi32>
    %mul3A_250 = arith.muli %get3A_247, %mul3A_249 : vector<16xi32>
    %add3A_251 = arith.addi %mul3A_242, %mul3A_250 : vector<16xi32>
    %get3A_252 = arith.constant 2 : i32
    %get3A_253 = arith.index_cast %get3A_252 : i32 to index
    %get3A_254 = arith.constant 64 : index
    %get3A_255 = tpu.vector_load %arg11[%get3A_253, %get3A_254] {strides = array<i32>} : memref<5x512xi32, #tpu.memory_space<vmem>>, vector<1x16xi32>,
    %get3A_256 = vector.shape_cast %get3A_255 : vector<1x16xi32> to vector<16xi32>
    %add3A_257 = arith.addi %add3A_251, %get3A_256 : vector<16xi32>
    %swap3A_258 = arith.constant 0 : i32
    %swap3A_259 = arith.index_cast %swap3A_258 : i32 to index
    %swap3A_260 = arith.constant 64 : index
    %swap3A_261 = tpu.vector_load %arg12[%swap3A_259, %swap3A_260] {strides = array<i32>} : memref<2x128xi32, #tpu.memory_space<vmem>>, vector<1x16xi32>,
    %swap3A_262 = vector.shape_cast %swap3A_261 : vector<1x16xi32> to vector<16xi32>
    %swap3A_263 = vector.shape_cast %add3A_257 : vector<16xi32> to vector<1x16xi32>
    tpu.vector_store %arg12[%swap3A_259, %swap3A_260], %swap3A_263 {strides = array<i32>} : memref<2x128xi32, #tpu.memory_space<vmem>>, vector<1x16xi32>,
    %get3A_264 = arith.constant 0 : i32
    %get3A_265 = arith.index_cast %get3A_264 : i32 to index
    %get3A_266 = arith.constant 80 : index
    %get3A_267 = tpu.vector_load %arg11[%get3A_265, %get3A_266] {strides = array<i32>} : memref<5x512xi32, #tpu.memory_space<vmem>>, vector<1x16xi32>,
    %get3A_268 = vector.shape_cast %get3A_267 : vector<1x16xi32> to vector<16xi32>
    %mul3A_269 = arith.constant 32 : i32
    %mul3A_270 = vector.broadcast %mul3A_269 : i32 to vector<16xi32>
    %mul3A_271 = arith.muli %get3A_268, %mul3A_270 : vector<16xi32>
    %get3A_272 = arith.constant 1 : i32
    %get3A_273 = arith.index_cast %get3A_272 : i32 to index
    %get3A_274 = arith.constant 80 : index
    %get3A_275 = tpu.vector_load %arg11[%get3A_273, %get3A_274] {strides = array<i32>} : memref<5x512xi32, #tpu.memory_space<vmem>>, vector<1x16xi32>,
    %get3A_276 = vector.shape_cast %get3A_275 : vector<1x16xi32> to vector<16xi32>
    %mul3A_277 = arith.constant 4 : i32
    %mul3A_278 = vector.broadcast %mul3A_277 : i32 to vector<16xi32>
    %mul3A_279 = arith.muli %get3A_276, %mul3A_278 : vector<16xi32>
    %add3A_280 = arith.addi %mul3A_271, %mul3A_279 : vector<16xi32>
    %get3A_281 = arith.constant 2 : i32
    %get3A_282 = arith.index_cast %get3A_281 : i32 to index
    %get3A_283 = arith.constant 80 : index
    %get3A_284 = tpu.vector_load %arg11[%get3A_282, %get3A_283] {strides = array<i32>} : memref<5x512xi32, #tpu.memory_space<vmem>>, vector<1x16xi32>,
    %get3A_285 = vector.shape_cast %get3A_284 : vector<1x16xi32> to vector<16xi32>
    %add3A_286 = arith.addi %add3A_280, %get3A_285 : vector<16xi32>
    %swap3A_287 = arith.constant 0 : i32
    %swap3A_288 = arith.index_cast %swap3A_287 : i32 to index
    %swap3A_289 = arith.constant 80 : index
    %swap3A_290 = tpu.vector_load %arg12[%swap3A_288, %swap3A_289] {strides = array<i32>} : memref<2x128xi32, #tpu.memory_space<vmem>>, vector<1x16xi32>,
    %swap3A_291 = vector.shape_cast %swap3A_290 : vector<1x16xi32> to vector<16xi32>
    %swap3A_292 = vector.shape_cast %add3A_286 : vector<16xi32> to vector<1x16xi32>
    tpu.vector_store %arg12[%swap3A_288, %swap3A_289], %swap3A_292 {strides = array<i32>} : memref<2x128xi32, #tpu.memory_space<vmem>>, vector<1x16xi32>,
    %get3A_293 = arith.constant 0 : i32
    %get3A_294 = arith.index_cast %get3A_293 : i32 to index
    %get3A_295 = arith.constant 96 : index
    %get3A_296 = tpu.vector_load %arg11[%get3A_294, %get3A_295] {strides = array<i32>} : memref<5x512xi32, #tpu.memory_space<vmem>>, vector<1x16xi32>,
    %get3A_297 = vector.shape_cast %get3A_296 : vector<1x16xi32> to vector<16xi32>
    %mul3A_298 = arith.constant 32 : i32
    %mul3A_299 = vector.broadcast %mul3A_298 : i32 to vector<16xi32>
    %mul3A_300 = arith.muli %get3A_297, %mul3A_299 : vector<16xi32>
    %get3A_301 = arith.constant 1 : i32
    %get3A_302 = arith.index_cast %get3A_301 : i32 to index
    %get3A_303 = arith.constant 96 : index
    %get3A_304 = tpu.vector_load %arg11[%get3A_302, %get3A_303] {strides = array<i32>} : memref<5x512xi32, #tpu.memory_space<vmem>>, vector<1x16xi32>,
    %get3A_305 = vector.shape_cast %get3A_304 : vector<1x16xi32> to vector<16xi32>
    %mul3A_306 = arith.constant 4 : i32
    %mul3A_307 = vector.broadcast %mul3A_306 : i32 to vector<16xi32>
    %mul3A_308 = arith.muli %get3A_305, %mul3A_307 : vector<16xi32>
    %add3A_309 = arith.addi %mul3A_300, %mul3A_308 : vector<16xi32>
    %get3A_310 = arith.constant 2 : i32
    %get3A_311 = arith.index_cast %get3A_310 : i32 to index
    %get3A_312 = arith.constant 96 : index
    %get3A_313 = tpu.vector_load %arg11[%get3A_311, %get3A_312] {strides = array<i32>} : memref<5x512xi32, #tpu.memory_space<vmem>>, vector<1x16xi32>,
    %get3A_314 = vector.shape_cast %get3A_313 : vector<1x16xi32> to vector<16xi32>
    %add3A_315 = arith.addi %add3A_309, %get3A_314 : vector<16xi32>
    %swap3A_316 = arith.constant 0 : i32
    %swap3A_317 = arith.index_cast %swap3A_316 : i32 to index
    %swap3A_318 = arith.constant 96 : index
    %swap3A_319 = tpu.vector_load %arg12[%swap3A_317, %swap3A_318] {strides = array<i32>} : memref<2x128xi32, #tpu.memory_space<vmem>>, vector<1x16xi32>,
    %swap3A_320 = vector.shape_cast %swap3A_319 : vector<1x16xi32> to vector<16xi32>
    %swap3A_321 = vector.shape_cast %add3A_315 : vector<16xi32> to vector<1x16xi32>
    tpu.vector_store %arg12[%swap3A_317, %swap3A_318], %swap3A_321 {strides = array<i32>} : memref<2x128xi32, #tpu.memory_space<vmem>>, vector<1x16xi32>,
    %get3A_322 = arith.constant 0 : i32
    %get3A_323 = arith.index_cast %get3A_322 : i32 to index
    %get3A_324 = arith.constant 112 : index
    %get3A_325 = tpu.vector_load %arg11[%get3A_323, %get3A_324] {strides = array<i32>} : memref<5x512xi32, #tpu.memory_space<vmem>>, vector<1x16xi32>,
    %get3A_326 = vector.shape_cast %get3A_325 : vector<1x16xi32> to vector<16xi32>
    %mul3A_327 = arith.constant 32 : i32
    %mul3A_328 = vector.broadcast %mul3A_327 : i32 to vector<16xi32>
    %mul3A_329 = arith.muli %get3A_326, %mul3A_328 : vector<16xi32>
    %get3A_330 = arith.constant 1 : i32
    %get3A_331 = arith.index_cast %get3A_330 : i32 to index
    %get3A_332 = arith.constant 112 : index
    %get3A_333 = tpu.vector_load %arg11[%get3A_331, %get3A_332] {strides = array<i32>} : memref<5x512xi32, #tpu.memory_space<vmem>>, vector<1x16xi32>,
    %get3A_334 = vector.shape_cast %get3A_333 : vector<1x16xi32> to vector<16xi32>
    %mul3A_335 = arith.constant 4 : i32
    %mul3A_336 = vector.broadcast %mul3A_335 : i32 to vector<16xi32>
    %mul3A_337 = arith.muli %get3A_334, %mul3A_336 : vector<16xi32>
    %add3A_338 = arith.addi %mul3A_329, %mul3A_337 : vector<16xi32>
    %get3A_339 = arith.constant 2 : i32
    %get3A_340 = arith.index_cast %get3A_339 : i32 to index
    %get3A_341 = arith.constant 112 : index
    %get3A_342 = tpu.vector_load %arg11[%get3A_340, %get3A_341] {strides = array<i32>} : memref<5x512xi32, #tpu.memory_space<vmem>>, vector<1x16xi32>,
    %get3A_343 = vector.shape_cast %get3A_342 : vector<1x16xi32> to vector<16xi32>
    %add3A_344 = arith.addi %add3A_338, %get3A_343 : vector<16xi32>
    %swap3A_345 = arith.constant 0 : i32
    %swap3A_346 = arith.index_cast %swap3A_345 : i32 to index
    %swap3A_347 = arith.constant 112 : index
    %swap3A_348 = tpu.vector_load %arg12[%swap3A_346, %swap3A_347] {strides = array<i32>} : memref<2x128xi32, #tpu.memory_space<vmem>>, vector<1x16xi32>,
    %swap3A_349 = vector.shape_cast %swap3A_348 : vector<1x16xi32> to vector<16xi32>
    %swap3A_350 = vector.shape_cast %add3A_344 : vector<16xi32> to vector<1x16xi32>
    tpu.vector_store %arg12[%swap3A_346, %swap3A_347], %swap3A_350 {strides = array<i32>} : memref<2x128xi32, #tpu.memory_space<vmem>>, vector<1x16xi32>,
    %dma_start3A_351 = arith.constant 0 : i32
    %dma_start3A_352 = arith.constant 0 : i32
    %dma_start3A_353 = arith.constant 0 : i32
    %dma_start3A_354 = arith.constant 0 : i32
    %dma_start3A_355 = arith.constant 0 : i32
    %dma_start3A_356 = tpu.memref_slice %arg13[%dma_start3A_352, %dma_start3A_353, %dma_start3A_354, %dma_start3A_355] : memref<2x3x128x128xf32, #tpu.memory_space<vmem>> -> memref<1x1x128x128xf32, #tpu.memory_space<vmem>>
    %dma_start3A_357 = tpu.memref_squeeze %dma_start3A_356 : memref<1x1x128x128xf32, #tpu.memory_space<vmem>> -> memref<128x128xf32, #tpu.memory_space<vmem>>
    %dma_start3A_358 = arith.constant 0 : i32
    %dma_start3A_359 = tpu.memref_slice %arg12[%dma_start3A_351, %dma_start3A_358] : memref<2x128xi32, #tpu.memory_space<vmem>> -> memref<1x128xi32, #tpu.memory_space<vmem>>
    %dma_start3A_360 = tpu.memref_squeeze %dma_start3A_359 : memref<1x128xi32, #tpu.memory_space<vmem>> -> memref<128xi32, #tpu.memory_space<vmem>>
    %dma_start3A_361 = arith.constant 0 : i32
    %dma_start3A_362 = arith.constant 0 : i32
    %dma_start3A_363 = tpu.memref_slice %arg14[%dma_start3A_361, %dma_start3A_362] : memref<1024x128xf32, #tpu.memory_space<vmem_shared>> -> memref<1024x128xf32, #tpu.memory_space<vmem_shared>>
    tpu.enqueue_indirect_dma source(%dma_start3A_363 : memref<1024x128xf32, #tpu.memory_space<vmem_shared>>) target(%dma_start3A_357 : memref<128x128xf32, #tpu.memory_space<vmem>>) offsets(%dma_start3A_360 : memref<128xi32, #tpu.memory_space<vmem>>) semaphore(%arg17 : memref<!tpu.dma_semaphore, #tpu.memory_space<semaphore_mem>>)
    %dma_start3A_364 = arith.constant 3 : i32
    %dma_start3A_365 = arith.constant 0 : i32
    %dma_start3A_366 = arith.constant 1 : i32
    %dma_start3A_367 = arith.constant 0 : i32
    %dma_start3A_368 = arith.constant 0 : i32
    %dma_start3A_369 = tpu.memref_slice %arg13[%dma_start3A_365, %dma_start3A_366, %dma_start3A_367, %dma_start3A_368] : memref<2x3x128x128xf32, #tpu.memory_space<vmem>> -> memref<1x1x128x128xf32, #tpu.memory_space<vmem>>
    %dma_start3A_370 = tpu.memref_squeeze %dma_start3A_369 : memref<1x1x128x128xf32, #tpu.memory_space<vmem>> -> memref<128x128xf32, #tpu.memory_space<vmem>>
    %dma_start3A_371 = arith.constant 0 : i32
    %dma_start3A_372 = tpu.memref_slice %arg11[%dma_start3A_364, %dma_start3A_371] : memref<5x512xi32, #tpu.memory_space<vmem>> -> memref<1x128xi32, #tpu.memory_space<vmem>>
    %dma_start3A_373 = tpu.memref_squeeze %dma_start3A_372 : memref<1x128xi32, #tpu.memory_space<vmem>> -> memref<128xi32, #tpu.memory_space<vmem>>
    %dma_start3A_374 = arith.constant 0 : i32
    %dma_start3A_375 = arith.constant 0 : i32
    %dma_start3A_376 = tpu.memref_slice %arg15[%dma_start3A_374, %dma_start3A_375] : memref<64x128xf32, #tpu.memory_space<vmem_shared>> -> memref<64x128xf32, #tpu.memory_space<vmem_shared>>
    tpu.enqueue_indirect_dma source(%dma_start3A_376 : memref<64x128xf32, #tpu.memory_space<vmem_shared>>) target(%dma_start3A_370 : memref<128x128xf32, #tpu.memory_space<vmem>>) offsets(%dma_start3A_373 : memref<128xi32, #tpu.memory_space<vmem>>) semaphore(%arg17 : memref<!tpu.dma_semaphore, #tpu.memory_space<semaphore_mem>>)
    %dma_start3A_377 = arith.constant 4 : i32
    %dma_start3A_378 = arith.constant 0 : i32
    %dma_start3A_379 = arith.constant 2 : i32
    %dma_start3A_380 = arith.constant 0 : i32
    %dma_start3A_381 = arith.constant 0 : i32
    %dma_start3A_382 = tpu.memref_slice %arg13[%dma_start3A_378, %dma_start3A_379, %dma_start3A_380, %dma_start3A_381] : memref<2x3x128x128xf32, #tpu.memory_space<vmem>> -> memref<1x1x128x128xf32, #tpu.memory_space<vmem>>
    %dma_start3A_383 = tpu.memref_squeeze %dma_start3A_382 : memref<1x1x128x128xf32, #tpu.memory_space<vmem>> -> memref<128x128xf32, #tpu.memory_space<vmem>>
    %dma_start3A_384 = arith.constant 0 : i32
    %dma_start3A_385 = tpu.memref_slice %arg11[%dma_start3A_377, %dma_start3A_384] : memref<5x512xi32, #tpu.memory_space<vmem>> -> memref<1x128xi32, #tpu.memory_space<vmem>>
    %dma_start3A_386 = tpu.memref_squeeze %dma_start3A_385 : memref<1x128xi32, #tpu.memory_space<vmem>> -> memref<128xi32, #tpu.memory_space<vmem>>
    %dma_start3A_387 = arith.constant 0 : i32
    %dma_start3A_388 = arith.constant 0 : i32
    %dma_start3A_389 = tpu.memref_slice %arg16[%dma_start3A_387, %dma_start3A_388] : memref<512x128xf32, #tpu.memory_space<vmem_shared>> -> memref<512x128xf32, #tpu.memory_space<vmem_shared>>
    tpu.enqueue_indirect_dma source(%dma_start3A_389 : memref<512x128xf32, #tpu.memory_space<vmem_shared>>) target(%dma_start3A_383 : memref<128x128xf32, #tpu.memory_space<vmem>>) offsets(%dma_start3A_386 : memref<128xi32, #tpu.memory_space<vmem>>) semaphore(%arg17 : memref<!tpu.dma_semaphore, #tpu.memory_space<semaphore_mem>>)
    %get3A_390 = arith.constant 0 : i32
    %get3A_391 = arith.index_cast %get3A_390 : i32 to index
    %get3A_392 = arith.constant 128 : index
    %get3A_393 = tpu.vector_load %arg11[%get3A_391, %get3A_392] {strides = array<i32>} : memref<5x512xi32, #tpu.memory_space<vmem>>, vector<1x16xi32>,
    %get3A_394 = vector.shape_cast %get3A_393 : vector<1x16xi32> to vector<16xi32>
    %mul3A_395 = arith.constant 32 : i32
    %mul3A_396 = vector.broadcast %mul3A_395 : i32 to vector<16xi32>
    %mul3A_397 = arith.muli %get3A_394, %mul3A_396 : vector<16xi32>
    %get3A_398 = arith.constant 1 : i32
    %get3A_399 = arith.index_cast %get3A_398 : i32 to index
    %get3A_400 = arith.constant 128 : index
    %get3A_401 = tpu.vector_load %arg11[%get3A_399, %get3A_400] {strides = array<i32>} : memref<5x512xi32, #tpu.memory_space<vmem>>, vector<1x16xi32>,
    %get3A_402 = vector.shape_cast %get3A_401 : vector<1x16xi32> to vector<16xi32>
    %mul3A_403 = arith.constant 4 : i32
    %mul3A_404 = vector.broadcast %mul3A_403 : i32 to vector<16xi32>
    %mul3A_405 = arith.muli %get3A_402, %mul3A_404 : vector<16xi32>
    %add3A_406 = arith.addi %mul3A_397, %mul3A_405 : vector<16xi32>
    %get3A_407 = arith.constant 2 : i32
    %get3A_408 = arith.index_cast %get3A_407 : i32 to index
    %get3A_409 = arith.constant 128 : index
    %get3A_410 = tpu.vector_load %arg11[%get3A_408, %get3A_409] {strides = array<i32>} : memref<5x512xi32, #tpu.memory_space<vmem>>, vector<1x16xi32>,
    %get3A_411 = vector.shape_cast %get3A_410 : vector<1x16xi32> to vector<16xi32>
    %add3A_412 = arith.addi %add3A_406, %get3A_411 : vector<16xi32>
    %swap3A_413 = arith.constant 1 : i32
    %swap3A_414 = arith.index_cast %swap3A_413 : i32 to index
    %swap3A_415 = arith.constant 0 : index
    %swap3A_416 = tpu.vector_load %arg12[%swap3A_414, %swap3A_415] {strides = array<i32>} : memref<2x128xi32, #tpu.memory_space<vmem>>, vector<1x16xi32>,
    %swap3A_417 = vector.shape_cast %swap3A_416 : vector<1x16xi32> to vector<16xi32>
    %swap3A_418 = vector.shape_cast %add3A_412 : vector<16xi32> to vector<1x16xi32>
    tpu.vector_store %arg12[%swap3A_414, %swap3A_415], %swap3A_418 {strides = array<i32>} : memref<2x128xi32, #tpu.memory_space<vmem>>, vector<1x16xi32>,
    %get3A_419 = arith.constant 0 : i32
    %get3A_420 = arith.index_cast %get3A_419 : i32 to index
    %get3A_421 = arith.constant 144 : index
    %get3A_422 = tpu.vector_load %arg11[%get3A_420, %get3A_421] {strides = array<i32>} : memref<5x512xi32, #tpu.memory_space<vmem>>, vector<1x16xi32>,
    %get3A_423 = vector.shape_cast %get3A_422 : vector<1x16xi32> to vector<16xi32>
    %mul3A_424 = arith.constant 32 : i32
    %mul3A_425 = vector.broadcast %mul3A_424 : i32 to vector<16xi32>
    %mul3A_426 = arith.muli %get3A_423, %mul3A_425 : vector<16xi32>
    %get3A_427 = arith.constant 1 : i32
    %get3A_428 = arith.index_cast %get3A_427 : i32 to index
    %get3A_429 = arith.constant 144 : index
    %get3A_430 = tpu.vector_load %arg11[%get3A_428, %get3A_429] {strides = array<i32>} : memref<5x512xi32, #tpu.memory_space<vmem>>, vector<1x16xi32>,
    %get3A_431 = vector.shape_cast %get3A_430 : vector<1x16xi32> to vector<16xi32>
    %mul3A_432 = arith.constant 4 : i32
    %mul3A_433 = vector.broadcast %mul3A_432 : i32 to vector<16xi32>
    %mul3A_434 = arith.muli %get3A_431, %mul3A_433 : vector<16xi32>
    %add3A_435 = arith.addi %mul3A_426, %mul3A_434 : vector<16xi32>
    %get3A_436 = arith.constant 2 : i32
    %get3A_437 = arith.index_cast %get3A_436 : i32 to index
    %get3A_438 = arith.constant 144 : index
    %get3A_439 = tpu.vector_load %arg11[%get3A_437, %get3A_438] {strides = array<i32>} : memref<5x512xi32, #tpu.memory_space<vmem>>, vector<1x16xi32>,
    %get3A_440 = vector.shape_cast %get3A_439 : vector<1x16xi32> to vector<16xi32>
    %add3A_441 = arith.addi %add3A_435, %get3A_440 : vector<16xi32>
    %swap3A_442 = arith.constant 1 : i32
    %swap3A_443 = arith.index_cast %swap3A_442 : i32 to index
    %swap3A_444 = arith.constant 16 : index
    %swap3A_445 = tpu.vector_load %arg12[%swap3A_443, %swap3A_444] {strides = array<i32>} : memref<2x128xi32, #tpu.memory_space<vmem>>, vector<1x16xi32>,
    %swap3A_446 = vector.shape_cast %swap3A_445 : vector<1x16xi32> to vector<16xi32>
    %swap3A_447 = vector.shape_cast %add3A_441 : vector<16xi32> to vector<1x16xi32>
    tpu.vector_store %arg12[%swap3A_443, %swap3A_444], %swap3A_447 {strides = array<i32>} : memref<2x128xi32, #tpu.memory_space<vmem>>, vector<1x16xi32>,
    %get3A_448 = arith.constant 0 : i32
    %get3A_449 = arith.index_cast %get3A_448 : i32 to index
    %get3A_450 = arith.constant 160 : index
    %get3A_451 = tpu.vector_load %arg11[%get3A_449, %get3A_450] {strides = array<i32>} : memref<5x512xi32, #tpu.memory_space<vmem>>, vector<1x16xi32>,
    %get3A_452 = vector.shape_cast %get3A_451 : vector<1x16xi32> to vector<16xi32>
    %mul3A_453 = arith.constant 32 : i32
    %mul3A_454 = vector.broadcast %mul3A_453 : i32 to vector<16xi32>
    %mul3A_455 = arith.muli %get3A_452, %mul3A_454 : vector<16xi32>
    %get3A_456 = arith.constant 1 : i32
    %get3A_457 = arith.index_cast %get3A_456 : i32 to index
    %get3A_458 = arith.constant 160 : index
    %get3A_459 = tpu.vector_load %arg11[%get3A_457, %get3A_458] {strides = array<i32>} : memref<5x512xi32, #tpu.memory_space<vmem>>, vector<1x16xi32>,
    %get3A_460 = vector.shape_cast %get3A_459 : vector<1x16xi32> to vector<16xi32>
    %mul3A_461 = arith.constant 4 : i32
    %mul3A_462 = vector.broadcast %mul3A_461 : i32 to vector<16xi32>
    %mul3A_463 = arith.muli %get3A_460, %mul3A_462 : vector<16xi32>
    %add3A_464 = arith.addi %mul3A_455, %mul3A_463 : vector<16xi32>
    %get3A_465 = arith.constant 2 : i32
    %get3A_466 = arith.index_cast %get3A_465 : i32 to index
    %get3A_467 = arith.constant 160 : index
    %get3A_468 = tpu.vector_load %arg11[%get3A_466, %get3A_467] {strides = array<i32>} : memref<5x512xi32, #tpu.memory_space<vmem>>, vector<1x16xi32>,
    %get3A_469 = vector.shape_cast %get3A_468 : vector<1x16xi32> to vector<16xi32>
    %add3A_470 = arith.addi %add3A_464, %get3A_469 : vector<16xi32>
    %swap3A_471 = arith.constant 1 : i32
    %swap3A_472 = arith.index_cast %swap3A_471 : i32 to index
    %swap3A_473 = arith.constant 32 : index
    %swap3A_474 = tpu.vector_load %arg12[%swap3A_472, %swap3A_473] {strides = array<i32>} : memref<2x128xi32, #tpu.memory_space<vmem>>, vector<1x16xi32>,
    %swap3A_475 = vector.shape_cast %swap3A_474 : vector<1x16xi32> to vector<16xi32>
    %swap3A_476 = vector.shape_cast %add3A_470 : vector<16xi32> to vector<1x16xi32>
    tpu.vector_store %arg12[%swap3A_472, %swap3A_473], %swap3A_476 {strides = array<i32>} : memref<2x128xi32, #tpu.memory_space<vmem>>, vector<1x16xi32>,
    %get3A_477 = arith.constant 0 : i32
    %get3A_478 = arith.index_cast %get3A_477 : i32 to index
    %get3A_479 = arith.constant 176 : index
    %get3A_480 = tpu.vector_load %arg11[%get3A_478, %get3A_479] {strides = array<i32>} : memref<5x512xi32, #tpu.memory_space<vmem>>, vector<1x16xi32>,
    %get3A_481 = vector.shape_cast %get3A_480 : vector<1x16xi32> to vector<16xi32>
    %mul3A_482 = arith.constant 32 : i32
    %mul3A_483 = vector.broadcast %mul3A_482 : i32 to vector<16xi32>
    %mul3A_484 = arith.muli %get3A_481, %mul3A_483 : vector<16xi32>
    %get3A_485 = arith.constant 1 : i32
    %get3A_486 = arith.index_cast %get3A_485 : i32 to index
    %get3A_487 = arith.constant 176 : index
    %get3A_488 = tpu.vector_load %arg11[%get3A_486, %get3A_487] {strides = array<i32>} : memref<5x512xi32, #tpu.memory_space<vmem>>, vector<1x16xi32>,
    %get3A_489 = vector.shape_cast %get3A_488 : vector<1x16xi32> to vector<16xi32>
    %mul3A_490 = arith.constant 4 : i32
    %mul3A_491 = vector.broadcast %mul3A_490 : i32 to vector<16xi32>
    %mul3A_492 = arith.muli %get3A_489, %mul3A_491 : vector<16xi32>
    %add3A_493 = arith.addi %mul3A_484, %mul3A_492 : vector<16xi32>
    %get3A_494 = arith.constant 2 : i32
    %get3A_495 = arith.index_cast %get3A_494 : i32 to index
    %get3A_496 = arith.constant 176 : index
    %get3A_497 = tpu.vector_load %arg11[%get3A_495, %get3A_496] {strides = array<i32>} : memref<5x512xi32, #tpu.memory_space<vmem>>, vector<1x16xi32>,
    %get3A_498 = vector.shape_cast %get3A_497 : vector<1x16xi32> to vector<16xi32>
    %add3A_499 = arith.addi %add3A_493, %get3A_498 : vector<16xi32>
    %swap3A_500 = arith.constant 1 : i32
    %swap3A_501 = arith.index_cast %swap3A_500 : i32 to index
    %swap3A_502 = arith.constant 48 : index
    %swap3A_503 = tpu.vector_load %arg12[%swap3A_501, %swap3A_502] {strides = array<i32>} : memref<2x128xi32, #tpu.memory_space<vmem>>, vector<1x16xi32>,
    %swap3A_504 = vector.shape_cast %swap3A_503 : vector<1x16xi32> to vector<16xi32>
    %swap3A_505 = vector.shape_cast %add3A_499 : vector<16xi32> to vector<1x16xi32>
    tpu.vector_store %arg12[%swap3A_501, %swap3A_502], %swap3A_505 {strides = array<i32>} : memref<2x128xi32, #tpu.memory_space<vmem>>, vector<1x16xi32>,
    %get3A_506 = arith.constant 0 : i32
    %get3A_507 = arith.index_cast %get3A_506 : i32 to index
    %get3A_508 = arith.constant 192 : index
    %get3A_509 = tpu.vector_load %arg11[%get3A_507, %get3A_508] {strides = array<i32>} : memref<5x512xi32, #tpu.memory_space<vmem>>, vector<1x16xi32>,
    %get3A_510 = vector.shape_cast %get3A_509 : vector<1x16xi32> to vector<16xi32>
    %mul3A_511 = arith.constant 32 : i32
    %mul3A_512 = vector.broadcast %mul3A_511 : i32 to vector<16xi32>
    %mul3A_513 = arith.muli %get3A_510, %mul3A_512 : vector<16xi32>
    %get3A_514 = arith.constant 1 : i32
    %get3A_515 = arith.index_cast %get3A_514 : i32 to index
    %get3A_516 = arith.constant 192 : index
    %get3A_517 = tpu.vector_load %arg11[%get3A_515, %get3A_516] {strides = array<i32>} : memref<5x512xi32, #tpu.memory_space<vmem>>, vector<1x16xi32>,
    %get3A_518 = vector.shape_cast %get3A_517 : vector<1x16xi32> to vector<16xi32>
    %mul3A_519 = arith.constant 4 : i32
    %mul3A_520 = vector.broadcast %mul3A_519 : i32 to vector<16xi32>
    %mul3A_521 = arith.muli %get3A_518, %mul3A_520 : vector<16xi32>
    %add3A_522 = arith.addi %mul3A_513, %mul3A_521 : vector<16xi32>
    %get3A_523 = arith.constant 2 : i32
    %get3A_524 = arith.index_cast %get3A_523 : i32 to index
    %get3A_525 = arith.constant 192 : index
    %get3A_526 = tpu.vector_load %arg11[%get3A_524, %get3A_525] {strides = array<i32>} : memref<5x512xi32, #tpu.memory_space<vmem>>, vector<1x16xi32>,
    %get3A_527 = vector.shape_cast %get3A_526 : vector<1x16xi32> to vector<16xi32>
    %add3A_528 = arith.addi %add3A_522, %get3A_527 : vector<16xi32>
    %swap3A_529 = arith.constant 1 : i32
    %swap3A_530 = arith.index_cast %swap3A_529 : i32 to index
    %swap3A_531 = arith.constant 64 : index
    %swap3A_532 = tpu.vector_load %arg12[%swap3A_530, %swap3A_531] {strides = array<i32>} : memref<2x128xi32, #tpu.memory_space<vmem>>, vector<1x16xi32>,
    %swap3A_533 = vector.shape_cast %swap3A_532 : vector<1x16xi32> to vector<16xi32>
    %swap3A_534 = vector.shape_cast %add3A_528 : vector<16xi32> to vector<1x16xi32>
    tpu.vector_store %arg12[%swap3A_530, %swap3A_531], %swap3A_534 {strides = array<i32>} : memref<2x128xi32, #tpu.memory_space<vmem>>, vector<1x16xi32>,
    %get3A_535 = arith.constant 0 : i32
    %get3A_536 = arith.index_cast %get3A_535 : i32 to index
    %get3A_537 = arith.constant 208 : index
    %get3A_538 = tpu.vector_load %arg11[%get3A_536, %get3A_537] {strides = array<i32>} : memref<5x512xi32, #tpu.memory_space<vmem>>, vector<1x16xi32>,
    %get3A_539 = vector.shape_cast %get3A_538 : vector<1x16xi32> to vector<16xi32>
    %mul3A_540 = arith.constant 32 : i32
    %mul3A_541 = vector.broadcast %mul3A_540 : i32 to vector<16xi32>
    %mul3A_542 = arith.muli %get3A_539, %mul3A_541 : vector<16xi32>
    %get3A_543 = arith.constant 1 : i32
    %get3A_544 = arith.index_cast %get3A_543 : i32 to index
    %get3A_545 = arith.constant 208 : index
    %get3A_546 = tpu.vector_load %arg11[%get3A_544, %get3A_545] {strides = array<i32>} : memref<5x512xi32, #tpu.memory_space<vmem>>, vector<1x16xi32>,
    %get3A_547 = vector.shape_cast %get3A_546 : vector<1x16xi32> to vector<16xi32>
    %mul3A_548 = arith.constant 4 : i32
    %mul3A_549 = vector.broadcast %mul3A_548 : i32 to vector<16xi32>
    %mul3A_550 = arith.muli %get3A_547, %mul3A_549 : vector<16xi32>
    %add3A_551 = arith.addi %mul3A_542, %mul3A_550 : vector<16xi32>
    %get3A_552 = arith.constant 2 : i32
    %get3A_553 = arith.index_cast %get3A_552 : i32 to index
    %get3A_554 = arith.constant 208 : index
    %get3A_555 = tpu.vector_load %arg11[%get3A_553, %get3A_554] {strides = array<i32>} : memref<5x512xi32, #tpu.memory_space<vmem>>, vector<1x16xi32>,
    %get3A_556 = vector.shape_cast %get3A_555 : vector<1x16xi32> to vector<16xi32>
    %add3A_557 = arith.addi %add3A_551, %get3A_556 : vector<16xi32>
    %swap3A_558 = arith.constant 1 : i32
    %swap3A_559 = arith.index_cast %swap3A_558 : i32 to index
    %swap3A_560 = arith.constant 80 : index
    %swap3A_561 = tpu.vector_load %arg12[%swap3A_559, %swap3A_560] {strides = array<i32>} : memref<2x128xi32, #tpu.memory_space<vmem>>, vector<1x16xi32>,
    %swap3A_562 = vector.shape_cast %swap3A_561 : vector<1x16xi32> to vector<16xi32>
    %swap3A_563 = vector.shape_cast %add3A_557 : vector<16xi32> to vector<1x16xi32>
    tpu.vector_store %arg12[%swap3A_559, %swap3A_560], %swap3A_563 {strides = array<i32>} : memref<2x128xi32, #tpu.memory_space<vmem>>, vector<1x16xi32>,
    %get3A_564 = arith.constant 0 : i32
    %get3A_565 = arith.index_cast %get3A_564 : i32 to index
    %get3A_566 = arith.constant 224 : index
    %get3A_567 = tpu.vector_load %arg11[%get3A_565, %get3A_566] {strides = array<i32>} : memref<5x512xi32, #tpu.memory_space<vmem>>, vector<1x16xi32>,
    %get3A_568 = vector.shape_cast %get3A_567 : vector<1x16xi32> to vector<16xi32>
    %mul3A_569 = arith.constant 32 : i32
    %mul3A_570 = vector.broadcast %mul3A_569 : i32 to vector<16xi32>
    %mul3A_571 = arith.muli %get3A_568, %mul3A_570 : vector<16xi32>
    %get3A_572 = arith.constant 1 : i32
    %get3A_573 = arith.index_cast %get3A_572 : i32 to index
    %get3A_574 = arith.constant 224 : index
    %get3A_575 = tpu.vector_load %arg11[%get3A_573, %get3A_574] {strides = array<i32>} : memref<5x512xi32, #tpu.memory_space<vmem>>, vector<1x16xi32>,
    %get3A_576 = vector.shape_cast %get3A_575 : vector<1x16xi32> to vector<16xi32>
    %mul3A_577 = arith.constant 4 : i32
    %mul3A_578 = vector.broadcast %mul3A_577 : i32 to vector<16xi32>
    %mul3A_579 = arith.muli %get3A_576, %mul3A_578 : vector<16xi32>
    %add3A_580 = arith.addi %mul3A_571, %mul3A_579 : vector<16xi32>
    %get3A_581 = arith.constant 2 : i32
    %get3A_582 = arith.index_cast %get3A_581 : i32 to index
    %get3A_583 = arith.constant 224 : index
    %get3A_584 = tpu.vector_load %arg11[%get3A_582, %get3A_583] {strides = array<i32>} : memref<5x512xi32, #tpu.memory_space<vmem>>, vector<1x16xi32>,
    %get3A_585 = vector.shape_cast %get3A_584 : vector<1x16xi32> to vector<16xi32>
    %add3A_586 = arith.addi %add3A_580, %get3A_585 : vector<16xi32>
    %swap3A_587 = arith.constant 1 : i32
    %swap3A_588 = arith.index_cast %swap3A_587 : i32 to index
    %swap3A_589 = arith.constant 96 : index
    %swap3A_590 = tpu.vector_load %arg12[%swap3A_588, %swap3A_589] {strides = array<i32>} : memref<2x128xi32, #tpu.memory_space<vmem>>, vector<1x16xi32>,
    %swap3A_591 = vector.shape_cast %swap3A_590 : vector<1x16xi32> to vector<16xi32>
    %swap3A_592 = vector.shape_cast %add3A_586 : vector<16xi32> to vector<1x16xi32>
    tpu.vector_store %arg12[%swap3A_588, %swap3A_589], %swap3A_592 {strides = array<i32>} : memref<2x128xi32, #tpu.memory_space<vmem>>, vector<1x16xi32>,
    %get3A_593 = arith.constant 0 : i32
    %get3A_594 = arith.index_cast %get3A_593 : i32 to index
    %get3A_595 = arith.constant 240 : index
    %get3A_596 = tpu.vector_load %arg11[%get3A_594, %get3A_595] {strides = array<i32>} : memref<5x512xi32, #tpu.memory_space<vmem>>, vector<1x16xi32>,
    %get3A_597 = vector.shape_cast %get3A_596 : vector<1x16xi32> to vector<16xi32>
    %mul3A_598 = arith.constant 32 : i32
    %mul3A_599 = vector.broadcast %mul3A_598 : i32 to vector<16xi32>
    %mul3A_600 = arith.muli %get3A_597, %mul3A_599 : vector<16xi32>
    %get3A_601 = arith.constant 1 : i32
    %get3A_602 = arith.index_cast %get3A_601 : i32 to index
    %get3A_603 = arith.constant 240 : index
    %get3A_604 = tpu.vector_load %arg11[%get3A_602, %get3A_603] {strides = array<i32>} : memref<5x512xi32, #tpu.memory_space<vmem>>, vector<1x16xi32>,
    %get3A_605 = vector.shape_cast %get3A_604 : vector<1x16xi32> to vector<16xi32>
    %mul3A_606 = arith.constant 4 : i32
    %mul3A_607 = vector.broadcast %mul3A_606 : i32 to vector<16xi32>
    %mul3A_608 = arith.muli %get3A_605, %mul3A_607 : vector<16xi32>
    %add3A_609 = arith.addi %mul3A_600, %mul3A_608 : vector<16xi32>
    %get3A_610 = arith.constant 2 : i32
    %get3A_611 = arith.index_cast %get3A_610 : i32 to index
    %get3A_612 = arith.constant 240 : index
    %get3A_613 = tpu.vector_load %arg11[%get3A_611, %get3A_612] {strides = array<i32>} : memref<5x512xi32, #tpu.memory_space<vmem>>, vector<1x16xi32>,
    %get3A_614 = vector.shape_cast %get3A_613 : vector<1x16xi32> to vector<16xi32>
    %add3A_615 = arith.addi %add3A_609, %get3A_614 : vector<16xi32>
    %swap3A_616 = arith.constant 1 : i32
    %swap3A_617 = arith.index_cast %swap3A_616 : i32 to index
    %swap3A_618 = arith.constant 112 : index
    %swap3A_619 = tpu.vector_load %arg12[%swap3A_617, %swap3A_618] {strides = array<i32>} : memref<2x128xi32, #tpu.memory_space<vmem>>, vector<1x16xi32>,
    %swap3A_620 = vector.shape_cast %swap3A_619 : vector<1x16xi32> to vector<16xi32>
    %swap3A_621 = vector.shape_cast %add3A_615 : vector<16xi32> to vector<1x16xi32>
    tpu.vector_store %arg12[%swap3A_617, %swap3A_618], %swap3A_621 {strides = array<i32>} : memref<2x128xi32, #tpu.memory_space<vmem>>, vector<1x16xi32>,
    %dma_start3A_622 = arith.constant 1 : i32
    %dma_start3A_623 = arith.constant 1 : i32
    %dma_start3A_624 = arith.constant 0 : i32
    %dma_start3A_625 = arith.constant 0 : i32
    %dma_start3A_626 = arith.constant 0 : i32
    %dma_start3A_627 = tpu.memref_slice %arg13[%dma_start3A_623, %dma_start3A_624, %dma_start3A_625, %dma_start3A_626] : memref<2x3x128x128xf32, #tpu.memory_space<vmem>> -> memref<1x1x128x128xf32, #tpu.memory_space<vmem>>
    %dma_start3A_628 = tpu.memref_squeeze %dma_start3A_627 : memref<1x1x128x128xf32, #tpu.memory_space<vmem>> -> memref<128x128xf32, #tpu.memory_space<vmem>>
    %dma_start3A_629 = arith.constant 0 : i32
    %dma_start3A_630 = tpu.memref_slice %arg12[%dma_start3A_622, %dma_start3A_629] : memref<2x128xi32, #tpu.memory_space<vmem>> -> memref<1x128xi32, #tpu.memory_space<vmem>>
    %dma_start3A_631 = tpu.memref_squeeze %dma_start3A_630 : memref<1x128xi32, #tpu.memory_space<vmem>> -> memref<128xi32, #tpu.memory_space<vmem>>
    %dma_start3A_632 = arith.constant 0 : i32
    %dma_start3A_633 = arith.constant 0 : i32
    %dma_start3A_634 = tpu.memref_slice %arg14[%dma_start3A_632, %dma_start3A_633] : memref<1024x128xf32, #tpu.memory_space<vmem_shared>> -> memref<1024x128xf32, #tpu.memory_space<vmem_shared>>
    tpu.enqueue_indirect_dma source(%dma_start3A_634 : memref<1024x128xf32, #tpu.memory_space<vmem_shared>>) target(%dma_start3A_628 : memref<128x128xf32, #tpu.memory_space<vmem>>) offsets(%dma_start3A_631 : memref<128xi32, #tpu.memory_space<vmem>>) semaphore(%arg17 : memref<!tpu.dma_semaphore, #tpu.memory_space<semaphore_mem>>)
    %dma_start3A_635 = arith.constant 3 : i32
    %dma_start3A_636 = arith.constant 1 : i32
    %dma_start3A_637 = arith.constant 1 : i32
    %dma_start3A_638 = arith.constant 0 : i32
    %dma_start3A_639 = arith.constant 0 : i32
    %dma_start3A_640 = tpu.memref_slice %arg13[%dma_start3A_636, %dma_start3A_637, %dma_start3A_638, %dma_start3A_639] : memref<2x3x128x128xf32, #tpu.memory_space<vmem>> -> memref<1x1x128x128xf32, #tpu.memory_space<vmem>>
    %dma_start3A_641 = tpu.memref_squeeze %dma_start3A_640 : memref<1x1x128x128xf32, #tpu.memory_space<vmem>> -> memref<128x128xf32, #tpu.memory_space<vmem>>
    %dma_start3A_642 = arith.constant 128 : i32
    %dma_start3A_643 = tpu.memref_slice %arg11[%dma_start3A_635, %dma_start3A_642] : memref<5x512xi32, #tpu.memory_space<vmem>> -> memref<1x128xi32, #tpu.memory_space<vmem>>
    %dma_start3A_644 = tpu.memref_squeeze %dma_start3A_643 : memref<1x128xi32, #tpu.memory_space<vmem>> -> memref<128xi32, #tpu.memory_space<vmem>>
    %dma_start3A_645 = arith.constant 0 : i32
    %dma_start3A_646 = arith.constant 0 : i32
    %dma_start3A_647 = tpu.memref_slice %arg15[%dma_start3A_645, %dma_start3A_646] : memref<64x128xf32, #tpu.memory_space<vmem_shared>> -> memref<64x128xf32, #tpu.memory_space<vmem_shared>>
    tpu.enqueue_indirect_dma source(%dma_start3A_647 : memref<64x128xf32, #tpu.memory_space<vmem_shared>>) target(%dma_start3A_641 : memref<128x128xf32, #tpu.memory_space<vmem>>) offsets(%dma_start3A_644 : memref<128xi32, #tpu.memory_space<vmem>>) semaphore(%arg17 : memref<!tpu.dma_semaphore, #tpu.memory_space<semaphore_mem>>)
    %dma_start3A_648 = arith.constant 4 : i32
    %dma_start3A_649 = arith.constant 1 : i32
    %dma_start3A_650 = arith.constant 2 : i32
    %dma_start3A_651 = arith.constant 0 : i32
    %dma_start3A_652 = arith.constant 0 : i32
    %dma_start3A_653 = tpu.memref_slice %arg13[%dma_start3A_649, %dma_start3A_650, %dma_start3A_651, %dma_start3A_652] : memref<2x3x128x128xf32, #tpu.memory_space<vmem>> -> memref<1x1x128x128xf32, #tpu.memory_space<vmem>>
    %dma_start3A_654 = tpu.memref_squeeze %dma_start3A_653 : memref<1x1x128x128xf32, #tpu.memory_space<vmem>> -> memref<128x128xf32, #tpu.memory_space<vmem>>
    %dma_start3A_655 = arith.constant 128 : i32
    %dma_start3A_656 = tpu.memref_slice %arg11[%dma_start3A_648, %dma_start3A_655] : memref<5x512xi32, #tpu.memory_space<vmem>> -> memref<1x128xi32, #tpu.memory_space<vmem>>
    %dma_start3A_657 = tpu.memref_squeeze %dma_start3A_656 : memref<1x128xi32, #tpu.memory_space<vmem>> -> memref<128xi32, #tpu.memory_space<vmem>>
    %dma_start3A_658 = arith.constant 0 : i32
    %dma_start3A_659 = arith.constant 0 : i32
    %dma_start3A_660 = tpu.memref_slice %arg16[%dma_start3A_658, %dma_start3A_659] : memref<512x128xf32, #tpu.memory_space<vmem_shared>> -> memref<512x128xf32, #tpu.memory_space<vmem_shared>>
    tpu.enqueue_indirect_dma source(%dma_start3A_660 : memref<512x128xf32, #tpu.memory_space<vmem_shared>>) target(%dma_start3A_654 : memref<128x128xf32, #tpu.memory_space<vmem>>) offsets(%dma_start3A_657 : memref<128xi32, #tpu.memory_space<vmem>>) semaphore(%arg17 : memref<!tpu.dma_semaphore, #tpu.memory_space<semaphore_mem>>)
    %dma_wait3A_661 = arith.constant 0 : i32
    %dma_wait3A_662 = arith.constant 0 : i32
    %dma_wait3A_663 = arith.constant 0 : i32
    %dma_wait3A_664 = arith.constant 0 : i32
    %dma_wait3A_665 = arith.constant 0 : i32
    %dma_wait3A_666 = tpu.memref_slice %arg13[%dma_wait3A_662, %dma_wait3A_663, %dma_wait3A_664, %dma_wait3A_665] : memref<2x3x128x128xf32, #tpu.memory_space<vmem>> -> memref<1x1x128x128xf32, #tpu.memory_space<vmem>>
    %dma_wait3A_667 = tpu.memref_squeeze %dma_wait3A_666 : memref<1x1x128x128xf32, #tpu.memory_space<vmem>> -> memref<128x128xf32, #tpu.memory_space<vmem>>
    %dma_wait3A_668 = arith.constant 0 : i32
    %dma_wait3A_669 = tpu.memref_slice %arg12[%dma_wait3A_661, %dma_wait3A_668] : memref<2x128xi32, #tpu.memory_space<vmem>> -> memref<1x128xi32, #tpu.memory_space<vmem>>
    %dma_wait3A_670 = tpu.memref_squeeze %dma_wait3A_669 : memref<1x128xi32, #tpu.memory_space<vmem>> -> memref<128xi32, #tpu.memory_space<vmem>>
    %dma_wait3A_671 = arith.constant 0 : i32
    %dma_wait3A_672 = arith.constant 0 : i32
    %dma_wait3A_673 = tpu.memref_slice %arg14[%dma_wait3A_671, %dma_wait3A_672] : memref<1024x128xf32, #tpu.memory_space<vmem_shared>> -> memref<1024x128xf32, #tpu.memory_space<vmem_shared>>
    tpu.wait_indirect_dma semaphore(%arg17 : memref<!tpu.dma_semaphore, #tpu.memory_space<semaphore_mem>>) src(%dma_wait3A_673 : memref<1024x128xf32, #tpu.memory_space<vmem_shared>>) dst(%dma_wait3A_667 : memref<128x128xf32, #tpu.memory_space<vmem>>)
    %dma_wait3A_674 = arith.constant 3 : i32
    %dma_wait3A_675 = arith.constant 0 : i32
    %dma_wait3A_676 = arith.constant 1 : i32
    %dma_wait3A_677 = arith.constant 0 : i32
    %dma_wait3A_678 = arith.constant 0 : i32
    %dma_wait3A_679 = tpu.memref_slice %arg13[%dma_wait3A_675, %dma_wait3A_676, %dma_wait3A_677, %dma_wait3A_678] : memref<2x3x128x128xf32, #tpu.memory_space<vmem>> -> memref<1x1x128x128xf32, #tpu.memory_space<vmem>>
    %dma_wait3A_680 = tpu.memref_squeeze %dma_wait3A_679 : memref<1x1x128x128xf32, #tpu.memory_space<vmem>> -> memref<128x128xf32, #tpu.memory_space<vmem>>
    %dma_wait3A_681 = arith.constant 0 : i32
    %dma_wait3A_682 = tpu.memref_slice %arg11[%dma_wait3A_674, %dma_wait3A_681] : memref<5x512xi32, #tpu.memory_space<vmem>> -> memref<1x128xi32, #tpu.memory_space<vmem>>
    %dma_wait3A_683 = tpu.memref_squeeze %dma_wait3A_682 : memref<1x128xi32, #tpu.memory_space<vmem>> -> memref<128xi32, #tpu.memory_space<vmem>>
    %dma_wait3A_684 = arith.constant 0 : i32
    %dma_wait3A_685 = arith.constant 0 : i32
    %dma_wait3A_686 = tpu.memref_slice %arg15[%dma_wait3A_684, %dma_wait3A_685] : memref<64x128xf32, #tpu.memory_space<vmem_shared>> -> memref<64x128xf32, #tpu.memory_space<vmem_shared>>
    tpu.wait_indirect_dma semaphore(%arg17 : memref<!tpu.dma_semaphore, #tpu.memory_space<semaphore_mem>>) src(%dma_wait3A_686 : memref<64x128xf32, #tpu.memory_space<vmem_shared>>) dst(%dma_wait3A_680 : memref<128x128xf32, #tpu.memory_space<vmem>>)
    %dma_wait3A_687 = arith.constant 4 : i32
    %dma_wait3A_688 = arith.constant 0 : i32
    %dma_wait3A_689 = arith.constant 2 : i32
    %dma_wait3A_690 = arith.constant 0 : i32
    %dma_wait3A_691 = arith.constant 0 : i32
    %dma_wait3A_692 = tpu.memref_slice %arg13[%dma_wait3A_688, %dma_wait3A_689, %dma_wait3A_690, %dma_wait3A_691] : memref<2x3x128x128xf32, #tpu.memory_space<vmem>> -> memref<1x1x128x128xf32, #tpu.memory_space<vmem>>
    %dma_wait3A_693 = tpu.memref_squeeze %dma_wait3A_692 : memref<1x1x128x128xf32, #tpu.memory_space<vmem>> -> memref<128x128xf32, #tpu.memory_space<vmem>>
    %dma_wait3A_694 = arith.constant 0 : i32
    %dma_wait3A_695 = tpu.memref_slice %arg11[%dma_wait3A_687, %dma_wait3A_694] : memref<5x512xi32, #tpu.memory_space<vmem>> -> memref<1x128xi32, #tpu.memory_space<vmem>>
    %dma_wait3A_696 = tpu.memref_squeeze %dma_wait3A_695 : memref<1x128xi32, #tpu.memory_space<vmem>> -> memref<128xi32, #tpu.memory_space<vmem>>
    %dma_wait3A_697 = arith.constant 0 : i32
    %dma_wait3A_698 = arith.constant 0 : i32
    %dma_wait3A_699 = tpu.memref_slice %arg16[%dma_wait3A_697, %dma_wait3A_698] : memref<512x128xf32, #tpu.memory_space<vmem_shared>> -> memref<512x128xf32, #tpu.memory_space<vmem_shared>>
    tpu.wait_indirect_dma semaphore(%arg17 : memref<!tpu.dma_semaphore, #tpu.memory_space<semaphore_mem>>) src(%dma_wait3A_699 : memref<512x128xf32, #tpu.memory_space<vmem_shared>>) dst(%dma_wait3A_693 : memref<128x128xf32, #tpu.memory_space<vmem>>)
    %scan3A = arith.constant 0 : i32
    %scan3A_700 = arith.constant 0 : i32
    %scan3A_701 = arith.constant 128 : i32
    %scan3A_702 = arith.addi %scan3A_700, %scan3A_701 : i32
    %scan3A_703 = arith.constant 1 : i32
    scf.for %scan3A_1502 = %scan3A_700 to %scan3A_702 step %scan3A_703  : i32 {
      %get3A_1503 = arith.constant 0 : i32
      %get3A_1504 = arith.constant 0 : i32
      %get3A_1505 = arith.index_cast %get3A_1503 : i32 to index
      %get3A_1506 = arith.index_cast %get3A_1504 : i32 to index
      %get3A_1507 = arith.index_cast %scan3A_1502 : i32 to index
      %get3A_1508 = arith.constant 0 : index
      %get3A_1509 = tpu.vector_load %arg13[%get3A_1505, %get3A_1506, %get3A_1507, %get3A_1508] {strides = array<i32>} : memref<2x3x128x128xf32, #tpu.memory_space<vmem>>, vector<1x1x1x16xf32>,
      %get3A_1510 = vector.shape_cast %get3A_1509 : vector<1x1x1x16xf32> to vector<16xf32>
      %get3A_1511 = arith.constant 0 : i32
      %get3A_1512 = arith.constant 1 : i32
      %get3A_1513 = arith.index_cast %get3A_1511 : i32 to index
      %get3A_1514 = arith.index_cast %get3A_1512 : i32 to index
      %get3A_1515 = arith.index_cast %scan3A_1502 : i32 to index
      %get3A_1516 = arith.constant 0 : index
      %get3A_1517 = tpu.vector_load %arg13[%get3A_1513, %get3A_1514, %get3A_1515, %get3A_1516] {strides = array<i32>} : memref<2x3x128x128xf32, #tpu.memory_space<vmem>>, vector<1x1x1x16xf32>,
      %get3A_1518 = vector.shape_cast %get3A_1517 : vector<1x1x1x16xf32> to vector<16xf32>
      %add3A_1519 = arith.addf %get3A_1510, %get3A_1518 : vector<16xf32>
      %get3A_1520 = arith.constant 0 : i32
      %get3A_1521 = arith.constant 2 : i32
      %get3A_1522 = arith.index_cast %get3A_1520 : i32 to index
      %get3A_1523 = arith.index_cast %get3A_1521 : i32 to index
      %get3A_1524 = arith.index_cast %scan3A_1502 : i32 to index
      %get3A_1525 = arith.constant 0 : index
      %get3A_1526 = tpu.vector_load %arg13[%get3A_1522, %get3A_1523, %get3A_1524, %get3A_1525] {strides = array<i32>} : memref<2x3x128x128xf32, #tpu.memory_space<vmem>>, vector<1x1x1x16xf32>,
      %get3A_1527 = vector.shape_cast %get3A_1526 : vector<1x1x1x16xf32> to vector<16xf32>
      %add3A_1528 = arith.addf %add3A_1519, %get3A_1527 : vector<16xf32>
      %swap3A_1529 = arith.constant 0 : i32
      %swap3A_1530 = arith.constant 0 : i32
      %swap3A_1531 = arith.index_cast %swap3A_1529 : i32 to index
      %swap3A_1532 = arith.index_cast %swap3A_1530 : i32 to index
      %swap3A_1533 = arith.index_cast %scan3A_1502 : i32 to index
      %swap3A_1534 = arith.constant 0 : index
      %swap3A_1535 = tpu.vector_load %arg13[%swap3A_1531, %swap3A_1532, %swap3A_1533, %swap3A_1534] {strides = array<i32>} : memref<2x3x128x128xf32, #tpu.memory_space<vmem>>, vector<1x1x1x16xf32>,
      %swap3A_1536 = vector.shape_cast %swap3A_1535 : vector<1x1x1x16xf32> to vector<16xf32>
      %swap3A_1537 = vector.shape_cast %add3A_1528 : vector<16xf32> to vector<1x1x1x16xf32>
      tpu.vector_store %arg13[%swap3A_1531, %swap3A_1532, %swap3A_1533, %swap3A_1534], %swap3A_1537 {strides = array<i32>} : memref<2x3x128x128xf32, #tpu.memory_space<vmem>>, vector<1x1x1x16xf32>,
      %get3A_1538 = arith.constant 0 : i32
      %get3A_1539 = arith.constant 0 : i32
      %get3A_1540 = arith.index_cast %get3A_1538 : i32 to index
      %get3A_1541 = arith.index_cast %get3A_1539 : i32 to index
      %get3A_1542 = arith.index_cast %scan3A_1502 : i32 to index
      %get3A_1543 = arith.constant 16 : index
      %get3A_1544 = tpu.vector_load %arg13[%get3A_1540, %get3A_1541, %get3A_1542, %get3A_1543] {strides = array<i32>} : memref<2x3x128x128xf32, #tpu.memory_space<vmem>>, vector<1x1x1x16xf32>,
      %get3A_1545 = vector.shape_cast %get3A_1544 : vector<1x1x1x16xf32> to vector<16xf32>
      %get3A_1546 = arith.constant 0 : i32
      %get3A_1547 = arith.constant 1 : i32
      %get3A_1548 = arith.index_cast %get3A_1546 : i32 to index
      %get3A_1549 = arith.index_cast %get3A_1547 : i32 to index
      %get3A_1550 = arith.index_cast %scan3A_1502 : i32 to index
      %get3A_1551 = arith.constant 16 : index
      %get3A_1552 = tpu.vector_load %arg13[%get3A_1548, %get3A_1549, %get3A_1550, %get3A_1551] {strides = array<i32>} : memref<2x3x128x128xf32, #tpu.memory_space<vmem>>, vector<1x1x1x16xf32>,
      %get3A_1553 = vector.shape_cast %get3A_1552 : vector<1x1x1x16xf32> to vector<16xf32>
      %add3A_1554 = arith.addf %get3A_1545, %get3A_1553 : vector<16xf32>
      %get3A_1555 = arith.constant 0 : i32
      %get3A_1556 = arith.constant 2 : i32
      %get3A_1557 = arith.index_cast %get3A_1555 : i32 to index
      %get3A_1558 = arith.index_cast %get3A_1556 : i32 to index
      %get3A_1559 = arith.index_cast %scan3A_1502 : i32 to index
      %get3A_1560 = arith.constant 16 : index
      %get3A_1561 = tpu.vector_load %arg13[%get3A_1557, %get3A_1558, %get3A_1559, %get3A_1560] {strides = array<i32>} : memref<2x3x128x128xf32, #tpu.memory_space<vmem>>, vector<1x1x1x16xf32>,
      %get3A_1562 = vector.shape_cast %get3A_1561 : vector<1x1x1x16xf32> to vector<16xf32>
      %add3A_1563 = arith.addf %add3A_1554, %get3A_1562 : vector<16xf32>
      %swap3A_1564 = arith.constant 0 : i32
      %swap3A_1565 = arith.constant 0 : i32
      %swap3A_1566 = arith.index_cast %swap3A_1564 : i32 to index
      %swap3A_1567 = arith.index_cast %swap3A_1565 : i32 to index
      %swap3A_1568 = arith.index_cast %scan3A_1502 : i32 to index
      %swap3A_1569 = arith.constant 16 : index
      %swap3A_1570 = tpu.vector_load %arg13[%swap3A_1566, %swap3A_1567, %swap3A_1568, %swap3A_1569] {strides = array<i32>} : memref<2x3x128x128xf32, #tpu.memory_space<vmem>>, vector<1x1x1x16xf32>,
      %swap3A_1571 = vector.shape_cast %swap3A_1570 : vector<1x1x1x16xf32> to vector<16xf32>
      %swap3A_1572 = vector.shape_cast %add3A_1563 : vector<16xf32> to vector<1x1x1x16xf32>
      tpu.vector_store %arg13[%swap3A_1566, %swap3A_1567, %swap3A_1568, %swap3A_1569], %swap3A_1572 {strides = array<i32>} : memref<2x3x128x128xf32, #tpu.memory_space<vmem>>, vector<1x1x1x16xf32>,
      %get3A_1573 = arith.constant 0 : i32
      %get3A_1574 = arith.constant 0 : i32
      %get3A_1575 = arith.index_cast %get3A_1573 : i32 to index
      %get3A_1576 = arith.index_cast %get3A_1574 : i32 to index
      %get3A_1577 = arith.index_cast %scan3A_1502 : i32 to index
      %get3A_1578 = arith.constant 32 : index
      %get3A_1579 = tpu.vector_load %arg13[%get3A_1575, %get3A_1576, %get3A_1577, %get3A_1578] {strides = array<i32>} : memref<2x3x128x128xf32, #tpu.memory_space<vmem>>, vector<1x1x1x16xf32>,
      %get3A_1580 = vector.shape_cast %get3A_1579 : vector<1x1x1x16xf32> to vector<16xf32>
      %get3A_1581 = arith.constant 0 : i32
      %get3A_1582 = arith.constant 1 : i32
      %get3A_1583 = arith.index_cast %get3A_1581 : i32 to index
      %get3A_1584 = arith.index_cast %get3A_1582 : i32 to index
      %get3A_1585 = arith.index_cast %scan3A_1502 : i32 to index
      %get3A_1586 = arith.constant 32 : index
      %get3A_1587 = tpu.vector_load %arg13[%get3A_1583, %get3A_1584, %get3A_1585, %get3A_1586] {strides = array<i32>} : memref<2x3x128x128xf32, #tpu.memory_space<vmem>>, vector<1x1x1x16xf32>,
      %get3A_1588 = vector.shape_cast %get3A_1587 : vector<1x1x1x16xf32> to vector<16xf32>
      %add3A_1589 = arith.addf %get3A_1580, %get3A_1588 : vector<16xf32>
      %get3A_1590 = arith.constant 0 : i32
      %get3A_1591 = arith.constant 2 : i32
      %get3A_1592 = arith.index_cast %get3A_1590 : i32 to index
      %get3A_1593 = arith.index_cast %get3A_1591 : i32 to index
      %get3A_1594 = arith.index_cast %scan3A_1502 : i32 to index
      %get3A_1595 = arith.constant 32 : index
      %get3A_1596 = tpu.vector_load %arg13[%get3A_1592, %get3A_1593, %get3A_1594, %get3A_1595] {strides = array<i32>} : memref<2x3x128x128xf32, #tpu.memory_space<vmem>>, vector<1x1x1x16xf32>,
      %get3A_1597 = vector.shape_cast %get3A_1596 : vector<1x1x1x16xf32> to vector<16xf32>
      %add3A_1598 = arith.addf %add3A_1589, %get3A_1597 : vector<16xf32>
      %swap3A_1599 = arith.constant 0 : i32
      %swap3A_1600 = arith.constant 0 : i32
      %swap3A_1601 = arith.index_cast %swap3A_1599 : i32 to index
      %swap3A_1602 = arith.index_cast %swap3A_1600 : i32 to index
      %swap3A_1603 = arith.index_cast %scan3A_1502 : i32 to index
      %swap3A_1604 = arith.constant 32 : index
      %swap3A_1605 = tpu.vector_load %arg13[%swap3A_1601, %swap3A_1602, %swap3A_1603, %swap3A_1604] {strides = array<i32>} : memref<2x3x128x128xf32, #tpu.memory_space<vmem>>, vector<1x1x1x16xf32>,
      %swap3A_1606 = vector.shape_cast %swap3A_1605 : vector<1x1x1x16xf32> to vector<16xf32>
      %swap3A_1607 = vector.shape_cast %add3A_1598 : vector<16xf32> to vector<1x1x1x16xf32>
      tpu.vector_store %arg13[%swap3A_1601, %swap3A_1602, %swap3A_1603, %swap3A_1604], %swap3A_1607 {strides = array<i32>} : memref<2x3x128x128xf32, #tpu.memory_space<vmem>>, vector<1x1x1x16xf32>,
      %get3A_1608 = arith.constant 0 : i32
      %get3A_1609 = arith.constant 0 : i32
      %get3A_1610 = arith.index_cast %get3A_1608 : i32 to index
      %get3A_1611 = arith.index_cast %get3A_1609 : i32 to index
      %get3A_1612 = arith.index_cast %scan3A_1502 : i32 to index
      %get3A_1613 = arith.constant 48 : index
      %get3A_1614 = tpu.vector_load %arg13[%get3A_1610, %get3A_1611, %get3A_1612, %get3A_1613] {strides = array<i32>} : memref<2x3x128x128xf32, #tpu.memory_space<vmem>>, vector<1x1x1x16xf32>,
      %get3A_1615 = vector.shape_cast %get3A_1614 : vector<1x1x1x16xf32> to vector<16xf32>
      %get3A_1616 = arith.constant 0 : i32
      %get3A_1617 = arith.constant 1 : i32
      %get3A_1618 = arith.index_cast %get3A_1616 : i32 to index
      %get3A_1619 = arith.index_cast %get3A_1617 : i32 to index
      %get3A_1620 = arith.index_cast %scan3A_1502 : i32 to index
      %get3A_1621 = arith.constant 48 : index
      %get3A_1622 = tpu.vector_load %arg13[%get3A_1618, %get3A_1619, %get3A_1620, %get3A_1621] {strides = array<i32>} : memref<2x3x128x128xf32, #tpu.memory_space<vmem>>, vector<1x1x1x16xf32>,
      %get3A_1623 = vector.shape_cast %get3A_1622 : vector<1x1x1x16xf32> to vector<16xf32>
      %add3A_1624 = arith.addf %get3A_1615, %get3A_1623 : vector<16xf32>
      %get3A_1625 = arith.constant 0 : i32
      %get3A_1626 = arith.constant 2 : i32
      %get3A_1627 = arith.index_cast %get3A_1625 : i32 to index
      %get3A_1628 = arith.index_cast %get3A_1626 : i32 to index
      %get3A_1629 = arith.index_cast %scan3A_1502 : i32 to index
      %get3A_1630 = arith.constant 48 : index
      %get3A_1631 = tpu.vector_load %arg13[%get3A_1627, %get3A_1628, %get3A_1629, %get3A_1630] {strides = array<i32>} : memref<2x3x128x128xf32, #tpu.memory_space<vmem>>, vector<1x1x1x16xf32>,
      %get3A_1632 = vector.shape_cast %get3A_1631 : vector<1x1x1x16xf32> to vector<16xf32>
      %add3A_1633 = arith.addf %add3A_1624, %get3A_1632 : vector<16xf32>
      %swap3A_1634 = arith.constant 0 : i32
      %swap3A_1635 = arith.constant 0 : i32
      %swap3A_1636 = arith.index_cast %swap3A_1634 : i32 to index
      %swap3A_1637 = arith.index_cast %swap3A_1635 : i32 to index
      %swap3A_1638 = arith.index_cast %scan3A_1502 : i32 to index
      %swap3A_1639 = arith.constant 48 : index
      %swap3A_1640 = tpu.vector_load %arg13[%swap3A_1636, %swap3A_1637, %swap3A_1638, %swap3A_1639] {strides = array<i32>} : memref<2x3x128x128xf32, #tpu.memory_space<vmem>>, vector<1x1x1x16xf32>,
      %swap3A_1641 = vector.shape_cast %swap3A_1640 : vector<1x1x1x16xf32> to vector<16xf32>
      %swap3A_1642 = vector.shape_cast %add3A_1633 : vector<16xf32> to vector<1x1x1x16xf32>
      tpu.vector_store %arg13[%swap3A_1636, %swap3A_1637, %swap3A_1638, %swap3A_1639], %swap3A_1642 {strides = array<i32>} : memref<2x3x128x128xf32, #tpu.memory_space<vmem>>, vector<1x1x1x16xf32>,
      %get3A_1643 = arith.constant 0 : i32
      %get3A_1644 = arith.constant 0 : i32
      %get3A_1645 = arith.index_cast %get3A_1643 : i32 to index
      %get3A_1646 = arith.index_cast %get3A_1644 : i32 to index
      %get3A_1647 = arith.index_cast %scan3A_1502 : i32 to index
      %get3A_1648 = arith.constant 64 : index
      %get3A_1649 = tpu.vector_load %arg13[%get3A_1645, %get3A_1646, %get3A_1647, %get3A_1648] {strides = array<i32>} : memref<2x3x128x128xf32, #tpu.memory_space<vmem>>, vector<1x1x1x16xf32>,
      %get3A_1650 = vector.shape_cast %get3A_1649 : vector<1x1x1x16xf32> to vector<16xf32>
      %get3A_1651 = arith.constant 0 : i32
      %get3A_1652 = arith.constant 1 : i32
      %get3A_1653 = arith.index_cast %get3A_1651 : i32 to index
      %get3A_1654 = arith.index_cast %get3A_1652 : i32 to index
      %get3A_1655 = arith.index_cast %scan3A_1502 : i32 to index
      %get3A_1656 = arith.constant 64 : index
      %get3A_1657 = tpu.vector_load %arg13[%get3A_1653, %get3A_1654, %get3A_1655, %get3A_1656] {strides = array<i32>} : memref<2x3x128x128xf32, #tpu.memory_space<vmem>>, vector<1x1x1x16xf32>,
      %get3A_1658 = vector.shape_cast %get3A_1657 : vector<1x1x1x16xf32> to vector<16xf32>
      %add3A_1659 = arith.addf %get3A_1650, %get3A_1658 : vector<16xf32>
      %get3A_1660 = arith.constant 0 : i32
      %get3A_1661 = arith.constant 2 : i32
      %get3A_1662 = arith.index_cast %get3A_1660 : i32 to index
      %get3A_1663 = arith.index_cast %get3A_1661 : i32 to index
      %get3A_1664 = arith.index_cast %scan3A_1502 : i32 to index
      %get3A_1665 = arith.constant 64 : index
      %get3A_1666 = tpu.vector_load %arg13[%get3A_1662, %get3A_1663, %get3A_1664, %get3A_1665] {strides = array<i32>} : memref<2x3x128x128xf32, #tpu.memory_space<vmem>>, vector<1x1x1x16xf32>,
      %get3A_1667 = vector.shape_cast %get3A_1666 : vector<1x1x1x16xf32> to vector<16xf32>
      %add3A_1668 = arith.addf %add3A_1659, %get3A_1667 : vector<16xf32>
      %swap3A_1669 = arith.constant 0 : i32
      %swap3A_1670 = arith.constant 0 : i32
      %swap3A_1671 = arith.index_cast %swap3A_1669 : i32 to index
      %swap3A_1672 = arith.index_cast %swap3A_1670 : i32 to index
      %swap3A_1673 = arith.index_cast %scan3A_1502 : i32 to index
      %swap3A_1674 = arith.constant 64 : index
      %swap3A_1675 = tpu.vector_load %arg13[%swap3A_1671, %swap3A_1672, %swap3A_1673, %swap3A_1674] {strides = array<i32>} : memref<2x3x128x128xf32, #tpu.memory_space<vmem>>, vector<1x1x1x16xf32>,
      %swap3A_1676 = vector.shape_cast %swap3A_1675 : vector<1x1x1x16xf32> to vector<16xf32>
      %swap3A_1677 = vector.shape_cast %add3A_1668 : vector<16xf32> to vector<1x1x1x16xf32>
      tpu.vector_store %arg13[%swap3A_1671, %swap3A_1672, %swap3A_1673, %swap3A_1674], %swap3A_1677 {strides = array<i32>} : memref<2x3x128x128xf32, #tpu.memory_space<vmem>>, vector<1x1x1x16xf32>,
      %get3A_1678 = arith.constant 0 : i32
      %get3A_1679 = arith.constant 0 : i32
      %get3A_1680 = arith.index_cast %get3A_1678 : i32 to index
      %get3A_1681 = arith.index_cast %get3A_1679 : i32 to index
      %get3A_1682 = arith.index_cast %scan3A_1502 : i32 to index
      %get3A_1683 = arith.constant 80 : index
      %get3A_1684 = tpu.vector_load %arg13[%get3A_1680, %get3A_1681, %get3A_1682, %get3A_1683] {strides = array<i32>} : memref<2x3x128x128xf32, #tpu.memory_space<vmem>>, vector<1x1x1x16xf32>,
      %get3A_1685 = vector.shape_cast %get3A_1684 : vector<1x1x1x16xf32> to vector<16xf32>
      %get3A_1686 = arith.constant 0 : i32
      %get3A_1687 = arith.constant 1 : i32
      %get3A_1688 = arith.index_cast %get3A_1686 : i32 to index
      %get3A_1689 = arith.index_cast %get3A_1687 : i32 to index
      %get3A_1690 = arith.index_cast %scan3A_1502 : i32 to index
      %get3A_1691 = arith.constant 80 : index
      %get3A_1692 = tpu.vector_load %arg13[%get3A_1688, %get3A_1689, %get3A_1690, %get3A_1691] {strides = array<i32>} : memref<2x3x128x128xf32, #tpu.memory_space<vmem>>, vector<1x1x1x16xf32>,
      %get3A_1693 = vector.shape_cast %get3A_1692 : vector<1x1x1x16xf32> to vector<16xf32>
      %add3A_1694 = arith.addf %get3A_1685, %get3A_1693 : vector<16xf32>
      %get3A_1695 = arith.constant 0 : i32
      %get3A_1696 = arith.constant 2 : i32
      %get3A_1697 = arith.index_cast %get3A_1695 : i32 to index
      %get3A_1698 = arith.index_cast %get3A_1696 : i32 to index
      %get3A_1699 = arith.index_cast %scan3A_1502 : i32 to index
      %get3A_1700 = arith.constant 80 : index
      %get3A_1701 = tpu.vector_load %arg13[%get3A_1697, %get3A_1698, %get3A_1699, %get3A_1700] {strides = array<i32>} : memref<2x3x128x128xf32, #tpu.memory_space<vmem>>, vector<1x1x1x16xf32>,
      %get3A_1702 = vector.shape_cast %get3A_1701 : vector<1x1x1x16xf32> to vector<16xf32>
      %add3A_1703 = arith.addf %add3A_1694, %get3A_1702 : vector<16xf32>
      %swap3A_1704 = arith.constant 0 : i32
      %swap3A_1705 = arith.constant 0 : i32
      %swap3A_1706 = arith.index_cast %swap3A_1704 : i32 to index
      %swap3A_1707 = arith.index_cast %swap3A_1705 : i32 to index
      %swap3A_1708 = arith.index_cast %scan3A_1502 : i32 to index
      %swap3A_1709 = arith.constant 80 : index
      %swap3A_1710 = tpu.vector_load %arg13[%swap3A_1706, %swap3A_1707, %swap3A_1708, %swap3A_1709] {strides = array<i32>} : memref<2x3x128x128xf32, #tpu.memory_space<vmem>>, vector<1x1x1x16xf32>,
      %swap3A_1711 = vector.shape_cast %swap3A_1710 : vector<1x1x1x16xf32> to vector<16xf32>
      %swap3A_1712 = vector.shape_cast %add3A_1703 : vector<16xf32> to vector<1x1x1x16xf32>
      tpu.vector_store %arg13[%swap3A_1706, %swap3A_1707, %swap3A_1708, %swap3A_1709], %swap3A_1712 {strides = array<i32>} : memref<2x3x128x128xf32, #tpu.memory_space<vmem>>, vector<1x1x1x16xf32>,
      %get3A_1713 = arith.constant 0 : i32
      %get3A_1714 = arith.constant 0 : i32
      %get3A_1715 = arith.index_cast %get3A_1713 : i32 to index
      %get3A_1716 = arith.index_cast %get3A_1714 : i32 to index
      %get3A_1717 = arith.index_cast %scan3A_1502 : i32 to index
      %get3A_1718 = arith.constant 96 : index
      %get3A_1719 = tpu.vector_load %arg13[%get3A_1715, %get3A_1716, %get3A_1717, %get3A_1718] {strides = array<i32>} : memref<2x3x128x128xf32, #tpu.memory_space<vmem>>, vector<1x1x1x16xf32>,
      %get3A_1720 = vector.shape_cast %get3A_1719 : vector<1x1x1x16xf32> to vector<16xf32>
      %get3A_1721 = arith.constant 0 : i32
      %get3A_1722 = arith.constant 1 : i32
      %get3A_1723 = arith.index_cast %get3A_1721 : i32 to index
      %get3A_1724 = arith.index_cast %get3A_1722 : i32 to index
      %get3A_1725 = arith.index_cast %scan3A_1502 : i32 to index
      %get3A_1726 = arith.constant 96 : index
      %get3A_1727 = tpu.vector_load %arg13[%get3A_1723, %get3A_1724, %get3A_1725, %get3A_1726] {strides = array<i32>} : memref<2x3x128x128xf32, #tpu.memory_space<vmem>>, vector<1x1x1x16xf32>,
      %get3A_1728 = vector.shape_cast %get3A_1727 : vector<1x1x1x16xf32> to vector<16xf32>
      %add3A_1729 = arith.addf %get3A_1720, %get3A_1728 : vector<16xf32>
      %get3A_1730 = arith.constant 0 : i32
      %get3A_1731 = arith.constant 2 : i32
      %get3A_1732 = arith.index_cast %get3A_1730 : i32 to index
      %get3A_1733 = arith.index_cast %get3A_1731 : i32 to index
      %get3A_1734 = arith.index_cast %scan3A_1502 : i32 to index
      %get3A_1735 = arith.constant 96 : index
      %get3A_1736 = tpu.vector_load %arg13[%get3A_1732, %get3A_1733, %get3A_1734, %get3A_1735] {strides = array<i32>} : memref<2x3x128x128xf32, #tpu.memory_space<vmem>>, vector<1x1x1x16xf32>,
      %get3A_1737 = vector.shape_cast %get3A_1736 : vector<1x1x1x16xf32> to vector<16xf32>
      %add3A_1738 = arith.addf %add3A_1729, %get3A_1737 : vector<16xf32>
      %swap3A_1739 = arith.constant 0 : i32
      %swap3A_1740 = arith.constant 0 : i32
      %swap3A_1741 = arith.index_cast %swap3A_1739 : i32 to index
      %swap3A_1742 = arith.index_cast %swap3A_1740 : i32 to index
      %swap3A_1743 = arith.index_cast %scan3A_1502 : i32 to index
      %swap3A_1744 = arith.constant 96 : index
      %swap3A_1745 = tpu.vector_load %arg13[%swap3A_1741, %swap3A_1742, %swap3A_1743, %swap3A_1744] {strides = array<i32>} : memref<2x3x128x128xf32, #tpu.memory_space<vmem>>, vector<1x1x1x16xf32>,
      %swap3A_1746 = vector.shape_cast %swap3A_1745 : vector<1x1x1x16xf32> to vector<16xf32>
      %swap3A_1747 = vector.shape_cast %add3A_1738 : vector<16xf32> to vector<1x1x1x16xf32>
      tpu.vector_store %arg13[%swap3A_1741, %swap3A_1742, %swap3A_1743, %swap3A_1744], %swap3A_1747 {strides = array<i32>} : memref<2x3x128x128xf32, #tpu.memory_space<vmem>>, vector<1x1x1x16xf32>,
      %get3A_1748 = arith.constant 0 : i32
      %get3A_1749 = arith.constant 0 : i32
      %get3A_1750 = arith.index_cast %get3A_1748 : i32 to index
      %get3A_1751 = arith.index_cast %get3A_1749 : i32 to index
      %get3A_1752 = arith.index_cast %scan3A_1502 : i32 to index
      %get3A_1753 = arith.constant 112 : index
      %get3A_1754 = tpu.vector_load %arg13[%get3A_1750, %get3A_1751, %get3A_1752, %get3A_1753] {strides = array<i32>} : memref<2x3x128x128xf32, #tpu.memory_space<vmem>>, vector<1x1x1x16xf32>,
      %get3A_1755 = vector.shape_cast %get3A_1754 : vector<1x1x1x16xf32> to vector<16xf32>
      %get3A_1756 = arith.constant 0 : i32
      %get3A_1757 = arith.constant 1 : i32
      %get3A_1758 = arith.index_cast %get3A_1756 : i32 to index
      %get3A_1759 = arith.index_cast %get3A_1757 : i32 to index
      %get3A_1760 = arith.index_cast %scan3A_1502 : i32 to index
      %get3A_1761 = arith.constant 112 : index
      %get3A_1762 = tpu.vector_load %arg13[%get3A_1758, %get3A_1759, %get3A_1760, %get3A_1761] {strides = array<i32>} : memref<2x3x128x128xf32, #tpu.memory_space<vmem>>, vector<1x1x1x16xf32>,
      %get3A_1763 = vector.shape_cast %get3A_1762 : vector<1x1x1x16xf32> to vector<16xf32>
      %add3A_1764 = arith.addf %get3A_1755, %get3A_1763 : vector<16xf32>
      %get3A_1765 = arith.constant 0 : i32
      %get3A_1766 = arith.constant 2 : i32
      %get3A_1767 = arith.index_cast %get3A_1765 : i32 to index
      %get3A_1768 = arith.index_cast %get3A_1766 : i32 to index
      %get3A_1769 = arith.index_cast %scan3A_1502 : i32 to index
      %get3A_1770 = arith.constant 112 : index
      %get3A_1771 = tpu.vector_load %arg13[%get3A_1767, %get3A_1768, %get3A_1769, %get3A_1770] {strides = array<i32>} : memref<2x3x128x128xf32, #tpu.memory_space<vmem>>, vector<1x1x1x16xf32>,
      %get3A_1772 = vector.shape_cast %get3A_1771 : vector<1x1x1x16xf32> to vector<16xf32>
      %add3A_1773 = arith.addf %add3A_1764, %get3A_1772 : vector<16xf32>
      %swap3A_1774 = arith.constant 0 : i32
      %swap3A_1775 = arith.constant 0 : i32
      %swap3A_1776 = arith.index_cast %swap3A_1774 : i32 to index
      %swap3A_1777 = arith.index_cast %swap3A_1775 : i32 to index
      %swap3A_1778 = arith.index_cast %scan3A_1502 : i32 to index
      %swap3A_1779 = arith.constant 112 : index
      %swap3A_1780 = tpu.vector_load %arg13[%swap3A_1776, %swap3A_1777, %swap3A_1778, %swap3A_1779] {strides = array<i32>} : memref<2x3x128x128xf32, #tpu.memory_space<vmem>>, vector<1x1x1x16xf32>,
      %swap3A_1781 = vector.shape_cast %swap3A_1780 : vector<1x1x1x16xf32> to vector<16xf32>
      %swap3A_1782 = vector.shape_cast %add3A_1773 : vector<16xf32> to vector<1x1x1x16xf32>
      tpu.vector_store %arg13[%swap3A_1776, %swap3A_1777, %swap3A_1778, %swap3A_1779], %swap3A_1782 {strides = array<i32>} : memref<2x3x128x128xf32, #tpu.memory_space<vmem>>, vector<1x1x1x16xf32>,
    }
    %scan3A_704 = arith.constant 128 : i32
    %add3A_705 = arith.constant 0 : i32
    %add3A_706 = arith.addi %mul3A_2, %add3A_705 : i32
    %dma_start3A_707 = arith.constant 0 : i32
    %dma_start3A_708 = arith.constant 0 : i32
    %dma_start3A_709 = arith.constant 0 : i32
    %dma_start3A_710 = arith.constant 0 : i32
    %dma_start3A_711 = tpu.memref_slice %arg13[%dma_start3A_707, %dma_start3A_708, %dma_start3A_709, %dma_start3A_710] : memref<2x3x128x128xf32, #tpu.memory_space<vmem>> -> memref<1x1x128x128xf32, #tpu.memory_space<vmem>>
    %dma_start3A_712 = tpu.memref_squeeze %dma_start3A_711 : memref<1x1x128x128xf32, #tpu.memory_space<vmem>> -> memref<128x128xf32, #tpu.memory_space<vmem>>
    %dma_start3A_713 = arith.constant 0 : i32
    %dma_start3A_714 = tpu.memref_slice %arg10[%add3A_706, %dma_start3A_713] : memref<16384x128xf32, #tpu.memory_space<hbm>> -> memref<128x128xf32, #tpu.memory_space<hbm>>
    %dma_start3A_715 = arith.constant 0 : i32
    %dma_start3A_716 = tpu.memref_slice %arg10[%add3A_706, %dma_start3A_715] : memref<16384x128xf32, #tpu.memory_space<hbm>> -> memref<128x128xf32, #tpu.memory_space<hbm>>
    %dma_start3A_717 = arith.constant 0 : i32
    %dma_start3A_718 = arith.constant 0 : i32
    %dma_start3A_719 = tpu.memref_slice %arg13[%dma_start3A_707, %dma_start3A_708, %dma_start3A_717, %dma_start3A_718] : memref<2x3x128x128xf32, #tpu.memory_space<vmem>> -> memref<1x1x128x128xf32, #tpu.memory_space<vmem>>
    %dma_start3A_720 = tpu.memref_squeeze %dma_start3A_719 : memref<1x1x128x128xf32, #tpu.memory_space<vmem>> -> memref<128x128xf32, #tpu.memory_space<vmem>>
    tpu.enqueue_dma source(%dma_start3A_720 : memref<128x128xf32, #tpu.memory_space<vmem>>) target(%dma_start3A_716 : memref<128x128xf32, #tpu.memory_space<hbm>>) target_semaphore(%arg18 : memref<!tpu.dma_semaphore, #tpu.memory_space<semaphore_mem>>)
    %dma_wait3A_721 = arith.constant 0 : i32
    %dma_wait3A_722 = arith.constant 0 : i32
    %dma_wait3A_723 = arith.constant 0 : i32
    %dma_wait3A_724 = arith.constant 0 : i32
    %dma_wait3A_725 = tpu.memref_slice %arg13[%dma_wait3A_721, %dma_wait3A_722, %dma_wait3A_723, %dma_wait3A_724] : memref<2x3x128x128xf32, #tpu.memory_space<vmem>> -> memref<1x1x128x128xf32, #tpu.memory_space<vmem>>
    %dma_wait3A_726 = tpu.memref_squeeze %dma_wait3A_725 : memref<1x1x128x128xf32, #tpu.memory_space<vmem>> -> memref<128x128xf32, #tpu.memory_space<vmem>>
    %dma_wait3A_727 = arith.constant 0 : i32
    %dma_wait3A_728 = tpu.memref_slice %arg10[%add3A_706, %dma_wait3A_727] : memref<16384x128xf32, #tpu.memory_space<hbm>> -> memref<128x128xf32, #tpu.memory_space<hbm>>
    %dma_wait3A_729 = arith.constant 0 : i32
    %dma_wait3A_730 = tpu.memref_slice %arg10[%add3A_706, %dma_wait3A_729] : memref<16384x128xf32, #tpu.memory_space<hbm>> -> memref<128x128xf32, #tpu.memory_space<hbm>>
    %dma_wait3A_731 = arith.constant 0 : i32
    %dma_wait3A_732 = arith.constant 0 : i32
    %dma_wait3A_733 = tpu.memref_slice %arg13[%dma_wait3A_721, %dma_wait3A_722, %dma_wait3A_731, %dma_wait3A_732] : memref<2x3x128x128xf32, #tpu.memory_space<vmem>> -> memref<1x1x128x128xf32, #tpu.memory_space<vmem>>
    %dma_wait3A_734 = tpu.memref_squeeze %dma_wait3A_733 : memref<1x1x128x128xf32, #tpu.memory_space<vmem>> -> memref<128x128xf32, #tpu.memory_space<vmem>>
    tpu.wait_dma2 semaphore(%arg18 : memref<!tpu.dma_semaphore, #tpu.memory_space<semaphore_mem>>) src(%dma_wait3A_734 : memref<128x128xf32, #tpu.memory_space<vmem>>) dst(%dma_wait3A_730 : memref<128x128xf32, #tpu.memory_space<hbm>>)
    %get3A_735 = arith.constant 0 : i32
    %get3A_736 = arith.index_cast %get3A_735 : i32 to index
    %get3A_737 = arith.constant 256 : index
    %get3A_738 = tpu.vector_load %arg11[%get3A_736, %get3A_737] {strides = array<i32>} : memref<5x512xi32, #tpu.memory_space<vmem>>, vector<1x16xi32>,
    %get3A_739 = vector.shape_cast %get3A_738 : vector<1x16xi32> to vector<16xi32>
    %mul3A_740 = arith.constant 32 : i32
    %mul3A_741 = vector.broadcast %mul3A_740 : i32 to vector<16xi32>
    %mul3A_742 = arith.muli %get3A_739, %mul3A_741 : vector<16xi32>
    %get3A_743 = arith.constant 1 : i32
    %get3A_744 = arith.index_cast %get3A_743 : i32 to index
    %get3A_745 = arith.constant 256 : index
    %get3A_746 = tpu.vector_load %arg11[%get3A_744, %get3A_745] {strides = array<i32>} : memref<5x512xi32, #tpu.memory_space<vmem>>, vector<1x16xi32>,
    %get3A_747 = vector.shape_cast %get3A_746 : vector<1x16xi32> to vector<16xi32>
    %mul3A_748 = arith.constant 4 : i32
    %mul3A_749 = vector.broadcast %mul3A_748 : i32 to vector<16xi32>
    %mul3A_750 = arith.muli %get3A_747, %mul3A_749 : vector<16xi32>
    %add3A_751 = arith.addi %mul3A_742, %mul3A_750 : vector<16xi32>
    %get3A_752 = arith.constant 2 : i32
    %get3A_753 = arith.index_cast %get3A_752 : i32 to index
    %get3A_754 = arith.constant 256 : index
    %get3A_755 = tpu.vector_load %arg11[%get3A_753, %get3A_754] {strides = array<i32>} : memref<5x512xi32, #tpu.memory_space<vmem>>, vector<1x16xi32>,
    %get3A_756 = vector.shape_cast %get3A_755 : vector<1x16xi32> to vector<16xi32>
    %add3A_757 = arith.addi %add3A_751, %get3A_756 : vector<16xi32>
    %swap3A_758 = arith.constant 0 : i32
    %swap3A_759 = arith.index_cast %swap3A_758 : i32 to index
    %swap3A_760 = arith.constant 0 : index
    %swap3A_761 = tpu.vector_load %arg12[%swap3A_759, %swap3A_760] {strides = array<i32>} : memref<2x128xi32, #tpu.memory_space<vmem>>, vector<1x16xi32>,
    %swap3A_762 = vector.shape_cast %swap3A_761 : vector<1x16xi32> to vector<16xi32>
    %swap3A_763 = vector.shape_cast %add3A_757 : vector<16xi32> to vector<1x16xi32>
    tpu.vector_store %arg12[%swap3A_759, %swap3A_760], %swap3A_763 {strides = array<i32>} : memref<2x128xi32, #tpu.memory_space<vmem>>, vector<1x16xi32>,
    %get3A_764 = arith.constant 0 : i32
    %get3A_765 = arith.index_cast %get3A_764 : i32 to index
    %get3A_766 = arith.constant 272 : index
    %get3A_767 = tpu.vector_load %arg11[%get3A_765, %get3A_766] {strides = array<i32>} : memref<5x512xi32, #tpu.memory_space<vmem>>, vector<1x16xi32>,
    %get3A_768 = vector.shape_cast %get3A_767 : vector<1x16xi32> to vector<16xi32>
    %mul3A_769 = arith.constant 32 : i32
    %mul3A_770 = vector.broadcast %mul3A_769 : i32 to vector<16xi32>
    %mul3A_771 = arith.muli %get3A_768, %mul3A_770 : vector<16xi32>
    %get3A_772 = arith.constant 1 : i32
    %get3A_773 = arith.index_cast %get3A_772 : i32 to index
    %get3A_774 = arith.constant 272 : index
    %get3A_775 = tpu.vector_load %arg11[%get3A_773, %get3A_774] {strides = array<i32>} : memref<5x512xi32, #tpu.memory_space<vmem>>, vector<1x16xi32>,
    %get3A_776 = vector.shape_cast %get3A_775 : vector<1x16xi32> to vector<16xi32>
    %mul3A_777 = arith.constant 4 : i32
    %mul3A_778 = vector.broadcast %mul3A_777 : i32 to vector<16xi32>
    %mul3A_779 = arith.muli %get3A_776, %mul3A_778 : vector<16xi32>
    %add3A_780 = arith.addi %mul3A_771, %mul3A_779 : vector<16xi32>
    %get3A_781 = arith.constant 2 : i32
    %get3A_782 = arith.index_cast %get3A_781 : i32 to index
    %get3A_783 = arith.constant 272 : index
    %get3A_784 = tpu.vector_load %arg11[%get3A_782, %get3A_783] {strides = array<i32>} : memref<5x512xi32, #tpu.memory_space<vmem>>, vector<1x16xi32>,
    %get3A_785 = vector.shape_cast %get3A_784 : vector<1x16xi32> to vector<16xi32>
    %add3A_786 = arith.addi %add3A_780, %get3A_785 : vector<16xi32>
    %swap3A_787 = arith.constant 0 : i32
    %swap3A_788 = arith.index_cast %swap3A_787 : i32 to index
    %swap3A_789 = arith.constant 16 : index
    %swap3A_790 = tpu.vector_load %arg12[%swap3A_788, %swap3A_789] {strides = array<i32>} : memref<2x128xi32, #tpu.memory_space<vmem>>, vector<1x16xi32>,
    %swap3A_791 = vector.shape_cast %swap3A_790 : vector<1x16xi32> to vector<16xi32>
    %swap3A_792 = vector.shape_cast %add3A_786 : vector<16xi32> to vector<1x16xi32>
    tpu.vector_store %arg12[%swap3A_788, %swap3A_789], %swap3A_792 {strides = array<i32>} : memref<2x128xi32, #tpu.memory_space<vmem>>, vector<1x16xi32>,
    %get3A_793 = arith.constant 0 : i32
    %get3A_794 = arith.index_cast %get3A_793 : i32 to index
    %get3A_795 = arith.constant 288 : index
    %get3A_796 = tpu.vector_load %arg11[%get3A_794, %get3A_795] {strides = array<i32>} : memref<5x512xi32, #tpu.memory_space<vmem>>, vector<1x16xi32>,
    %get3A_797 = vector.shape_cast %get3A_796 : vector<1x16xi32> to vector<16xi32>
    %mul3A_798 = arith.constant 32 : i32
    %mul3A_799 = vector.broadcast %mul3A_798 : i32 to vector<16xi32>
    %mul3A_800 = arith.muli %get3A_797, %mul3A_799 : vector<16xi32>
    %get3A_801 = arith.constant 1 : i32
    %get3A_802 = arith.index_cast %get3A_801 : i32 to index
    %get3A_803 = arith.constant 288 : index
    %get3A_804 = tpu.vector_load %arg11[%get3A_802, %get3A_803] {strides = array<i32>} : memref<5x512xi32, #tpu.memory_space<vmem>>, vector<1x16xi32>,
    %get3A_805 = vector.shape_cast %get3A_804 : vector<1x16xi32> to vector<16xi32>
    %mul3A_806 = arith.constant 4 : i32
    %mul3A_807 = vector.broadcast %mul3A_806 : i32 to vector<16xi32>
    %mul3A_808 = arith.muli %get3A_805, %mul3A_807 : vector<16xi32>
    %add3A_809 = arith.addi %mul3A_800, %mul3A_808 : vector<16xi32>
    %get3A_810 = arith.constant 2 : i32
    %get3A_811 = arith.index_cast %get3A_810 : i32 to index
    %get3A_812 = arith.constant 288 : index
    %get3A_813 = tpu.vector_load %arg11[%get3A_811, %get3A_812] {strides = array<i32>} : memref<5x512xi32, #tpu.memory_space<vmem>>, vector<1x16xi32>,
    %get3A_814 = vector.shape_cast %get3A_813 : vector<1x16xi32> to vector<16xi32>
    %add3A_815 = arith.addi %add3A_809, %get3A_814 : vector<16xi32>
    %swap3A_816 = arith.constant 0 : i32
    %swap3A_817 = arith.index_cast %swap3A_816 : i32 to index
    %swap3A_818 = arith.constant 32 : index
    %swap3A_819 = tpu.vector_load %arg12[%swap3A_817, %swap3A_818] {strides = array<i32>} : memref<2x128xi32, #tpu.memory_space<vmem>>, vector<1x16xi32>,
    %swap3A_820 = vector.shape_cast %swap3A_819 : vector<1x16xi32> to vector<16xi32>
    %swap3A_821 = vector.shape_cast %add3A_815 : vector<16xi32> to vector<1x16xi32>
    tpu.vector_store %arg12[%swap3A_817, %swap3A_818], %swap3A_821 {strides = array<i32>} : memref<2x128xi32, #tpu.memory_space<vmem>>, vector<1x16xi32>,
    %get3A_822 = arith.constant 0 : i32
    %get3A_823 = arith.index_cast %get3A_822 : i32 to index
    %get3A_824 = arith.constant 304 : index
    %get3A_825 = tpu.vector_load %arg11[%get3A_823, %get3A_824] {strides = array<i32>} : memref<5x512xi32, #tpu.memory_space<vmem>>, vector<1x16xi32>,
    %get3A_826 = vector.shape_cast %get3A_825 : vector<1x16xi32> to vector<16xi32>
    %mul3A_827 = arith.constant 32 : i32
    %mul3A_828 = vector.broadcast %mul3A_827 : i32 to vector<16xi32>
    %mul3A_829 = arith.muli %get3A_826, %mul3A_828 : vector<16xi32>
    %get3A_830 = arith.constant 1 : i32
    %get3A_831 = arith.index_cast %get3A_830 : i32 to index
    %get3A_832 = arith.constant 304 : index
    %get3A_833 = tpu.vector_load %arg11[%get3A_831, %get3A_832] {strides = array<i32>} : memref<5x512xi32, #tpu.memory_space<vmem>>, vector<1x16xi32>,
    %get3A_834 = vector.shape_cast %get3A_833 : vector<1x16xi32> to vector<16xi32>
    %mul3A_835 = arith.constant 4 : i32
    %mul3A_836 = vector.broadcast %mul3A_835 : i32 to vector<16xi32>
    %mul3A_837 = arith.muli %get3A_834, %mul3A_836 : vector<16xi32>
    %add3A_838 = arith.addi %mul3A_829, %mul3A_837 : vector<16xi32>
    %get3A_839 = arith.constant 2 : i32
    %get3A_840 = arith.index_cast %get3A_839 : i32 to index
    %get3A_841 = arith.constant 304 : index
    %get3A_842 = tpu.vector_load %arg11[%get3A_840, %get3A_841] {strides = array<i32>} : memref<5x512xi32, #tpu.memory_space<vmem>>, vector<1x16xi32>,
    %get3A_843 = vector.shape_cast %get3A_842 : vector<1x16xi32> to vector<16xi32>
    %add3A_844 = arith.addi %add3A_838, %get3A_843 : vector<16xi32>
    %swap3A_845 = arith.constant 0 : i32
    %swap3A_846 = arith.index_cast %swap3A_845 : i32 to index
    %swap3A_847 = arith.constant 48 : index
    %swap3A_848 = tpu.vector_load %arg12[%swap3A_846, %swap3A_847] {strides = array<i32>} : memref<2x128xi32, #tpu.memory_space<vmem>>, vector<1x16xi32>,
    %swap3A_849 = vector.shape_cast %swap3A_848 : vector<1x16xi32> to vector<16xi32>
    %swap3A_850 = vector.shape_cast %add3A_844 : vector<16xi32> to vector<1x16xi32>
    tpu.vector_store %arg12[%swap3A_846, %swap3A_847], %swap3A_850 {strides = array<i32>} : memref<2x128xi32, #tpu.memory_space<vmem>>, vector<1x16xi32>,
    %get3A_851 = arith.constant 0 : i32
    %get3A_852 = arith.index_cast %get3A_851 : i32 to index
    %get3A_853 = arith.constant 320 : index
    %get3A_854 = tpu.vector_load %arg11[%get3A_852, %get3A_853] {strides = array<i32>} : memref<5x512xi32, #tpu.memory_space<vmem>>, vector<1x16xi32>,
    %get3A_855 = vector.shape_cast %get3A_854 : vector<1x16xi32> to vector<16xi32>
    %mul3A_856 = arith.constant 32 : i32
    %mul3A_857 = vector.broadcast %mul3A_856 : i32 to vector<16xi32>
    %mul3A_858 = arith.muli %get3A_855, %mul3A_857 : vector<16xi32>
    %get3A_859 = arith.constant 1 : i32
    %get3A_860 = arith.index_cast %get3A_859 : i32 to index
    %get3A_861 = arith.constant 320 : index
    %get3A_862 = tpu.vector_load %arg11[%get3A_860, %get3A_861] {strides = array<i32>} : memref<5x512xi32, #tpu.memory_space<vmem>>, vector<1x16xi32>,
    %get3A_863 = vector.shape_cast %get3A_862 : vector<1x16xi32> to vector<16xi32>
    %mul3A_864 = arith.constant 4 : i32
    %mul3A_865 = vector.broadcast %mul3A_864 : i32 to vector<16xi32>
    %mul3A_866 = arith.muli %get3A_863, %mul3A_865 : vector<16xi32>
    %add3A_867 = arith.addi %mul3A_858, %mul3A_866 : vector<16xi32>
    %get3A_868 = arith.constant 2 : i32
    %get3A_869 = arith.index_cast %get3A_868 : i32 to index
    %get3A_870 = arith.constant 320 : index
    %get3A_871 = tpu.vector_load %arg11[%get3A_869, %get3A_870] {strides = array<i32>} : memref<5x512xi32, #tpu.memory_space<vmem>>, vector<1x16xi32>,
    %get3A_872 = vector.shape_cast %get3A_871 : vector<1x16xi32> to vector<16xi32>
    %add3A_873 = arith.addi %add3A_867, %get3A_872 : vector<16xi32>
    %swap3A_874 = arith.constant 0 : i32
    %swap3A_875 = arith.index_cast %swap3A_874 : i32 to index
    %swap3A_876 = arith.constant 64 : index
    %swap3A_877 = tpu.vector_load %arg12[%swap3A_875, %swap3A_876] {strides = array<i32>} : memref<2x128xi32, #tpu.memory_space<vmem>>, vector<1x16xi32>,
    %swap3A_878 = vector.shape_cast %swap3A_877 : vector<1x16xi32> to vector<16xi32>
    %swap3A_879 = vector.shape_cast %add3A_873 : vector<16xi32> to vector<1x16xi32>
    tpu.vector_store %arg12[%swap3A_875, %swap3A_876], %swap3A_879 {strides = array<i32>} : memref<2x128xi32, #tpu.memory_space<vmem>>, vector<1x16xi32>,
    %get3A_880 = arith.constant 0 : i32
    %get3A_881 = arith.index_cast %get3A_880 : i32 to index
    %get3A_882 = arith.constant 336 : index
    %get3A_883 = tpu.vector_load %arg11[%get3A_881, %get3A_882] {strides = array<i32>} : memref<5x512xi32, #tpu.memory_space<vmem>>, vector<1x16xi32>,
    %get3A_884 = vector.shape_cast %get3A_883 : vector<1x16xi32> to vector<16xi32>
    %mul3A_885 = arith.constant 32 : i32
    %mul3A_886 = vector.broadcast %mul3A_885 : i32 to vector<16xi32>
    %mul3A_887 = arith.muli %get3A_884, %mul3A_886 : vector<16xi32>
    %get3A_888 = arith.constant 1 : i32
    %get3A_889 = arith.index_cast %get3A_888 : i32 to index
    %get3A_890 = arith.constant 336 : index
    %get3A_891 = tpu.vector_load %arg11[%get3A_889, %get3A_890] {strides = array<i32>} : memref<5x512xi32, #tpu.memory_space<vmem>>, vector<1x16xi32>,
    %get3A_892 = vector.shape_cast %get3A_891 : vector<1x16xi32> to vector<16xi32>
    %mul3A_893 = arith.constant 4 : i32
    %mul3A_894 = vector.broadcast %mul3A_893 : i32 to vector<16xi32>
    %mul3A_895 = arith.muli %get3A_892, %mul3A_894 : vector<16xi32>
    %add3A_896 = arith.addi %mul3A_887, %mul3A_895 : vector<16xi32>
    %get3A_897 = arith.constant 2 : i32
    %get3A_898 = arith.index_cast %get3A_897 : i32 to index
    %get3A_899 = arith.constant 336 : index
    %get3A_900 = tpu.vector_load %arg11[%get3A_898, %get3A_899] {strides = array<i32>} : memref<5x512xi32, #tpu.memory_space<vmem>>, vector<1x16xi32>,
    %get3A_901 = vector.shape_cast %get3A_900 : vector<1x16xi32> to vector<16xi32>
    %add3A_902 = arith.addi %add3A_896, %get3A_901 : vector<16xi32>
    %swap3A_903 = arith.constant 0 : i32
    %swap3A_904 = arith.index_cast %swap3A_903 : i32 to index
    %swap3A_905 = arith.constant 80 : index
    %swap3A_906 = tpu.vector_load %arg12[%swap3A_904, %swap3A_905] {strides = array<i32>} : memref<2x128xi32, #tpu.memory_space<vmem>>, vector<1x16xi32>,
    %swap3A_907 = vector.shape_cast %swap3A_906 : vector<1x16xi32> to vector<16xi32>
    %swap3A_908 = vector.shape_cast %add3A_902 : vector<16xi32> to vector<1x16xi32>
    tpu.vector_store %arg12[%swap3A_904, %swap3A_905], %swap3A_908 {strides = array<i32>} : memref<2x128xi32, #tpu.memory_space<vmem>>, vector<1x16xi32>,
    %get3A_909 = arith.constant 0 : i32
    %get3A_910 = arith.index_cast %get3A_909 : i32 to index
    %get3A_911 = arith.constant 352 : index
    %get3A_912 = tpu.vector_load %arg11[%get3A_910, %get3A_911] {strides = array<i32>} : memref<5x512xi32, #tpu.memory_space<vmem>>, vector<1x16xi32>,
    %get3A_913 = vector.shape_cast %get3A_912 : vector<1x16xi32> to vector<16xi32>
    %mul3A_914 = arith.constant 32 : i32
    %mul3A_915 = vector.broadcast %mul3A_914 : i32 to vector<16xi32>
    %mul3A_916 = arith.muli %get3A_913, %mul3A_915 : vector<16xi32>
    %get3A_917 = arith.constant 1 : i32
    %get3A_918 = arith.index_cast %get3A_917 : i32 to index
    %get3A_919 = arith.constant 352 : index
    %get3A_920 = tpu.vector_load %arg11[%get3A_918, %get3A_919] {strides = array<i32>} : memref<5x512xi32, #tpu.memory_space<vmem>>, vector<1x16xi32>,
    %get3A_921 = vector.shape_cast %get3A_920 : vector<1x16xi32> to vector<16xi32>
    %mul3A_922 = arith.constant 4 : i32
    %mul3A_923 = vector.broadcast %mul3A_922 : i32 to vector<16xi32>
    %mul3A_924 = arith.muli %get3A_921, %mul3A_923 : vector<16xi32>
    %add3A_925 = arith.addi %mul3A_916, %mul3A_924 : vector<16xi32>
    %get3A_926 = arith.constant 2 : i32
    %get3A_927 = arith.index_cast %get3A_926 : i32 to index
    %get3A_928 = arith.constant 352 : index
    %get3A_929 = tpu.vector_load %arg11[%get3A_927, %get3A_928] {strides = array<i32>} : memref<5x512xi32, #tpu.memory_space<vmem>>, vector<1x16xi32>,
    %get3A_930 = vector.shape_cast %get3A_929 : vector<1x16xi32> to vector<16xi32>
    %add3A_931 = arith.addi %add3A_925, %get3A_930 : vector<16xi32>
    %swap3A_932 = arith.constant 0 : i32
    %swap3A_933 = arith.index_cast %swap3A_932 : i32 to index
    %swap3A_934 = arith.constant 96 : index
    %swap3A_935 = tpu.vector_load %arg12[%swap3A_933, %swap3A_934] {strides = array<i32>} : memref<2x128xi32, #tpu.memory_space<vmem>>, vector<1x16xi32>,
    %swap3A_936 = vector.shape_cast %swap3A_935 : vector<1x16xi32> to vector<16xi32>
    %swap3A_937 = vector.shape_cast %add3A_931 : vector<16xi32> to vector<1x16xi32>
    tpu.vector_store %arg12[%swap3A_933, %swap3A_934], %swap3A_937 {strides = array<i32>} : memref<2x128xi32, #tpu.memory_space<vmem>>, vector<1x16xi32>,
    %get3A_938 = arith.constant 0 : i32
    %get3A_939 = arith.index_cast %get3A_938 : i32 to index
    %get3A_940 = arith.constant 368 : index
    %get3A_941 = tpu.vector_load %arg11[%get3A_939, %get3A_940] {strides = array<i32>} : memref<5x512xi32, #tpu.memory_space<vmem>>, vector<1x16xi32>,
    %get3A_942 = vector.shape_cast %get3A_941 : vector<1x16xi32> to vector<16xi32>
    %mul3A_943 = arith.constant 32 : i32
    %mul3A_944 = vector.broadcast %mul3A_943 : i32 to vector<16xi32>
    %mul3A_945 = arith.muli %get3A_942, %mul3A_944 : vector<16xi32>
    %get3A_946 = arith.constant 1 : i32
    %get3A_947 = arith.index_cast %get3A_946 : i32 to index
    %get3A_948 = arith.constant 368 : index
    %get3A_949 = tpu.vector_load %arg11[%get3A_947, %get3A_948] {strides = array<i32>} : memref<5x512xi32, #tpu.memory_space<vmem>>, vector<1x16xi32>,
    %get3A_950 = vector.shape_cast %get3A_949 : vector<1x16xi32> to vector<16xi32>
    %mul3A_951 = arith.constant 4 : i32
    %mul3A_952 = vector.broadcast %mul3A_951 : i32 to vector<16xi32>
    %mul3A_953 = arith.muli %get3A_950, %mul3A_952 : vector<16xi32>
    %add3A_954 = arith.addi %mul3A_945, %mul3A_953 : vector<16xi32>
    %get3A_955 = arith.constant 2 : i32
    %get3A_956 = arith.index_cast %get3A_955 : i32 to index
    %get3A_957 = arith.constant 368 : index
    %get3A_958 = tpu.vector_load %arg11[%get3A_956, %get3A_957] {strides = array<i32>} : memref<5x512xi32, #tpu.memory_space<vmem>>, vector<1x16xi32>,
    %get3A_959 = vector.shape_cast %get3A_958 : vector<1x16xi32> to vector<16xi32>
    %add3A_960 = arith.addi %add3A_954, %get3A_959 : vector<16xi32>
    %swap3A_961 = arith.constant 0 : i32
    %swap3A_962 = arith.index_cast %swap3A_961 : i32 to index
    %swap3A_963 = arith.constant 112 : index
    %swap3A_964 = tpu.vector_load %arg12[%swap3A_962, %swap3A_963] {strides = array<i32>} : memref<2x128xi32, #tpu.memory_space<vmem>>, vector<1x16xi32>,
    %swap3A_965 = vector.shape_cast %swap3A_964 : vector<1x16xi32> to vector<16xi32>
    %swap3A_966 = vector.shape_cast %add3A_960 : vector<16xi32> to vector<1x16xi32>
    tpu.vector_store %arg12[%swap3A_962, %swap3A_963], %swap3A_966 {strides = array<i32>} : memref<2x128xi32, #tpu.memory_space<vmem>>, vector<1x16xi32>,
    %dma_start3A_967 = arith.constant 0 : i32
    %dma_start3A_968 = arith.constant 0 : i32
    %dma_start3A_969 = arith.constant 0 : i32
    %dma_start3A_970 = arith.constant 0 : i32
    %dma_start3A_971 = arith.constant 0 : i32
    %dma_start3A_972 = tpu.memref_slice %arg13[%dma_start3A_968, %dma_start3A_969, %dma_start3A_970, %dma_start3A_971] : memref<2x3x128x128xf32, #tpu.memory_space<vmem>> -> memref<1x1x128x128xf32, #tpu.memory_space<vmem>>
    %dma_start3A_973 = tpu.memref_squeeze %dma_start3A_972 : memref<1x1x128x128xf32, #tpu.memory_space<vmem>> -> memref<128x128xf32, #tpu.memory_space<vmem>>
    %dma_start3A_974 = arith.constant 0 : i32
    %dma_start3A_975 = tpu.memref_slice %arg12[%dma_start3A_967, %dma_start3A_974] : memref<2x128xi32, #tpu.memory_space<vmem>> -> memref<1x128xi32, #tpu.memory_space<vmem>>
    %dma_start3A_976 = tpu.memref_squeeze %dma_start3A_975 : memref<1x128xi32, #tpu.memory_space<vmem>> -> memref<128xi32, #tpu.memory_space<vmem>>
    %dma_start3A_977 = arith.constant 0 : i32
    %dma_start3A_978 = arith.constant 0 : i32
    %dma_start3A_979 = tpu.memref_slice %arg14[%dma_start3A_977, %dma_start3A_978] : memref<1024x128xf32, #tpu.memory_space<vmem_shared>> -> memref<1024x128xf32, #tpu.memory_space<vmem_shared>>
    tpu.enqueue_indirect_dma source(%dma_start3A_979 : memref<1024x128xf32, #tpu.memory_space<vmem_shared>>) target(%dma_start3A_973 : memref<128x128xf32, #tpu.memory_space<vmem>>) offsets(%dma_start3A_976 : memref<128xi32, #tpu.memory_space<vmem>>) semaphore(%arg17 : memref<!tpu.dma_semaphore, #tpu.memory_space<semaphore_mem>>)
    %dma_start3A_980 = arith.constant 3 : i32
    %dma_start3A_981 = arith.constant 0 : i32
    %dma_start3A_982 = arith.constant 1 : i32
    %dma_start3A_983 = arith.constant 0 : i32
    %dma_start3A_984 = arith.constant 0 : i32
    %dma_start3A_985 = tpu.memref_slice %arg13[%dma_start3A_981, %dma_start3A_982, %dma_start3A_983, %dma_start3A_984] : memref<2x3x128x128xf32, #tpu.memory_space<vmem>> -> memref<1x1x128x128xf32, #tpu.memory_space<vmem>>
    %dma_start3A_986 = tpu.memref_squeeze %dma_start3A_985 : memref<1x1x128x128xf32, #tpu.memory_space<vmem>> -> memref<128x128xf32, #tpu.memory_space<vmem>>
    %dma_start3A_987 = arith.constant 256 : i32
    %dma_start3A_988 = tpu.memref_slice %arg11[%dma_start3A_980, %dma_start3A_987] : memref<5x512xi32, #tpu.memory_space<vmem>> -> memref<1x128xi32, #tpu.memory_space<vmem>>
    %dma_start3A_989 = tpu.memref_squeeze %dma_start3A_988 : memref<1x128xi32, #tpu.memory_space<vmem>> -> memref<128xi32, #tpu.memory_space<vmem>>
    %dma_start3A_990 = arith.constant 0 : i32
    %dma_start3A_991 = arith.constant 0 : i32
    %dma_start3A_992 = tpu.memref_slice %arg15[%dma_start3A_990, %dma_start3A_991] : memref<64x128xf32, #tpu.memory_space<vmem_shared>> -> memref<64x128xf32, #tpu.memory_space<vmem_shared>>
    tpu.enqueue_indirect_dma source(%dma_start3A_992 : memref<64x128xf32, #tpu.memory_space<vmem_shared>>) target(%dma_start3A_986 : memref<128x128xf32, #tpu.memory_space<vmem>>) offsets(%dma_start3A_989 : memref<128xi32, #tpu.memory_space<vmem>>) semaphore(%arg17 : memref<!tpu.dma_semaphore, #tpu.memory_space<semaphore_mem>>)
    %dma_start3A_993 = arith.constant 4 : i32
    %dma_start3A_994 = arith.constant 0 : i32
    %dma_start3A_995 = arith.constant 2 : i32
    %dma_start3A_996 = arith.constant 0 : i32
    %dma_start3A_997 = arith.constant 0 : i32
    %dma_start3A_998 = tpu.memref_slice %arg13[%dma_start3A_994, %dma_start3A_995, %dma_start3A_996, %dma_start3A_997] : memref<2x3x128x128xf32, #tpu.memory_space<vmem>> -> memref<1x1x128x128xf32, #tpu.memory_space<vmem>>
    %dma_start3A_999 = tpu.memref_squeeze %dma_start3A_998 : memref<1x1x128x128xf32, #tpu.memory_space<vmem>> -> memref<128x128xf32, #tpu.memory_space<vmem>>
    %dma_start3A_1000 = arith.constant 256 : i32
    %dma_start3A_1001 = tpu.memref_slice %arg11[%dma_start3A_993, %dma_start3A_1000] : memref<5x512xi32, #tpu.memory_space<vmem>> -> memref<1x128xi32, #tpu.memory_space<vmem>>
    %dma_start3A_1002 = tpu.memref_squeeze %dma_start3A_1001 : memref<1x128xi32, #tpu.memory_space<vmem>> -> memref<128xi32, #tpu.memory_space<vmem>>
    %dma_start3A_1003 = arith.constant 0 : i32
    %dma_start3A_1004 = arith.constant 0 : i32
    %dma_start3A_1005 = tpu.memref_slice %arg16[%dma_start3A_1003, %dma_start3A_1004] : memref<512x128xf32, #tpu.memory_space<vmem_shared>> -> memref<512x128xf32, #tpu.memory_space<vmem_shared>>
    tpu.enqueue_indirect_dma source(%dma_start3A_1005 : memref<512x128xf32, #tpu.memory_space<vmem_shared>>) target(%dma_start3A_999 : memref<128x128xf32, #tpu.memory_space<vmem>>) offsets(%dma_start3A_1002 : memref<128xi32, #tpu.memory_space<vmem>>) semaphore(%arg17 : memref<!tpu.dma_semaphore, #tpu.memory_space<semaphore_mem>>)
    %dma_wait3A_1006 = arith.constant 1 : i32
    %dma_wait3A_1007 = arith.constant 1 : i32
    %dma_wait3A_1008 = arith.constant 0 : i32
    %dma_wait3A_1009 = arith.constant 0 : i32
    %dma_wait3A_1010 = arith.constant 0 : i32
    %dma_wait3A_1011 = tpu.memref_slice %arg13[%dma_wait3A_1007, %dma_wait3A_1008, %dma_wait3A_1009, %dma_wait3A_1010] : memref<2x3x128x128xf32, #tpu.memory_space<vmem>> -> memref<1x1x128x128xf32, #tpu.memory_space<vmem>>
    %dma_wait3A_1012 = tpu.memref_squeeze %dma_wait3A_1011 : memref<1x1x128x128xf32, #tpu.memory_space<vmem>> -> memref<128x128xf32, #tpu.memory_space<vmem>>
    %dma_wait3A_1013 = arith.constant 0 : i32
    %dma_wait3A_1014 = tpu.memref_slice %arg12[%dma_wait3A_1006, %dma_wait3A_1013] : memref<2x128xi32, #tpu.memory_space<vmem>> -> memref<1x128xi32, #tpu.memory_space<vmem>>
    %dma_wait3A_1015 = tpu.memref_squeeze %dma_wait3A_1014 : memref<1x128xi32, #tpu.memory_space<vmem>> -> memref<128xi32, #tpu.memory_space<vmem>>
    %dma_wait3A_1016 = arith.constant 0 : i32
    %dma_wait3A_1017 = arith.constant 0 : i32
    %dma_wait3A_1018 = tpu.memref_slice %arg14[%dma_wait3A_1016, %dma_wait3A_1017] : memref<1024x128xf32, #tpu.memory_space<vmem_shared>> -> memref<1024x128xf32, #tpu.memory_space<vmem_shared>>
    tpu.wait_indirect_dma semaphore(%arg17 : memref<!tpu.dma_semaphore, #tpu.memory_space<semaphore_mem>>) src(%dma_wait3A_1018 : memref<1024x128xf32, #tpu.memory_space<vmem_shared>>) dst(%dma_wait3A_1012 : memref<128x128xf32, #tpu.memory_space<vmem>>)
    %dma_wait3A_1019 = arith.constant 3 : i32
    %dma_wait3A_1020 = arith.constant 1 : i32
    %dma_wait3A_1021 = arith.constant 1 : i32
    %dma_wait3A_1022 = arith.constant 0 : i32
    %dma_wait3A_1023 = arith.constant 0 : i32
    %dma_wait3A_1024 = tpu.memref_slice %arg13[%dma_wait3A_1020, %dma_wait3A_1021, %dma_wait3A_1022, %dma_wait3A_1023] : memref<2x3x128x128xf32, #tpu.memory_space<vmem>> -> memref<1x1x128x128xf32, #tpu.memory_space<vmem>>
    %dma_wait3A_1025 = tpu.memref_squeeze %dma_wait3A_1024 : memref<1x1x128x128xf32, #tpu.memory_space<vmem>> -> memref<128x128xf32, #tpu.memory_space<vmem>>
    %dma_wait3A_1026 = arith.constant 128 : i32
    %dma_wait3A_1027 = tpu.memref_slice %arg11[%dma_wait3A_1019, %dma_wait3A_1026] : memref<5x512xi32, #tpu.memory_space<vmem>> -> memref<1x128xi32, #tpu.memory_space<vmem>>
    %dma_wait3A_1028 = tpu.memref_squeeze %dma_wait3A_1027 : memref<1x128xi32, #tpu.memory_space<vmem>> -> memref<128xi32, #tpu.memory_space<vmem>>
    %dma_wait3A_1029 = arith.constant 0 : i32
    %dma_wait3A_1030 = arith.constant 0 : i32
    %dma_wait3A_1031 = tpu.memref_slice %arg15[%dma_wait3A_1029, %dma_wait3A_1030] : memref<64x128xf32, #tpu.memory_space<vmem_shared>> -> memref<64x128xf32, #tpu.memory_space<vmem_shared>>
    tpu.wait_indirect_dma semaphore(%arg17 : memref<!tpu.dma_semaphore, #tpu.memory_space<semaphore_mem>>) src(%dma_wait3A_1031 : memref<64x128xf32, #tpu.memory_space<vmem_shared>>) dst(%dma_wait3A_1025 : memref<128x128xf32, #tpu.memory_space<vmem>>)
    %dma_wait3A_1032 = arith.constant 4 : i32
    %dma_wait3A_1033 = arith.constant 1 : i32
    %dma_wait3A_1034 = arith.constant 2 : i32
    %dma_wait3A_1035 = arith.constant 0 : i32
    %dma_wait3A_1036 = arith.constant 0 : i32
    %dma_wait3A_1037 = tpu.memref_slice %arg13[%dma_wait3A_1033, %dma_wait3A_1034, %dma_wait3A_1035, %dma_wait3A_1036] : memref<2x3x128x128xf32, #tpu.memory_space<vmem>> -> memref<1x1x128x128xf32, #tpu.memory_space<vmem>>
    %dma_wait3A_1038 = tpu.memref_squeeze %dma_wait3A_1037 : memref<1x1x128x128xf32, #tpu.memory_space<vmem>> -> memref<128x128xf32, #tpu.memory_space<vmem>>
    %dma_wait3A_1039 = arith.constant 128 : i32
    %dma_wait3A_1040 = tpu.memref_slice %arg11[%dma_wait3A_1032, %dma_wait3A_1039] : memref<5x512xi32, #tpu.memory_space<vmem>> -> memref<1x128xi32, #tpu.memory_space<vmem>>
    %dma_wait3A_1041 = tpu.memref_squeeze %dma_wait3A_1040 : memref<1x128xi32, #tpu.memory_space<vmem>> -> memref<128xi32, #tpu.memory_space<vmem>>
    %dma_wait3A_1042 = arith.constant 0 : i32
    %dma_wait3A_1043 = arith.constant 0 : i32
    %dma_wait3A_1044 = tpu.memref_slice %arg16[%dma_wait3A_1042, %dma_wait3A_1043] : memref<512x128xf32, #tpu.memory_space<vmem_shared>> -> memref<512x128xf32, #tpu.memory_space<vmem_shared>>
    tpu.wait_indirect_dma semaphore(%arg17 : memref<!tpu.dma_semaphore, #tpu.memory_space<semaphore_mem>>) src(%dma_wait3A_1044 : memref<512x128xf32, #tpu.memory_space<vmem_shared>>) dst(%dma_wait3A_1038 : memref<128x128xf32, #tpu.memory_space<vmem>>)
    %scan3A_1045 = arith.constant 0 : i32
    %scan3A_1046 = arith.constant 0 : i32
    %scan3A_1047 = arith.constant 128 : i32
    %scan3A_1048 = arith.addi %scan3A_1046, %scan3A_1047 : i32
    %scan3A_1049 = arith.constant 1 : i32
    scf.for %scan3A_1502 = %scan3A_1046 to %scan3A_1048 step %scan3A_1049  : i32 {
      %get3A_1503 = arith.constant 1 : i32
      %get3A_1504 = arith.constant 0 : i32
      %get3A_1505 = arith.index_cast %get3A_1503 : i32 to index
      %get3A_1506 = arith.index_cast %get3A_1504 : i32 to index
      %get3A_1507 = arith.index_cast %scan3A_1502 : i32 to index
      %get3A_1508 = arith.constant 0 : index
      %get3A_1509 = tpu.vector_load %arg13[%get3A_1505, %get3A_1506, %get3A_1507, %get3A_1508] {strides = array<i32>} : memref<2x3x128x128xf32, #tpu.memory_space<vmem>>, vector<1x1x1x16xf32>,
      %get3A_1510 = vector.shape_cast %get3A_1509 : vector<1x1x1x16xf32> to vector<16xf32>
      %get3A_1511 = arith.constant 1 : i32
      %get3A_1512 = arith.constant 1 : i32
      %get3A_1513 = arith.index_cast %get3A_1511 : i32 to index
      %get3A_1514 = arith.index_cast %get3A_1512 : i32 to index
      %get3A_1515 = arith.index_cast %scan3A_1502 : i32 to index
      %get3A_1516 = arith.constant 0 : index
      %get3A_1517 = tpu.vector_load %arg13[%get3A_1513, %get3A_1514, %get3A_1515, %get3A_1516] {strides = array<i32>} : memref<2x3x128x128xf32, #tpu.memory_space<vmem>>, vector<1x1x1x16xf32>,
      %get3A_1518 = vector.shape_cast %get3A_1517 : vector<1x1x1x16xf32> to vector<16xf32>
      %add3A_1519 = arith.addf %get3A_1510, %get3A_1518 : vector<16xf32>
      %get3A_1520 = arith.constant 1 : i32
      %get3A_1521 = arith.constant 2 : i32
      %get3A_1522 = arith.index_cast %get3A_1520 : i32 to index
      %get3A_1523 = arith.index_cast %get3A_1521 : i32 to index
      %get3A_1524 = arith.index_cast %scan3A_1502 : i32 to index
      %get3A_1525 = arith.constant 0 : index
      %get3A_1526 = tpu.vector_load %arg13[%get3A_1522, %get3A_1523, %get3A_1524, %get3A_1525] {strides = array<i32>} : memref<2x3x128x128xf32, #tpu.memory_space<vmem>>, vector<1x1x1x16xf32>,
      %get3A_1527 = vector.shape_cast %get3A_1526 : vector<1x1x1x16xf32> to vector<16xf32>
      %add3A_1528 = arith.addf %add3A_1519, %get3A_1527 : vector<16xf32>
      %swap3A_1529 = arith.constant 1 : i32
      %swap3A_1530 = arith.constant 0 : i32
      %swap3A_1531 = arith.index_cast %swap3A_1529 : i32 to index
      %swap3A_1532 = arith.index_cast %swap3A_1530 : i32 to index
      %swap3A_1533 = arith.index_cast %scan3A_1502 : i32 to index
      %swap3A_1534 = arith.constant 0 : index
      %swap3A_1535 = tpu.vector_load %arg13[%swap3A_1531, %swap3A_1532, %swap3A_1533, %swap3A_1534] {strides = array<i32>} : memref<2x3x128x128xf32, #tpu.memory_space<vmem>>, vector<1x1x1x16xf32>,
      %swap3A_1536 = vector.shape_cast %swap3A_1535 : vector<1x1x1x16xf32> to vector<16xf32>
      %swap3A_1537 = vector.shape_cast %add3A_1528 : vector<16xf32> to vector<1x1x1x16xf32>
      tpu.vector_store %arg13[%swap3A_1531, %swap3A_1532, %swap3A_1533, %swap3A_1534], %swap3A_1537 {strides = array<i32>} : memref<2x3x128x128xf32, #tpu.memory_space<vmem>>, vector<1x1x1x16xf32>,
      %get3A_1538 = arith.constant 1 : i32
      %get3A_1539 = arith.constant 0 : i32
      %get3A_1540 = arith.index_cast %get3A_1538 : i32 to index
      %get3A_1541 = arith.index_cast %get3A_1539 : i32 to index
      %get3A_1542 = arith.index_cast %scan3A_1502 : i32 to index
      %get3A_1543 = arith.constant 16 : index
      %get3A_1544 = tpu.vector_load %arg13[%get3A_1540, %get3A_1541, %get3A_1542, %get3A_1543] {strides = array<i32>} : memref<2x3x128x128xf32, #tpu.memory_space<vmem>>, vector<1x1x1x16xf32>,
      %get3A_1545 = vector.shape_cast %get3A_1544 : vector<1x1x1x16xf32> to vector<16xf32>
      %get3A_1546 = arith.constant 1 : i32
      %get3A_1547 = arith.constant 1 : i32
      %get3A_1548 = arith.index_cast %get3A_1546 : i32 to index
      %get3A_1549 = arith.index_cast %get3A_1547 : i32 to index
      %get3A_1550 = arith.index_cast %scan3A_1502 : i32 to index
      %get3A_1551 = arith.constant 16 : index
      %get3A_1552 = tpu.vector_load %arg13[%get3A_1548, %get3A_1549, %get3A_1550, %get3A_1551] {strides = array<i32>} : memref<2x3x128x128xf32, #tpu.memory_space<vmem>>, vector<1x1x1x16xf32>,
      %get3A_1553 = vector.shape_cast %get3A_1552 : vector<1x1x1x16xf32> to vector<16xf32>
      %add3A_1554 = arith.addf %get3A_1545, %get3A_1553 : vector<16xf32>
      %get3A_1555 = arith.constant 1 : i32
      %get3A_1556 = arith.constant 2 : i32
      %get3A_1557 = arith.index_cast %get3A_1555 : i32 to index
      %get3A_1558 = arith.index_cast %get3A_1556 : i32 to index
      %get3A_1559 = arith.index_cast %scan3A_1502 : i32 to index
      %get3A_1560 = arith.constant 16 : index
      %get3A_1561 = tpu.vector_load %arg13[%get3A_1557, %get3A_1558, %get3A_1559, %get3A_1560] {strides = array<i32>} : memref<2x3x128x128xf32, #tpu.memory_space<vmem>>, vector<1x1x1x16xf32>,
      %get3A_1562 = vector.shape_cast %get3A_1561 : vector<1x1x1x16xf32> to vector<16xf32>
      %add3A_1563 = arith.addf %add3A_1554, %get3A_1562 : vector<16xf32>
      %swap3A_1564 = arith.constant 1 : i32
      %swap3A_1565 = arith.constant 0 : i32
      %swap3A_1566 = arith.index_cast %swap3A_1564 : i32 to index
      %swap3A_1567 = arith.index_cast %swap3A_1565 : i32 to index
      %swap3A_1568 = arith.index_cast %scan3A_1502 : i32 to index
      %swap3A_1569 = arith.constant 16 : index
      %swap3A_1570 = tpu.vector_load %arg13[%swap3A_1566, %swap3A_1567, %swap3A_1568, %swap3A_1569] {strides = array<i32>} : memref<2x3x128x128xf32, #tpu.memory_space<vmem>>, vector<1x1x1x16xf32>,
      %swap3A_1571 = vector.shape_cast %swap3A_1570 : vector<1x1x1x16xf32> to vector<16xf32>
      %swap3A_1572 = vector.shape_cast %add3A_1563 : vector<16xf32> to vector<1x1x1x16xf32>
      tpu.vector_store %arg13[%swap3A_1566, %swap3A_1567, %swap3A_1568, %swap3A_1569], %swap3A_1572 {strides = array<i32>} : memref<2x3x128x128xf32, #tpu.memory_space<vmem>>, vector<1x1x1x16xf32>,
      %get3A_1573 = arith.constant 1 : i32
      %get3A_1574 = arith.constant 0 : i32
      %get3A_1575 = arith.index_cast %get3A_1573 : i32 to index
      %get3A_1576 = arith.index_cast %get3A_1574 : i32 to index
      %get3A_1577 = arith.index_cast %scan3A_1502 : i32 to index
      %get3A_1578 = arith.constant 32 : index
      %get3A_1579 = tpu.vector_load %arg13[%get3A_1575, %get3A_1576, %get3A_1577, %get3A_1578] {strides = array<i32>} : memref<2x3x128x128xf32, #tpu.memory_space<vmem>>, vector<1x1x1x16xf32>,
      %get3A_1580 = vector.shape_cast %get3A_1579 : vector<1x1x1x16xf32> to vector<16xf32>
      %get3A_1581 = arith.constant 1 : i32
      %get3A_1582 = arith.constant 1 : i32
      %get3A_1583 = arith.index_cast %get3A_1581 : i32 to index
      %get3A_1584 = arith.index_cast %get3A_1582 : i32 to index
      %get3A_1585 = arith.index_cast %scan3A_1502 : i32 to index
      %get3A_1586 = arith.constant 32 : index
      %get3A_1587 = tpu.vector_load %arg13[%get3A_1583, %get3A_1584, %get3A_1585, %get3A_1586] {strides = array<i32>} : memref<2x3x128x128xf32, #tpu.memory_space<vmem>>, vector<1x1x1x16xf32>,
      %get3A_1588 = vector.shape_cast %get3A_1587 : vector<1x1x1x16xf32> to vector<16xf32>
      %add3A_1589 = arith.addf %get3A_1580, %get3A_1588 : vector<16xf32>
      %get3A_1590 = arith.constant 1 : i32
      %get3A_1591 = arith.constant 2 : i32
      %get3A_1592 = arith.index_cast %get3A_1590 : i32 to index
      %get3A_1593 = arith.index_cast %get3A_1591 : i32 to index
      %get3A_1594 = arith.index_cast %scan3A_1502 : i32 to index
      %get3A_1595 = arith.constant 32 : index
      %get3A_1596 = tpu.vector_load %arg13[%get3A_1592, %get3A_1593, %get3A_1594, %get3A_1595] {strides = array<i32>} : memref<2x3x128x128xf32, #tpu.memory_space<vmem>>, vector<1x1x1x16xf32>,
      %get3A_1597 = vector.shape_cast %get3A_1596 : vector<1x1x1x16xf32> to vector<16xf32>
      %add3A_1598 = arith.addf %add3A_1589, %get3A_1597 : vector<16xf32>
      %swap3A_1599 = arith.constant 1 : i32
      %swap3A_1600 = arith.constant 0 : i32
      %swap3A_1601 = arith.index_cast %swap3A_1599 : i32 to index
      %swap3A_1602 = arith.index_cast %swap3A_1600 : i32 to index
      %swap3A_1603 = arith.index_cast %scan3A_1502 : i32 to index
      %swap3A_1604 = arith.constant 32 : index
      %swap3A_1605 = tpu.vector_load %arg13[%swap3A_1601, %swap3A_1602, %swap3A_1603, %swap3A_1604] {strides = array<i32>} : memref<2x3x128x128xf32, #tpu.memory_space<vmem>>, vector<1x1x1x16xf32>,
      %swap3A_1606 = vector.shape_cast %swap3A_1605 : vector<1x1x1x16xf32> to vector<16xf32>
      %swap3A_1607 = vector.shape_cast %add3A_1598 : vector<16xf32> to vector<1x1x1x16xf32>
      tpu.vector_store %arg13[%swap3A_1601, %swap3A_1602, %swap3A_1603, %swap3A_1604], %swap3A_1607 {strides = array<i32>} : memref<2x3x128x128xf32, #tpu.memory_space<vmem>>, vector<1x1x1x16xf32>,
      %get3A_1608 = arith.constant 1 : i32
      %get3A_1609 = arith.constant 0 : i32
      %get3A_1610 = arith.index_cast %get3A_1608 : i32 to index
      %get3A_1611 = arith.index_cast %get3A_1609 : i32 to index
      %get3A_1612 = arith.index_cast %scan3A_1502 : i32 to index
      %get3A_1613 = arith.constant 48 : index
      %get3A_1614 = tpu.vector_load %arg13[%get3A_1610, %get3A_1611, %get3A_1612, %get3A_1613] {strides = array<i32>} : memref<2x3x128x128xf32, #tpu.memory_space<vmem>>, vector<1x1x1x16xf32>,
      %get3A_1615 = vector.shape_cast %get3A_1614 : vector<1x1x1x16xf32> to vector<16xf32>
      %get3A_1616 = arith.constant 1 : i32
      %get3A_1617 = arith.constant 1 : i32
      %get3A_1618 = arith.index_cast %get3A_1616 : i32 to index
      %get3A_1619 = arith.index_cast %get3A_1617 : i32 to index
      %get3A_1620 = arith.index_cast %scan3A_1502 : i32 to index
      %get3A_1621 = arith.constant 48 : index
      %get3A_1622 = tpu.vector_load %arg13[%get3A_1618, %get3A_1619, %get3A_1620, %get3A_1621] {strides = array<i32>} : memref<2x3x128x128xf32, #tpu.memory_space<vmem>>, vector<1x1x1x16xf32>,
      %get3A_1623 = vector.shape_cast %get3A_1622 : vector<1x1x1x16xf32> to vector<16xf32>
      %add3A_1624 = arith.addf %get3A_1615, %get3A_1623 : vector<16xf32>
      %get3A_1625 = arith.constant 1 : i32
      %get3A_1626 = arith.constant 2 : i32
      %get3A_1627 = arith.index_cast %get3A_1625 : i32 to index
      %get3A_1628 = arith.index_cast %get3A_1626 : i32 to index
      %get3A_1629 = arith.index_cast %scan3A_1502 : i32 to index
      %get3A_1630 = arith.constant 48 : index
      %get3A_1631 = tpu.vector_load %arg13[%get3A_1627, %get3A_1628, %get3A_1629, %get3A_1630] {strides = array<i32>} : memref<2x3x128x128xf32, #tpu.memory_space<vmem>>, vector<1x1x1x16xf32>,
      %get3A_1632 = vector.shape_cast %get3A_1631 : vector<1x1x1x16xf32> to vector<16xf32>
      %add3A_1633 = arith.addf %add3A_1624, %get3A_1632 : vector<16xf32>
      %swap3A_1634 = arith.constant 1 : i32
      %swap3A_1635 = arith.constant 0 : i32
      %swap3A_1636 = arith.index_cast %swap3A_1634 : i32 to index
      %swap3A_1637 = arith.index_cast %swap3A_1635 : i32 to index
      %swap3A_1638 = arith.index_cast %scan3A_1502 : i32 to index
      %swap3A_1639 = arith.constant 48 : index
      %swap3A_1640 = tpu.vector_load %arg13[%swap3A_1636, %swap3A_1637, %swap3A_1638, %swap3A_1639] {strides = array<i32>} : memref<2x3x128x128xf32, #tpu.memory_space<vmem>>, vector<1x1x1x16xf32>,
      %swap3A_1641 = vector.shape_cast %swap3A_1640 : vector<1x1x1x16xf32> to vector<16xf32>
      %swap3A_1642 = vector.shape_cast %add3A_1633 : vector<16xf32> to vector<1x1x1x16xf32>
      tpu.vector_store %arg13[%swap3A_1636, %swap3A_1637, %swap3A_1638, %swap3A_1639], %swap3A_1642 {strides = array<i32>} : memref<2x3x128x128xf32, #tpu.memory_space<vmem>>, vector<1x1x1x16xf32>,
      %get3A_1643 = arith.constant 1 : i32
      %get3A_1644 = arith.constant 0 : i32
      %get3A_1645 = arith.index_cast %get3A_1643 : i32 to index
      %get3A_1646 = arith.index_cast %get3A_1644 : i32 to index
      %get3A_1647 = arith.index_cast %scan3A_1502 : i32 to index
      %get3A_1648 = arith.constant 64 : index
      %get3A_1649 = tpu.vector_load %arg13[%get3A_1645, %get3A_1646, %get3A_1647, %get3A_1648] {strides = array<i32>} : memref<2x3x128x128xf32, #tpu.memory_space<vmem>>, vector<1x1x1x16xf32>,
      %get3A_1650 = vector.shape_cast %get3A_1649 : vector<1x1x1x16xf32> to vector<16xf32>
      %get3A_1651 = arith.constant 1 : i32
      %get3A_1652 = arith.constant 1 : i32
      %get3A_1653 = arith.index_cast %get3A_1651 : i32 to index
      %get3A_1654 = arith.index_cast %get3A_1652 : i32 to index
      %get3A_1655 = arith.index_cast %scan3A_1502 : i32 to index
      %get3A_1656 = arith.constant 64 : index
      %get3A_1657 = tpu.vector_load %arg13[%get3A_1653, %get3A_1654, %get3A_1655, %get3A_1656] {strides = array<i32>} : memref<2x3x128x128xf32, #tpu.memory_space<vmem>>, vector<1x1x1x16xf32>,
      %get3A_1658 = vector.shape_cast %get3A_1657 : vector<1x1x1x16xf32> to vector<16xf32>
      %add3A_1659 = arith.addf %get3A_1650, %get3A_1658 : vector<16xf32>
      %get3A_1660 = arith.constant 1 : i32
      %get3A_1661 = arith.constant 2 : i32
      %get3A_1662 = arith.index_cast %get3A_1660 : i32 to index
      %get3A_1663 = arith.index_cast %get3A_1661 : i32 to index
      %get3A_1664 = arith.index_cast %scan3A_1502 : i32 to index
      %get3A_1665 = arith.constant 64 : index
      %get3A_1666 = tpu.vector_load %arg13[%get3A_1662, %get3A_1663, %get3A_1664, %get3A_1665] {strides = array<i32>} : memref<2x3x128x128xf32, #tpu.memory_space<vmem>>, vector<1x1x1x16xf32>,
      %get3A_1667 = vector.shape_cast %get3A_1666 : vector<1x1x1x16xf32> to vector<16xf32>
      %add3A_1668 = arith.addf %add3A_1659, %get3A_1667 : vector<16xf32>
      %swap3A_1669 = arith.constant 1 : i32
      %swap3A_1670 = arith.constant 0 : i32
      %swap3A_1671 = arith.index_cast %swap3A_1669 : i32 to index
      %swap3A_1672 = arith.index_cast %swap3A_1670 : i32 to index
      %swap3A_1673 = arith.index_cast %scan3A_1502 : i32 to index
      %swap3A_1674 = arith.constant 64 : index
      %swap3A_1675 = tpu.vector_load %arg13[%swap3A_1671, %swap3A_1672, %swap3A_1673, %swap3A_1674] {strides = array<i32>} : memref<2x3x128x128xf32, #tpu.memory_space<vmem>>, vector<1x1x1x16xf32>,
      %swap3A_1676 = vector.shape_cast %swap3A_1675 : vector<1x1x1x16xf32> to vector<16xf32>
      %swap3A_1677 = vector.shape_cast %add3A_1668 : vector<16xf32> to vector<1x1x1x16xf32>
      tpu.vector_store %arg13[%swap3A_1671, %swap3A_1672, %swap3A_1673, %swap3A_1674], %swap3A_1677 {strides = array<i32>} : memref<2x3x128x128xf32, #tpu.memory_space<vmem>>, vector<1x1x1x16xf32>,
      %get3A_1678 = arith.constant 1 : i32
      %get3A_1679 = arith.constant 0 : i32
      %get3A_1680 = arith.index_cast %get3A_1678 : i32 to index
      %get3A_1681 = arith.index_cast %get3A_1679 : i32 to index
      %get3A_1682 = arith.index_cast %scan3A_1502 : i32 to index
      %get3A_1683 = arith.constant 80 : index
      %get3A_1684 = tpu.vector_load %arg13[%get3A_1680, %get3A_1681, %get3A_1682, %get3A_1683] {strides = array<i32>} : memref<2x3x128x128xf32, #tpu.memory_space<vmem>>, vector<1x1x1x16xf32>,
      %get3A_1685 = vector.shape_cast %get3A_1684 : vector<1x1x1x16xf32> to vector<16xf32>
      %get3A_1686 = arith.constant 1 : i32
      %get3A_1687 = arith.constant 1 : i32
      %get3A_1688 = arith.index_cast %get3A_1686 : i32 to index
      %get3A_1689 = arith.index_cast %get3A_1687 : i32 to index
      %get3A_1690 = arith.index_cast %scan3A_1502 : i32 to index
      %get3A_1691 = arith.constant 80 : index
      %get3A_1692 = tpu.vector_load %arg13[%get3A_1688, %get3A_1689, %get3A_1690, %get3A_1691] {strides = array<i32>} : memref<2x3x128x128xf32, #tpu.memory_space<vmem>>, vector<1x1x1x16xf32>,
      %get3A_1693 = vector.shape_cast %get3A_1692 : vector<1x1x1x16xf32> to vector<16xf32>
      %add3A_1694 = arith.addf %get3A_1685, %get3A_1693 : vector<16xf32>
      %get3A_1695 = arith.constant 1 : i32
      %get3A_1696 = arith.constant 2 : i32
      %get3A_1697 = arith.index_cast %get3A_1695 : i32 to index
      %get3A_1698 = arith.index_cast %get3A_1696 : i32 to index
      %get3A_1699 = arith.index_cast %scan3A_1502 : i32 to index
      %get3A_1700 = arith.constant 80 : index
      %get3A_1701 = tpu.vector_load %arg13[%get3A_1697, %get3A_1698, %get3A_1699, %get3A_1700] {strides = array<i32>} : memref<2x3x128x128xf32, #tpu.memory_space<vmem>>, vector<1x1x1x16xf32>,
      %get3A_1702 = vector.shape_cast %get3A_1701 : vector<1x1x1x16xf32> to vector<16xf32>
      %add3A_1703 = arith.addf %add3A_1694, %get3A_1702 : vector<16xf32>
      %swap3A_1704 = arith.constant 1 : i32
      %swap3A_1705 = arith.constant 0 : i32
      %swap3A_1706 = arith.index_cast %swap3A_1704 : i32 to index
      %swap3A_1707 = arith.index_cast %swap3A_1705 : i32 to index
      %swap3A_1708 = arith.index_cast %scan3A_1502 : i32 to index
      %swap3A_1709 = arith.constant 80 : index
      %swap3A_1710 = tpu.vector_load %arg13[%swap3A_1706, %swap3A_1707, %swap3A_1708, %swap3A_1709] {strides = array<i32>} : memref<2x3x128x128xf32, #tpu.memory_space<vmem>>, vector<1x1x1x16xf32>,
      %swap3A_1711 = vector.shape_cast %swap3A_1710 : vector<1x1x1x16xf32> to vector<16xf32>
      %swap3A_1712 = vector.shape_cast %add3A_1703 : vector<16xf32> to vector<1x1x1x16xf32>
      tpu.vector_store %arg13[%swap3A_1706, %swap3A_1707, %swap3A_1708, %swap3A_1709], %swap3A_1712 {strides = array<i32>} : memref<2x3x128x128xf32, #tpu.memory_space<vmem>>, vector<1x1x1x16xf32>,
      %get3A_1713 = arith.constant 1 : i32
      %get3A_1714 = arith.constant 0 : i32
      %get3A_1715 = arith.index_cast %get3A_1713 : i32 to index
      %get3A_1716 = arith.index_cast %get3A_1714 : i32 to index
      %get3A_1717 = arith.index_cast %scan3A_1502 : i32 to index
      %get3A_1718 = arith.constant 96 : index
      %get3A_1719 = tpu.vector_load %arg13[%get3A_1715, %get3A_1716, %get3A_1717, %get3A_1718] {strides = array<i32>} : memref<2x3x128x128xf32, #tpu.memory_space<vmem>>, vector<1x1x1x16xf32>,
      %get3A_1720 = vector.shape_cast %get3A_1719 : vector<1x1x1x16xf32> to vector<16xf32>
      %get3A_1721 = arith.constant 1 : i32
      %get3A_1722 = arith.constant 1 : i32
      %get3A_1723 = arith.index_cast %get3A_1721 : i32 to index
      %get3A_1724 = arith.index_cast %get3A_1722 : i32 to index
      %get3A_1725 = arith.index_cast %scan3A_1502 : i32 to index
      %get3A_1726 = arith.constant 96 : index
      %get3A_1727 = tpu.vector_load %arg13[%get3A_1723, %get3A_1724, %get3A_1725, %get3A_1726] {strides = array<i32>} : memref<2x3x128x128xf32, #tpu.memory_space<vmem>>, vector<1x1x1x16xf32>,
      %get3A_1728 = vector.shape_cast %get3A_1727 : vector<1x1x1x16xf32> to vector<16xf32>
      %add3A_1729 = arith.addf %get3A_1720, %get3A_1728 : vector<16xf32>
      %get3A_1730 = arith.constant 1 : i32
      %get3A_1731 = arith.constant 2 : i32
      %get3A_1732 = arith.index_cast %get3A_1730 : i32 to index
      %get3A_1733 = arith.index_cast %get3A_1731 : i32 to index
      %get3A_1734 = arith.index_cast %scan3A_1502 : i32 to index
      %get3A_1735 = arith.constant 96 : index
      %get3A_1736 = tpu.vector_load %arg13[%get3A_1732, %get3A_1733, %get3A_1734, %get3A_1735] {strides = array<i32>} : memref<2x3x128x128xf32, #tpu.memory_space<vmem>>, vector<1x1x1x16xf32>,
      %get3A_1737 = vector.shape_cast %get3A_1736 : vector<1x1x1x16xf32> to vector<16xf32>
      %add3A_1738 = arith.addf %add3A_1729, %get3A_1737 : vector<16xf32>
      %swap3A_1739 = arith.constant 1 : i32
      %swap3A_1740 = arith.constant 0 : i32
      %swap3A_1741 = arith.index_cast %swap3A_1739 : i32 to index
      %swap3A_1742 = arith.index_cast %swap3A_1740 : i32 to index
      %swap3A_1743 = arith.index_cast %scan3A_1502 : i32 to index
      %swap3A_1744 = arith.constant 96 : index
      %swap3A_1745 = tpu.vector_load %arg13[%swap3A_1741, %swap3A_1742, %swap3A_1743, %swap3A_1744] {strides = array<i32>} : memref<2x3x128x128xf32, #tpu.memory_space<vmem>>, vector<1x1x1x16xf32>,
      %swap3A_1746 = vector.shape_cast %swap3A_1745 : vector<1x1x1x16xf32> to vector<16xf32>
      %swap3A_1747 = vector.shape_cast %add3A_1738 : vector<16xf32> to vector<1x1x1x16xf32>
      tpu.vector_store %arg13[%swap3A_1741, %swap3A_1742, %swap3A_1743, %swap3A_1744], %swap3A_1747 {strides = array<i32>} : memref<2x3x128x128xf32, #tpu.memory_space<vmem>>, vector<1x1x1x16xf32>,
      %get3A_1748 = arith.constant 1 : i32
      %get3A_1749 = arith.constant 0 : i32
      %get3A_1750 = arith.index_cast %get3A_1748 : i32 to index
      %get3A_1751 = arith.index_cast %get3A_1749 : i32 to index
      %get3A_1752 = arith.index_cast %scan3A_1502 : i32 to index
      %get3A_1753 = arith.constant 112 : index
      %get3A_1754 = tpu.vector_load %arg13[%get3A_1750, %get3A_1751, %get3A_1752, %get3A_1753] {strides = array<i32>} : memref<2x3x128x128xf32, #tpu.memory_space<vmem>>, vector<1x1x1x16xf32>,
      %get3A_1755 = vector.shape_cast %get3A_1754 : vector<1x1x1x16xf32> to vector<16xf32>
      %get3A_1756 = arith.constant 1 : i32
      %get3A_1757 = arith.constant 1 : i32
      %get3A_1758 = arith.index_cast %get3A_1756 : i32 to index
      %get3A_1759 = arith.index_cast %get3A_1757 : i32 to index
      %get3A_1760 = arith.index_cast %scan3A_1502 : i32 to index
      %get3A_1761 = arith.constant 112 : index
      %get3A_1762 = tpu.vector_load %arg13[%get3A_1758, %get3A_1759, %get3A_1760, %get3A_1761] {strides = array<i32>} : memref<2x3x128x128xf32, #tpu.memory_space<vmem>>, vector<1x1x1x16xf32>,
      %get3A_1763 = vector.shape_cast %get3A_1762 : vector<1x1x1x16xf32> to vector<16xf32>
      %add3A_1764 = arith.addf %get3A_1755, %get3A_1763 : vector<16xf32>
      %get3A_1765 = arith.constant 1 : i32
      %get3A_1766 = arith.constant 2 : i32
      %get3A_1767 = arith.index_cast %get3A_1765 : i32 to index
      %get3A_1768 = arith.index_cast %get3A_1766 : i32 to index
      %get3A_1769 = arith.index_cast %scan3A_1502 : i32 to index
      %get3A_1770 = arith.constant 112 : index
      %get3A_1771 = tpu.vector_load %arg13[%get3A_1767, %get3A_1768, %get3A_1769, %get3A_1770] {strides = array<i32>} : memref<2x3x128x128xf32, #tpu.memory_space<vmem>>, vector<1x1x1x16xf32>,
      %get3A_1772 = vector.shape_cast %get3A_1771 : vector<1x1x1x16xf32> to vector<16xf32>
      %add3A_1773 = arith.addf %add3A_1764, %get3A_1772 : vector<16xf32>
      %swap3A_1774 = arith.constant 1 : i32
      %swap3A_1775 = arith.constant 0 : i32
      %swap3A_1776 = arith.index_cast %swap3A_1774 : i32 to index
      %swap3A_1777 = arith.index_cast %swap3A_1775 : i32 to index
      %swap3A_1778 = arith.index_cast %scan3A_1502 : i32 to index
      %swap3A_1779 = arith.constant 112 : index
      %swap3A_1780 = tpu.vector_load %arg13[%swap3A_1776, %swap3A_1777, %swap3A_1778, %swap3A_1779] {strides = array<i32>} : memref<2x3x128x128xf32, #tpu.memory_space<vmem>>, vector<1x1x1x16xf32>,
      %swap3A_1781 = vector.shape_cast %swap3A_1780 : vector<1x1x1x16xf32> to vector<16xf32>
      %swap3A_1782 = vector.shape_cast %add3A_1773 : vector<16xf32> to vector<1x1x1x16xf32>
      tpu.vector_store %arg13[%swap3A_1776, %swap3A_1777, %swap3A_1778, %swap3A_1779], %swap3A_1782 {strides = array<i32>} : memref<2x3x128x128xf32, #tpu.memory_space<vmem>>, vector<1x1x1x16xf32>,
    }
    %scan3A_1050 = arith.constant 128 : i32
    %add3A_1051 = arith.constant 128 : i32
    %add3A_1052 = arith.addi %mul3A_2, %add3A_1051 : i32
    %dma_start3A_1053 = arith.constant 1 : i32
    %dma_start3A_1054 = arith.constant 0 : i32
    %dma_start3A_1055 = arith.constant 0 : i32
    %dma_start3A_1056 = arith.constant 0 : i32
    %dma_start3A_1057 = tpu.memref_slice %arg13[%dma_start3A_1053, %dma_start3A_1054, %dma_start3A_1055, %dma_start3A_1056] : memref<2x3x128x128xf32, #tpu.memory_space<vmem>> -> memref<1x1x128x128xf32, #tpu.memory_space<vmem>>
    %dma_start3A_1058 = tpu.memref_squeeze %dma_start3A_1057 : memref<1x1x128x128xf32, #tpu.memory_space<vmem>> -> memref<128x128xf32, #tpu.memory_space<vmem>>
    %dma_start3A_1059 = arith.constant 0 : i32
    %dma_start3A_1060 = tpu.memref_slice %arg10[%add3A_1052, %dma_start3A_1059] : memref<16384x128xf32, #tpu.memory_space<hbm>> -> memref<128x128xf32, #tpu.memory_space<hbm>>
    %dma_start3A_1061 = arith.constant 0 : i32
    %dma_start3A_1062 = tpu.memref_slice %arg10[%add3A_1052, %dma_start3A_1061] : memref<16384x128xf32, #tpu.memory_space<hbm>> -> memref<128x128xf32, #tpu.memory_space<hbm>>
    %dma_start3A_1063 = arith.constant 0 : i32
    %dma_start3A_1064 = arith.constant 0 : i32
    %dma_start3A_1065 = tpu.memref_slice %arg13[%dma_start3A_1053, %dma_start3A_1054, %dma_start3A_1063, %dma_start3A_1064] : memref<2x3x128x128xf32, #tpu.memory_space<vmem>> -> memref<1x1x128x128xf32, #tpu.memory_space<vmem>>
    %dma_start3A_1066 = tpu.memref_squeeze %dma_start3A_1065 : memref<1x1x128x128xf32, #tpu.memory_space<vmem>> -> memref<128x128xf32, #tpu.memory_space<vmem>>
    tpu.enqueue_dma source(%dma_start3A_1066 : memref<128x128xf32, #tpu.memory_space<vmem>>) target(%dma_start3A_1062 : memref<128x128xf32, #tpu.memory_space<hbm>>) target_semaphore(%arg18 : memref<!tpu.dma_semaphore, #tpu.memory_space<semaphore_mem>>)
    %dma_wait3A_1067 = arith.constant 1 : i32
    %dma_wait3A_1068 = arith.constant 0 : i32
    %dma_wait3A_1069 = arith.constant 0 : i32
    %dma_wait3A_1070 = arith.constant 0 : i32
    %dma_wait3A_1071 = tpu.memref_slice %arg13[%dma_wait3A_1067, %dma_wait3A_1068, %dma_wait3A_1069, %dma_wait3A_1070] : memref<2x3x128x128xf32, #tpu.memory_space<vmem>> -> memref<1x1x128x128xf32, #tpu.memory_space<vmem>>
    %dma_wait3A_1072 = tpu.memref_squeeze %dma_wait3A_1071 : memref<1x1x128x128xf32, #tpu.memory_space<vmem>> -> memref<128x128xf32, #tpu.memory_space<vmem>>
    %dma_wait3A_1073 = arith.constant 0 : i32
    %dma_wait3A_1074 = tpu.memref_slice %arg10[%add3A_1052, %dma_wait3A_1073] : memref<16384x128xf32, #tpu.memory_space<hbm>> -> memref<128x128xf32, #tpu.memory_space<hbm>>
    %dma_wait3A_1075 = arith.constant 0 : i32
    %dma_wait3A_1076 = tpu.memref_slice %arg10[%add3A_1052, %dma_wait3A_1075] : memref<16384x128xf32, #tpu.memory_space<hbm>> -> memref<128x128xf32, #tpu.memory_space<hbm>>
    %dma_wait3A_1077 = arith.constant 0 : i32
    %dma_wait3A_1078 = arith.constant 0 : i32
    %dma_wait3A_1079 = tpu.memref_slice %arg13[%dma_wait3A_1067, %dma_wait3A_1068, %dma_wait3A_1077, %dma_wait3A_1078] : memref<2x3x128x128xf32, #tpu.memory_space<vmem>> -> memref<1x1x128x128xf32, #tpu.memory_space<vmem>>
    %dma_wait3A_1080 = tpu.memref_squeeze %dma_wait3A_1079 : memref<1x1x128x128xf32, #tpu.memory_space<vmem>> -> memref<128x128xf32, #tpu.memory_space<vmem>>
    tpu.wait_dma2 semaphore(%arg18 : memref<!tpu.dma_semaphore, #tpu.memory_space<semaphore_mem>>) src(%dma_wait3A_1080 : memref<128x128xf32, #tpu.memory_space<vmem>>) dst(%dma_wait3A_1076 : memref<128x128xf32, #tpu.memory_space<hbm>>)
    %get3A_1081 = arith.constant 0 : i32
    %get3A_1082 = arith.index_cast %get3A_1081 : i32 to index
    %get3A_1083 = arith.constant 384 : index
    %get3A_1084 = tpu.vector_load %arg11[%get3A_1082, %get3A_1083] {strides = array<i32>} : memref<5x512xi32, #tpu.memory_space<vmem>>, vector<1x16xi32>,
    %get3A_1085 = vector.shape_cast %get3A_1084 : vector<1x16xi32> to vector<16xi32>
    %mul3A_1086 = arith.constant 32 : i32
    %mul3A_1087 = vector.broadcast %mul3A_1086 : i32 to vector<16xi32>
    %mul3A_1088 = arith.muli %get3A_1085, %mul3A_1087 : vector<16xi32>
    %get3A_1089 = arith.constant 1 : i32
    %get3A_1090 = arith.index_cast %get3A_1089 : i32 to index
    %get3A_1091 = arith.constant 384 : index
    %get3A_1092 = tpu.vector_load %arg11[%get3A_1090, %get3A_1091] {strides = array<i32>} : memref<5x512xi32, #tpu.memory_space<vmem>>, vector<1x16xi32>,
    %get3A_1093 = vector.shape_cast %get3A_1092 : vector<1x16xi32> to vector<16xi32>
    %mul3A_1094 = arith.constant 4 : i32
    %mul3A_1095 = vector.broadcast %mul3A_1094 : i32 to vector<16xi32>
    %mul3A_1096 = arith.muli %get3A_1093, %mul3A_1095 : vector<16xi32>
    %add3A_1097 = arith.addi %mul3A_1088, %mul3A_1096 : vector<16xi32>
    %get3A_1098 = arith.constant 2 : i32
    %get3A_1099 = arith.index_cast %get3A_1098 : i32 to index
    %get3A_1100 = arith.constant 384 : index
    %get3A_1101 = tpu.vector_load %arg11[%get3A_1099, %get3A_1100] {strides = array<i32>} : memref<5x512xi32, #tpu.memory_space<vmem>>, vector<1x16xi32>,
    %get3A_1102 = vector.shape_cast %get3A_1101 : vector<1x16xi32> to vector<16xi32>
    %add3A_1103 = arith.addi %add3A_1097, %get3A_1102 : vector<16xi32>
    %swap3A_1104 = arith.constant 1 : i32
    %swap3A_1105 = arith.index_cast %swap3A_1104 : i32 to index
    %swap3A_1106 = arith.constant 0 : index
    %swap3A_1107 = tpu.vector_load %arg12[%swap3A_1105, %swap3A_1106] {strides = array<i32>} : memref<2x128xi32, #tpu.memory_space<vmem>>, vector<1x16xi32>,
    %swap3A_1108 = vector.shape_cast %swap3A_1107 : vector<1x16xi32> to vector<16xi32>
    %swap3A_1109 = vector.shape_cast %add3A_1103 : vector<16xi32> to vector<1x16xi32>
    tpu.vector_store %arg12[%swap3A_1105, %swap3A_1106], %swap3A_1109 {strides = array<i32>} : memref<2x128xi32, #tpu.memory_space<vmem>>, vector<1x16xi32>,
    %get3A_1110 = arith.constant 0 : i32
    %get3A_1111 = arith.index_cast %get3A_1110 : i32 to index
    %get3A_1112 = arith.constant 400 : index
    %get3A_1113 = tpu.vector_load %arg11[%get3A_1111, %get3A_1112] {strides = array<i32>} : memref<5x512xi32, #tpu.memory_space<vmem>>, vector<1x16xi32>,
    %get3A_1114 = vector.shape_cast %get3A_1113 : vector<1x16xi32> to vector<16xi32>
    %mul3A_1115 = arith.constant 32 : i32
    %mul3A_1116 = vector.broadcast %mul3A_1115 : i32 to vector<16xi32>
    %mul3A_1117 = arith.muli %get3A_1114, %mul3A_1116 : vector<16xi32>
    %get3A_1118 = arith.constant 1 : i32
    %get3A_1119 = arith.index_cast %get3A_1118 : i32 to index
    %get3A_1120 = arith.constant 400 : index
    %get3A_1121 = tpu.vector_load %arg11[%get3A_1119, %get3A_1120] {strides = array<i32>} : memref<5x512xi32, #tpu.memory_space<vmem>>, vector<1x16xi32>,
    %get3A_1122 = vector.shape_cast %get3A_1121 : vector<1x16xi32> to vector<16xi32>
    %mul3A_1123 = arith.constant 4 : i32
    %mul3A_1124 = vector.broadcast %mul3A_1123 : i32 to vector<16xi32>
    %mul3A_1125 = arith.muli %get3A_1122, %mul3A_1124 : vector<16xi32>
    %add3A_1126 = arith.addi %mul3A_1117, %mul3A_1125 : vector<16xi32>
    %get3A_1127 = arith.constant 2 : i32
    %get3A_1128 = arith.index_cast %get3A_1127 : i32 to index
    %get3A_1129 = arith.constant 400 : index
    %get3A_1130 = tpu.vector_load %arg11[%get3A_1128, %get3A_1129] {strides = array<i32>} : memref<5x512xi32, #tpu.memory_space<vmem>>, vector<1x16xi32>,
    %get3A_1131 = vector.shape_cast %get3A_1130 : vector<1x16xi32> to vector<16xi32>
    %add3A_1132 = arith.addi %add3A_1126, %get3A_1131 : vector<16xi32>
    %swap3A_1133 = arith.constant 1 : i32
    %swap3A_1134 = arith.index_cast %swap3A_1133 : i32 to index
    %swap3A_1135 = arith.constant 16 : index
    %swap3A_1136 = tpu.vector_load %arg12[%swap3A_1134, %swap3A_1135] {strides = array<i32>} : memref<2x128xi32, #tpu.memory_space<vmem>>, vector<1x16xi32>,
    %swap3A_1137 = vector.shape_cast %swap3A_1136 : vector<1x16xi32> to vector<16xi32>
    %swap3A_1138 = vector.shape_cast %add3A_1132 : vector<16xi32> to vector<1x16xi32>
    tpu.vector_store %arg12[%swap3A_1134, %swap3A_1135], %swap3A_1138 {strides = array<i32>} : memref<2x128xi32, #tpu.memory_space<vmem>>, vector<1x16xi32>,
    %get3A_1139 = arith.constant 0 : i32
    %get3A_1140 = arith.index_cast %get3A_1139 : i32 to index
    %get3A_1141 = arith.constant 416 : index
    %get3A_1142 = tpu.vector_load %arg11[%get3A_1140, %get3A_1141] {strides = array<i32>} : memref<5x512xi32, #tpu.memory_space<vmem>>, vector<1x16xi32>,
    %get3A_1143 = vector.shape_cast %get3A_1142 : vector<1x16xi32> to vector<16xi32>
    %mul3A_1144 = arith.constant 32 : i32
    %mul3A_1145 = vector.broadcast %mul3A_1144 : i32 to vector<16xi32>
    %mul3A_1146 = arith.muli %get3A_1143, %mul3A_1145 : vector<16xi32>
    %get3A_1147 = arith.constant 1 : i32
    %get3A_1148 = arith.index_cast %get3A_1147 : i32 to index
    %get3A_1149 = arith.constant 416 : index
    %get3A_1150 = tpu.vector_load %arg11[%get3A_1148, %get3A_1149] {strides = array<i32>} : memref<5x512xi32, #tpu.memory_space<vmem>>, vector<1x16xi32>,
    %get3A_1151 = vector.shape_cast %get3A_1150 : vector<1x16xi32> to vector<16xi32>
    %mul3A_1152 = arith.constant 4 : i32
    %mul3A_1153 = vector.broadcast %mul3A_1152 : i32 to vector<16xi32>
    %mul3A_1154 = arith.muli %get3A_1151, %mul3A_1153 : vector<16xi32>
    %add3A_1155 = arith.addi %mul3A_1146, %mul3A_1154 : vector<16xi32>
    %get3A_1156 = arith.constant 2 : i32
    %get3A_1157 = arith.index_cast %get3A_1156 : i32 to index
    %get3A_1158 = arith.constant 416 : index
    %get3A_1159 = tpu.vector_load %arg11[%get3A_1157, %get3A_1158] {strides = array<i32>} : memref<5x512xi32, #tpu.memory_space<vmem>>, vector<1x16xi32>,
    %get3A_1160 = vector.shape_cast %get3A_1159 : vector<1x16xi32> to vector<16xi32>
    %add3A_1161 = arith.addi %add3A_1155, %get3A_1160 : vector<16xi32>
    %swap3A_1162 = arith.constant 1 : i32
    %swap3A_1163 = arith.index_cast %swap3A_1162 : i32 to index
    %swap3A_1164 = arith.constant 32 : index
    %swap3A_1165 = tpu.vector_load %arg12[%swap3A_1163, %swap3A_1164] {strides = array<i32>} : memref<2x128xi32, #tpu.memory_space<vmem>>, vector<1x16xi32>,
    %swap3A_1166 = vector.shape_cast %swap3A_1165 : vector<1x16xi32> to vector<16xi32>
    %swap3A_1167 = vector.shape_cast %add3A_1161 : vector<16xi32> to vector<1x16xi32>
    tpu.vector_store %arg12[%swap3A_1163, %swap3A_1164], %swap3A_1167 {strides = array<i32>} : memref<2x128xi32, #tpu.memory_space<vmem>>, vector<1x16xi32>,
    %get3A_1168 = arith.constant 0 : i32
    %get3A_1169 = arith.index_cast %get3A_1168 : i32 to index
    %get3A_1170 = arith.constant 432 : index
    %get3A_1171 = tpu.vector_load %arg11[%get3A_1169, %get3A_1170] {strides = array<i32>} : memref<5x512xi32, #tpu.memory_space<vmem>>, vector<1x16xi32>,
    %get3A_1172 = vector.shape_cast %get3A_1171 : vector<1x16xi32> to vector<16xi32>
    %mul3A_1173 = arith.constant 32 : i32
    %mul3A_1174 = vector.broadcast %mul3A_1173 : i32 to vector<16xi32>
    %mul3A_1175 = arith.muli %get3A_1172, %mul3A_1174 : vector<16xi32>
    %get3A_1176 = arith.constant 1 : i32
    %get3A_1177 = arith.index_cast %get3A_1176 : i32 to index
    %get3A_1178 = arith.constant 432 : index
    %get3A_1179 = tpu.vector_load %arg11[%get3A_1177, %get3A_1178] {strides = array<i32>} : memref<5x512xi32, #tpu.memory_space<vmem>>, vector<1x16xi32>,
    %get3A_1180 = vector.shape_cast %get3A_1179 : vector<1x16xi32> to vector<16xi32>
    %mul3A_1181 = arith.constant 4 : i32
    %mul3A_1182 = vector.broadcast %mul3A_1181 : i32 to vector<16xi32>
    %mul3A_1183 = arith.muli %get3A_1180, %mul3A_1182 : vector<16xi32>
    %add3A_1184 = arith.addi %mul3A_1175, %mul3A_1183 : vector<16xi32>
    %get3A_1185 = arith.constant 2 : i32
    %get3A_1186 = arith.index_cast %get3A_1185 : i32 to index
    %get3A_1187 = arith.constant 432 : index
    %get3A_1188 = tpu.vector_load %arg11[%get3A_1186, %get3A_1187] {strides = array<i32>} : memref<5x512xi32, #tpu.memory_space<vmem>>, vector<1x16xi32>,
    %get3A_1189 = vector.shape_cast %get3A_1188 : vector<1x16xi32> to vector<16xi32>
    %add3A_1190 = arith.addi %add3A_1184, %get3A_1189 : vector<16xi32>
    %swap3A_1191 = arith.constant 1 : i32
    %swap3A_1192 = arith.index_cast %swap3A_1191 : i32 to index
    %swap3A_1193 = arith.constant 48 : index
    %swap3A_1194 = tpu.vector_load %arg12[%swap3A_1192, %swap3A_1193] {strides = array<i32>} : memref<2x128xi32, #tpu.memory_space<vmem>>, vector<1x16xi32>,
    %swap3A_1195 = vector.shape_cast %swap3A_1194 : vector<1x16xi32> to vector<16xi32>
    %swap3A_1196 = vector.shape_cast %add3A_1190 : vector<16xi32> to vector<1x16xi32>
    tpu.vector_store %arg12[%swap3A_1192, %swap3A_1193], %swap3A_1196 {strides = array<i32>} : memref<2x128xi32, #tpu.memory_space<vmem>>, vector<1x16xi32>,
    %get3A_1197 = arith.constant 0 : i32
    %get3A_1198 = arith.index_cast %get3A_1197 : i32 to index
    %get3A_1199 = arith.constant 448 : index
    %get3A_1200 = tpu.vector_load %arg11[%get3A_1198, %get3A_1199] {strides = array<i32>} : memref<5x512xi32, #tpu.memory_space<vmem>>, vector<1x16xi32>,
    %get3A_1201 = vector.shape_cast %get3A_1200 : vector<1x16xi32> to vector<16xi32>
    %mul3A_1202 = arith.constant 32 : i32
    %mul3A_1203 = vector.broadcast %mul3A_1202 : i32 to vector<16xi32>
    %mul3A_1204 = arith.muli %get3A_1201, %mul3A_1203 : vector<16xi32>
    %get3A_1205 = arith.constant 1 : i32
    %get3A_1206 = arith.index_cast %get3A_1205 : i32 to index
    %get3A_1207 = arith.constant 448 : index
    %get3A_1208 = tpu.vector_load %arg11[%get3A_1206, %get3A_1207] {strides = array<i32>} : memref<5x512xi32, #tpu.memory_space<vmem>>, vector<1x16xi32>,
    %get3A_1209 = vector.shape_cast %get3A_1208 : vector<1x16xi32> to vector<16xi32>
    %mul3A_1210 = arith.constant 4 : i32
    %mul3A_1211 = vector.broadcast %mul3A_1210 : i32 to vector<16xi32>
    %mul3A_1212 = arith.muli %get3A_1209, %mul3A_1211 : vector<16xi32>
    %add3A_1213 = arith.addi %mul3A_1204, %mul3A_1212 : vector<16xi32>
    %get3A_1214 = arith.constant 2 : i32
    %get3A_1215 = arith.index_cast %get3A_1214 : i32 to index
    %get3A_1216 = arith.constant 448 : index
    %get3A_1217 = tpu.vector_load %arg11[%get3A_1215, %get3A_1216] {strides = array<i32>} : memref<5x512xi32, #tpu.memory_space<vmem>>, vector<1x16xi32>,
    %get3A_1218 = vector.shape_cast %get3A_1217 : vector<1x16xi32> to vector<16xi32>
    %add3A_1219 = arith.addi %add3A_1213, %get3A_1218 : vector<16xi32>
    %swap3A_1220 = arith.constant 1 : i32
    %swap3A_1221 = arith.index_cast %swap3A_1220 : i32 to index
    %swap3A_1222 = arith.constant 64 : index
    %swap3A_1223 = tpu.vector_load %arg12[%swap3A_1221, %swap3A_1222] {strides = array<i32>} : memref<2x128xi32, #tpu.memory_space<vmem>>, vector<1x16xi32>,
    %swap3A_1224 = vector.shape_cast %swap3A_1223 : vector<1x16xi32> to vector<16xi32>
    %swap3A_1225 = vector.shape_cast %add3A_1219 : vector<16xi32> to vector<1x16xi32>
    tpu.vector_store %arg12[%swap3A_1221, %swap3A_1222], %swap3A_1225 {strides = array<i32>} : memref<2x128xi32, #tpu.memory_space<vmem>>, vector<1x16xi32>,
    %get3A_1226 = arith.constant 0 : i32
    %get3A_1227 = arith.index_cast %get3A_1226 : i32 to index
    %get3A_1228 = arith.constant 464 : index
    %get3A_1229 = tpu.vector_load %arg11[%get3A_1227, %get3A_1228] {strides = array<i32>} : memref<5x512xi32, #tpu.memory_space<vmem>>, vector<1x16xi32>,
    %get3A_1230 = vector.shape_cast %get3A_1229 : vector<1x16xi32> to vector<16xi32>
    %mul3A_1231 = arith.constant 32 : i32
    %mul3A_1232 = vector.broadcast %mul3A_1231 : i32 to vector<16xi32>
    %mul3A_1233 = arith.muli %get3A_1230, %mul3A_1232 : vector<16xi32>
    %get3A_1234 = arith.constant 1 : i32
    %get3A_1235 = arith.index_cast %get3A_1234 : i32 to index
    %get3A_1236 = arith.constant 464 : index
    %get3A_1237 = tpu.vector_load %arg11[%get3A_1235, %get3A_1236] {strides = array<i32>} : memref<5x512xi32, #tpu.memory_space<vmem>>, vector<1x16xi32>,
    %get3A_1238 = vector.shape_cast %get3A_1237 : vector<1x16xi32> to vector<16xi32>
    %mul3A_1239 = arith.constant 4 : i32
    %mul3A_1240 = vector.broadcast %mul3A_1239 : i32 to vector<16xi32>
    %mul3A_1241 = arith.muli %get3A_1238, %mul3A_1240 : vector<16xi32>
    %add3A_1242 = arith.addi %mul3A_1233, %mul3A_1241 : vector<16xi32>
    %get3A_1243 = arith.constant 2 : i32
    %get3A_1244 = arith.index_cast %get3A_1243 : i32 to index
    %get3A_1245 = arith.constant 464 : index
    %get3A_1246 = tpu.vector_load %arg11[%get3A_1244, %get3A_1245] {strides = array<i32>} : memref<5x512xi32, #tpu.memory_space<vmem>>, vector<1x16xi32>,
    %get3A_1247 = vector.shape_cast %get3A_1246 : vector<1x16xi32> to vector<16xi32>
    %add3A_1248 = arith.addi %add3A_1242, %get3A_1247 : vector<16xi32>
    %swap3A_1249 = arith.constant 1 : i32
    %swap3A_1250 = arith.index_cast %swap3A_1249 : i32 to index
    %swap3A_1251 = arith.constant 80 : index
    %swap3A_1252 = tpu.vector_load %arg12[%swap3A_1250, %swap3A_1251] {strides = array<i32>} : memref<2x128xi32, #tpu.memory_space<vmem>>, vector<1x16xi32>,
    %swap3A_1253 = vector.shape_cast %swap3A_1252 : vector<1x16xi32> to vector<16xi32>
    %swap3A_1254 = vector.shape_cast %add3A_1248 : vector<16xi32> to vector<1x16xi32>
    tpu.vector_store %arg12[%swap3A_1250, %swap3A_1251], %swap3A_1254 {strides = array<i32>} : memref<2x128xi32, #tpu.memory_space<vmem>>, vector<1x16xi32>,
    %get3A_1255 = arith.constant 0 : i32
    %get3A_1256 = arith.index_cast %get3A_1255 : i32 to index
    %get3A_1257 = arith.constant 480 : index
    %get3A_1258 = tpu.vector_load %arg11[%get3A_1256, %get3A_1257] {strides = array<i32>} : memref<5x512xi32, #tpu.memory_space<vmem>>, vector<1x16xi32>,
    %get3A_1259 = vector.shape_cast %get3A_1258 : vector<1x16xi32> to vector<16xi32>
    %mul3A_1260 = arith.constant 32 : i32
    %mul3A_1261 = vector.broadcast %mul3A_1260 : i32 to vector<16xi32>
    %mul3A_1262 = arith.muli %get3A_1259, %mul3A_1261 : vector<16xi32>
    %get3A_1263 = arith.constant 1 : i32
    %get3A_1264 = arith.index_cast %get3A_1263 : i32 to index
    %get3A_1265 = arith.constant 480 : index
    %get3A_1266 = tpu.vector_load %arg11[%get3A_1264, %get3A_1265] {strides = array<i32>} : memref<5x512xi32, #tpu.memory_space<vmem>>, vector<1x16xi32>,
    %get3A_1267 = vector.shape_cast %get3A_1266 : vector<1x16xi32> to vector<16xi32>
    %mul3A_1268 = arith.constant 4 : i32
    %mul3A_1269 = vector.broadcast %mul3A_1268 : i32 to vector<16xi32>
    %mul3A_1270 = arith.muli %get3A_1267, %mul3A_1269 : vector<16xi32>
    %add3A_1271 = arith.addi %mul3A_1262, %mul3A_1270 : vector<16xi32>
    %get3A_1272 = arith.constant 2 : i32
    %get3A_1273 = arith.index_cast %get3A_1272 : i32 to index
    %get3A_1274 = arith.constant 480 : index
    %get3A_1275 = tpu.vector_load %arg11[%get3A_1273, %get3A_1274] {strides = array<i32>} : memref<5x512xi32, #tpu.memory_space<vmem>>, vector<1x16xi32>,
    %get3A_1276 = vector.shape_cast %get3A_1275 : vector<1x16xi32> to vector<16xi32>
    %add3A_1277 = arith.addi %add3A_1271, %get3A_1276 : vector<16xi32>
    %swap3A_1278 = arith.constant 1 : i32
    %swap3A_1279 = arith.index_cast %swap3A_1278 : i32 to index
    %swap3A_1280 = arith.constant 96 : index
    %swap3A_1281 = tpu.vector_load %arg12[%swap3A_1279, %swap3A_1280] {strides = array<i32>} : memref<2x128xi32, #tpu.memory_space<vmem>>, vector<1x16xi32>,
    %swap3A_1282 = vector.shape_cast %swap3A_1281 : vector<1x16xi32> to vector<16xi32>
    %swap3A_1283 = vector.shape_cast %add3A_1277 : vector<16xi32> to vector<1x16xi32>
    tpu.vector_store %arg12[%swap3A_1279, %swap3A_1280], %swap3A_1283 {strides = array<i32>} : memref<2x128xi32, #tpu.memory_space<vmem>>, vector<1x16xi32>,
    %get3A_1284 = arith.constant 0 : i32
    %get3A_1285 = arith.index_cast %get3A_1284 : i32 to index
    %get3A_1286 = arith.constant 496 : index
    %get3A_1287 = tpu.vector_load %arg11[%get3A_1285, %get3A_1286] {strides = array<i32>} : memref<5x512xi32, #tpu.memory_space<vmem>>, vector<1x16xi32>,
    %get3A_1288 = vector.shape_cast %get3A_1287 : vector<1x16xi32> to vector<16xi32>
    %mul3A_1289 = arith.constant 32 : i32
    %mul3A_1290 = vector.broadcast %mul3A_1289 : i32 to vector<16xi32>
    %mul3A_1291 = arith.muli %get3A_1288, %mul3A_1290 : vector<16xi32>
    %get3A_1292 = arith.constant 1 : i32
    %get3A_1293 = arith.index_cast %get3A_1292 : i32 to index
    %get3A_1294 = arith.constant 496 : index
    %get3A_1295 = tpu.vector_load %arg11[%get3A_1293, %get3A_1294] {strides = array<i32>} : memref<5x512xi32, #tpu.memory_space<vmem>>, vector<1x16xi32>,
    %get3A_1296 = vector.shape_cast %get3A_1295 : vector<1x16xi32> to vector<16xi32>
    %mul3A_1297 = arith.constant 4 : i32
    %mul3A_1298 = vector.broadcast %mul3A_1297 : i32 to vector<16xi32>
    %mul3A_1299 = arith.muli %get3A_1296, %mul3A_1298 : vector<16xi32>
    %add3A_1300 = arith.addi %mul3A_1291, %mul3A_1299 : vector<16xi32>
    %get3A_1301 = arith.constant 2 : i32
    %get3A_1302 = arith.index_cast %get3A_1301 : i32 to index
    %get3A_1303 = arith.constant 496 : index
    %get3A_1304 = tpu.vector_load %arg11[%get3A_1302, %get3A_1303] {strides = array<i32>} : memref<5x512xi32, #tpu.memory_space<vmem>>, vector<1x16xi32>,
    %get3A_1305 = vector.shape_cast %get3A_1304 : vector<1x16xi32> to vector<16xi32>
    %add3A_1306 = arith.addi %add3A_1300, %get3A_1305 : vector<16xi32>
    %swap3A_1307 = arith.constant 1 : i32
    %swap3A_1308 = arith.index_cast %swap3A_1307 : i32 to index
    %swap3A_1309 = arith.constant 112 : index
    %swap3A_1310 = tpu.vector_load %arg12[%swap3A_1308, %swap3A_1309] {strides = array<i32>} : memref<2x128xi32, #tpu.memory_space<vmem>>, vector<1x16xi32>,
    %swap3A_1311 = vector.shape_cast %swap3A_1310 : vector<1x16xi32> to vector<16xi32>
    %swap3A_1312 = vector.shape_cast %add3A_1306 : vector<16xi32> to vector<1x16xi32>
    tpu.vector_store %arg12[%swap3A_1308, %swap3A_1309], %swap3A_1312 {strides = array<i32>} : memref<2x128xi32, #tpu.memory_space<vmem>>, vector<1x16xi32>,
    %dma_start3A_1313 = arith.constant 1 : i32
    %dma_start3A_1314 = arith.constant 1 : i32
    %dma_start3A_1315 = arith.constant 0 : i32
    %dma_start3A_1316 = arith.constant 0 : i32
    %dma_start3A_1317 = arith.constant 0 : i32
    %dma_start3A_1318 = tpu.memref_slice %arg13[%dma_start3A_1314, %dma_start3A_1315, %dma_start3A_1316, %dma_start3A_1317] : memref<2x3x128x128xf32, #tpu.memory_space<vmem>> -> memref<1x1x128x128xf32, #tpu.memory_space<vmem>>
    %dma_start3A_1319 = tpu.memref_squeeze %dma_start3A_1318 : memref<1x1x128x128xf32, #tpu.memory_space<vmem>> -> memref<128x128xf32, #tpu.memory_space<vmem>>
    %dma_start3A_1320 = arith.constant 0 : i32
    %dma_start3A_1321 = tpu.memref_slice %arg12[%dma_start3A_1313, %dma_start3A_1320] : memref<2x128xi32, #tpu.memory_space<vmem>> -> memref<1x128xi32, #tpu.memory_space<vmem>>
    %dma_start3A_1322 = tpu.memref_squeeze %dma_start3A_1321 : memref<1x128xi32, #tpu.memory_space<vmem>> -> memref<128xi32, #tpu.memory_space<vmem>>
    %dma_start3A_1323 = arith.constant 0 : i32
    %dma_start3A_1324 = arith.constant 0 : i32
    %dma_start3A_1325 = tpu.memref_slice %arg14[%dma_start3A_1323, %dma_start3A_1324] : memref<1024x128xf32, #tpu.memory_space<vmem_shared>> -> memref<1024x128xf32, #tpu.memory_space<vmem_shared>>
    tpu.enqueue_indirect_dma source(%dma_start3A_1325 : memref<1024x128xf32, #tpu.memory_space<vmem_shared>>) target(%dma_start3A_1319 : memref<128x128xf32, #tpu.memory_space<vmem>>) offsets(%dma_start3A_1322 : memref<128xi32, #tpu.memory_space<vmem>>) semaphore(%arg17 : memref<!tpu.dma_semaphore, #tpu.memory_space<semaphore_mem>>)
    %dma_start3A_1326 = arith.constant 3 : i32
    %dma_start3A_1327 = arith.constant 1 : i32
    %dma_start3A_1328 = arith.constant 1 : i32
    %dma_start3A_1329 = arith.constant 0 : i32
    %dma_start3A_1330 = arith.constant 0 : i32
    %dma_start3A_1331 = tpu.memref_slice %arg13[%dma_start3A_1327, %dma_start3A_1328, %dma_start3A_1329, %dma_start3A_1330] : memref<2x3x128x128xf32, #tpu.memory_space<vmem>> -> memref<1x1x128x128xf32, #tpu.memory_space<vmem>>
    %dma_start3A_1332 = tpu.memref_squeeze %dma_start3A_1331 : memref<1x1x128x128xf32, #tpu.memory_space<vmem>> -> memref<128x128xf32, #tpu.memory_space<vmem>>
    %dma_start3A_1333 = arith.constant 384 : i32
    %dma_start3A_1334 = tpu.memref_slice %arg11[%dma_start3A_1326, %dma_start3A_1333] : memref<5x512xi32, #tpu.memory_space<vmem>> -> memref<1x128xi32, #tpu.memory_space<vmem>>
    %dma_start3A_1335 = tpu.memref_squeeze %dma_start3A_1334 : memref<1x128xi32, #tpu.memory_space<vmem>> -> memref<128xi32, #tpu.memory_space<vmem>>
    %dma_start3A_1336 = arith.constant 0 : i32
    %dma_start3A_1337 = arith.constant 0 : i32
    %dma_start3A_1338 = tpu.memref_slice %arg15[%dma_start3A_1336, %dma_start3A_1337] : memref<64x128xf32, #tpu.memory_space<vmem_shared>> -> memref<64x128xf32, #tpu.memory_space<vmem_shared>>
    tpu.enqueue_indirect_dma source(%dma_start3A_1338 : memref<64x128xf32, #tpu.memory_space<vmem_shared>>) target(%dma_start3A_1332 : memref<128x128xf32, #tpu.memory_space<vmem>>) offsets(%dma_start3A_1335 : memref<128xi32, #tpu.memory_space<vmem>>) semaphore(%arg17 : memref<!tpu.dma_semaphore, #tpu.memory_space<semaphore_mem>>)
    %dma_start3A_1339 = arith.constant 4 : i32
    %dma_start3A_1340 = arith.constant 1 : i32
    %dma_start3A_1341 = arith.constant 2 : i32
    %dma_start3A_1342 = arith.constant 0 : i32
    %dma_start3A_1343 = arith.constant 0 : i32
    %dma_start3A_1344 = tpu.memref_slice %arg13[%dma_start3A_1340, %dma_start3A_1341, %dma_start3A_1342, %dma_start3A_1343] : memref<2x3x128x128xf32, #tpu.memory_space<vmem>> -> memref<1x1x128x128xf32, #tpu.memory_space<vmem>>
    %dma_start3A_1345 = tpu.memref_squeeze %dma_start3A_1344 : memref<1x1x128x128xf32, #tpu.memory_space<vmem>> -> memref<128x128xf32, #tpu.memory_space<vmem>>
    %dma_start3A_1346 = arith.constant 384 : i32
    %dma_start3A_1347 = tpu.memref_slice %arg11[%dma_start3A_1339, %dma_start3A_1346] : memref<5x512xi32, #tpu.memory_space<vmem>> -> memref<1x128xi32, #tpu.memory_space<vmem>>
    %dma_start3A_1348 = tpu.memref_squeeze %dma_start3A_1347 : memref<1x128xi32, #tpu.memory_space<vmem>> -> memref<128xi32, #tpu.memory_space<vmem>>
    %dma_start3A_1349 = arith.constant 0 : i32
    %dma_start3A_1350 = arith.constant 0 : i32
    %dma_start3A_1351 = tpu.memref_slice %arg16[%dma_start3A_1349, %dma_start3A_1350] : memref<512x128xf32, #tpu.memory_space<vmem_shared>> -> memref<512x128xf32, #tpu.memory_space<vmem_shared>>
    tpu.enqueue_indirect_dma source(%dma_start3A_1351 : memref<512x128xf32, #tpu.memory_space<vmem_shared>>) target(%dma_start3A_1345 : memref<128x128xf32, #tpu.memory_space<vmem>>) offsets(%dma_start3A_1348 : memref<128xi32, #tpu.memory_space<vmem>>) semaphore(%arg17 : memref<!tpu.dma_semaphore, #tpu.memory_space<semaphore_mem>>)
    %dma_wait3A_1352 = arith.constant 0 : i32
    %dma_wait3A_1353 = arith.constant 0 : i32
    %dma_wait3A_1354 = arith.constant 0 : i32
    %dma_wait3A_1355 = arith.constant 0 : i32
    %dma_wait3A_1356 = arith.constant 0 : i32
    %dma_wait3A_1357 = tpu.memref_slice %arg13[%dma_wait3A_1353, %dma_wait3A_1354, %dma_wait3A_1355, %dma_wait3A_1356] : memref<2x3x128x128xf32, #tpu.memory_space<vmem>> -> memref<1x1x128x128xf32, #tpu.memory_space<vmem>>
    %dma_wait3A_1358 = tpu.memref_squeeze %dma_wait3A_1357 : memref<1x1x128x128xf32, #tpu.memory_space<vmem>> -> memref<128x128xf32, #tpu.memory_space<vmem>>
    %dma_wait3A_1359 = arith.constant 0 : i32
    %dma_wait3A_1360 = tpu.memref_slice %arg12[%dma_wait3A_1352, %dma_wait3A_1359] : memref<2x128xi32, #tpu.memory_space<vmem>> -> memref<1x128xi32, #tpu.memory_space<vmem>>
    %dma_wait3A_1361 = tpu.memref_squeeze %dma_wait3A_1360 : memref<1x128xi32, #tpu.memory_space<vmem>> -> memref<128xi32, #tpu.memory_space<vmem>>
    %dma_wait3A_1362 = arith.constant 0 : i32
    %dma_wait3A_1363 = arith.constant 0 : i32
    %dma_wait3A_1364 = tpu.memref_slice %arg14[%dma_wait3A_1362, %dma_wait3A_1363] : memref<1024x128xf32, #tpu.memory_space<vmem_shared>> -> memref<1024x128xf32, #tpu.memory_space<vmem_shared>>
    tpu.wait_indirect_dma semaphore(%arg17 : memref<!tpu.dma_semaphore, #tpu.memory_space<semaphore_mem>>) src(%dma_wait3A_1364 : memref<1024x128xf32, #tpu.memory_space<vmem_shared>>) dst(%dma_wait3A_1358 : memref<128x128xf32, #tpu.memory_space<vmem>>)
    %dma_wait3A_1365 = arith.constant 3 : i32
    %dma_wait3A_1366 = arith.constant 0 : i32
    %dma_wait3A_1367 = arith.constant 1 : i32
    %dma_wait3A_1368 = arith.constant 0 : i32
    %dma_wait3A_1369 = arith.constant 0 : i32
    %dma_wait3A_1370 = tpu.memref_slice %arg13[%dma_wait3A_1366, %dma_wait3A_1367, %dma_wait3A_1368, %dma_wait3A_1369] : memref<2x3x128x128xf32, #tpu.memory_space<vmem>> -> memref<1x1x128x128xf32, #tpu.memory_space<vmem>>
    %dma_wait3A_1371 = tpu.memref_squeeze %dma_wait3A_1370 : memref<1x1x128x128xf32, #tpu.memory_space<vmem>> -> memref<128x128xf32, #tpu.memory_space<vmem>>
    %dma_wait3A_1372 = arith.constant 256 : i32
    %dma_wait3A_1373 = tpu.memref_slice %arg11[%dma_wait3A_1365, %dma_wait3A_1372] : memref<5x512xi32, #tpu.memory_space<vmem>> -> memref<1x128xi32, #tpu.memory_space<vmem>>
    %dma_wait3A_1374 = tpu.memref_squeeze %dma_wait3A_1373 : memref<1x128xi32, #tpu.memory_space<vmem>> -> memref<128xi32, #tpu.memory_space<vmem>>
    %dma_wait3A_1375 = arith.constant 0 : i32
    %dma_wait3A_1376 = arith.constant 0 : i32
    %dma_wait3A_1377 = tpu.memref_slice %arg15[%dma_wait3A_1375, %dma_wait3A_1376] : memref<64x128xf32, #tpu.memory_space<vmem_shared>> -> memref<64x128xf32, #tpu.memory_space<vmem_shared>>
    tpu.wait_indirect_dma semaphore(%arg17 : memref<!tpu.dma_semaphore, #tpu.memory_space<semaphore_mem>>) src(%dma_wait3A_1377 : memref<64x128xf32, #tpu.memory_space<vmem_shared>>) dst(%dma_wait3A_1371 : memref<128x128xf32, #tpu.memory_space<vmem>>)
    %dma_wait3A_1378 = arith.constant 4 : i32
    %dma_wait3A_1379 = arith.constant 0 : i32
    %dma_wait3A_1380 = arith.constant 2 : i32
    %dma_wait3A_1381 = arith.constant 0 : i32
    %dma_wait3A_1382 = arith.constant 0 : i32
    %dma_wait3A_1383 = tpu.memref_slice %arg13[%dma_wait3A_1379, %dma_wait3A_1380, %dma_wait3A_1381, %dma_wait3A_1382] : memref<2x3x128x128xf32, #tpu.memory_space<vmem>> -> memref<1x1x128x128xf32, #tpu.memory_space<vmem>>
    %dma_wait3A_1384 = tpu.memref_squeeze %dma_wait3A_1383 : memref<1x1x128x128xf32, #tpu.memory_space<vmem>> -> memref<128x128xf32, #tpu.memory_space<vmem>>
    %dma_wait3A_1385 = arith.constant 256 : i32
    %dma_wait3A_1386 = tpu.memref_slice %arg11[%dma_wait3A_1378, %dma_wait3A_1385] : memref<5x512xi32, #tpu.memory_space<vmem>> -> memref<1x128xi32, #tpu.memory_space<vmem>>
    %dma_wait3A_1387 = tpu.memref_squeeze %dma_wait3A_1386 : memref<1x128xi32, #tpu.memory_space<vmem>> -> memref<128xi32, #tpu.memory_space<vmem>>
    %dma_wait3A_1388 = arith.constant 0 : i32
    %dma_wait3A_1389 = arith.constant 0 : i32
    %dma_wait3A_1390 = tpu.memref_slice %arg16[%dma_wait3A_1388, %dma_wait3A_1389] : memref<512x128xf32, #tpu.memory_space<vmem_shared>> -> memref<512x128xf32, #tpu.memory_space<vmem_shared>>
    tpu.wait_indirect_dma semaphore(%arg17 : memref<!tpu.dma_semaphore, #tpu.memory_space<semaphore_mem>>) src(%dma_wait3A_1390 : memref<512x128xf32, #tpu.memory_space<vmem_shared>>) dst(%dma_wait3A_1384 : memref<128x128xf32, #tpu.memory_space<vmem>>)
    %scan3A_1391 = arith.constant 0 : i32
    %scan3A_1392 = arith.constant 0 : i32
    %scan3A_1393 = arith.constant 128 : i32
    %scan3A_1394 = arith.addi %scan3A_1392, %scan3A_1393 : i32
    %scan3A_1395 = arith.constant 1 : i32
    scf.for %scan3A_1502 = %scan3A_1392 to %scan3A_1394 step %scan3A_1395  : i32 {
      %get3A_1503 = arith.constant 0 : i32
      %get3A_1504 = arith.constant 0 : i32
      %get3A_1505 = arith.index_cast %get3A_1503 : i32 to index
      %get3A_1506 = arith.index_cast %get3A_1504 : i32 to index
      %get3A_1507 = arith.index_cast %scan3A_1502 : i32 to index
      %get3A_1508 = arith.constant 0 : index
      %get3A_1509 = tpu.vector_load %arg13[%get3A_1505, %get3A_1506, %get3A_1507, %get3A_1508] {strides = array<i32>} : memref<2x3x128x128xf32, #tpu.memory_space<vmem>>, vector<1x1x1x16xf32>,
      %get3A_1510 = vector.shape_cast %get3A_1509 : vector<1x1x1x16xf32> to vector<16xf32>
      %get3A_1511 = arith.constant 0 : i32
      %get3A_1512 = arith.constant 1 : i32
      %get3A_1513 = arith.index_cast %get3A_1511 : i32 to index
      %get3A_1514 = arith.index_cast %get3A_1512 : i32 to index
      %get3A_1515 = arith.index_cast %scan3A_1502 : i32 to index
      %get3A_1516 = arith.constant 0 : index
      %get3A_1517 = tpu.vector_load %arg13[%get3A_1513, %get3A_1514, %get3A_1515, %get3A_1516] {strides = array<i32>} : memref<2x3x128x128xf32, #tpu.memory_space<vmem>>, vector<1x1x1x16xf32>,
      %get3A_1518 = vector.shape_cast %get3A_1517 : vector<1x1x1x16xf32> to vector<16xf32>
      %add3A_1519 = arith.addf %get3A_1510, %get3A_1518 : vector<16xf32>
      %get3A_1520 = arith.constant 0 : i32
      %get3A_1521 = arith.constant 2 : i32
      %get3A_1522 = arith.index_cast %get3A_1520 : i32 to index
      %get3A_1523 = arith.index_cast %get3A_1521 : i32 to index
      %get3A_1524 = arith.index_cast %scan3A_1502 : i32 to index
      %get3A_1525 = arith.constant 0 : index
      %get3A_1526 = tpu.vector_load %arg13[%get3A_1522, %get3A_1523, %get3A_1524, %get3A_1525] {strides = array<i32>} : memref<2x3x128x128xf32, #tpu.memory_space<vmem>>, vector<1x1x1x16xf32>,
      %get3A_1527 = vector.shape_cast %get3A_1526 : vector<1x1x1x16xf32> to vector<16xf32>
      %add3A_1528 = arith.addf %add3A_1519, %get3A_1527 : vector<16xf32>
      %swap3A_1529 = arith.constant 0 : i32
      %swap3A_1530 = arith.constant 0 : i32
      %swap3A_1531 = arith.index_cast %swap3A_1529 : i32 to index
      %swap3A_1532 = arith.index_cast %swap3A_1530 : i32 to index
      %swap3A_1533 = arith.index_cast %scan3A_1502 : i32 to index
      %swap3A_1534 = arith.constant 0 : index
      %swap3A_1535 = tpu.vector_load %arg13[%swap3A_1531, %swap3A_1532, %swap3A_1533, %swap3A_1534] {strides = array<i32>} : memref<2x3x128x128xf32, #tpu.memory_space<vmem>>, vector<1x1x1x16xf32>,
      %swap3A_1536 = vector.shape_cast %swap3A_1535 : vector<1x1x1x16xf32> to vector<16xf32>
      %swap3A_1537 = vector.shape_cast %add3A_1528 : vector<16xf32> to vector<1x1x1x16xf32>
      tpu.vector_store %arg13[%swap3A_1531, %swap3A_1532, %swap3A_1533, %swap3A_1534], %swap3A_1537 {strides = array<i32>} : memref<2x3x128x128xf32, #tpu.memory_space<vmem>>, vector<1x1x1x16xf32>,
      %get3A_1538 = arith.constant 0 : i32
      %get3A_1539 = arith.constant 0 : i32
      %get3A_1540 = arith.index_cast %get3A_1538 : i32 to index
      %get3A_1541 = arith.index_cast %get3A_1539 : i32 to index
      %get3A_1542 = arith.index_cast %scan3A_1502 : i32 to index
      %get3A_1543 = arith.constant 16 : index
      %get3A_1544 = tpu.vector_load %arg13[%get3A_1540, %get3A_1541, %get3A_1542, %get3A_1543] {strides = array<i32>} : memref<2x3x128x128xf32, #tpu.memory_space<vmem>>, vector<1x1x1x16xf32>,
      %get3A_1545 = vector.shape_cast %get3A_1544 : vector<1x1x1x16xf32> to vector<16xf32>
      %get3A_1546 = arith.constant 0 : i32
      %get3A_1547 = arith.constant 1 : i32
      %get3A_1548 = arith.index_cast %get3A_1546 : i32 to index
      %get3A_1549 = arith.index_cast %get3A_1547 : i32 to index
      %get3A_1550 = arith.index_cast %scan3A_1502 : i32 to index
      %get3A_1551 = arith.constant 16 : index
      %get3A_1552 = tpu.vector_load %arg13[%get3A_1548, %get3A_1549, %get3A_1550, %get3A_1551] {strides = array<i32>} : memref<2x3x128x128xf32, #tpu.memory_space<vmem>>, vector<1x1x1x16xf32>,
      %get3A_1553 = vector.shape_cast %get3A_1552 : vector<1x1x1x16xf32> to vector<16xf32>
      %add3A_1554 = arith.addf %get3A_1545, %get3A_1553 : vector<16xf32>
      %get3A_1555 = arith.constant 0 : i32
      %get3A_1556 = arith.constant 2 : i32
      %get3A_1557 = arith.index_cast %get3A_1555 : i32 to index
      %get3A_1558 = arith.index_cast %get3A_1556 : i32 to index
      %get3A_1559 = arith.index_cast %scan3A_1502 : i32 to index
      %get3A_1560 = arith.constant 16 : index
      %get3A_1561 = tpu.vector_load %arg13[%get3A_1557, %get3A_1558, %get3A_1559, %get3A_1560] {strides = array<i32>} : memref<2x3x128x128xf32, #tpu.memory_space<vmem>>, vector<1x1x1x16xf32>,
      %get3A_1562 = vector.shape_cast %get3A_1561 : vector<1x1x1x16xf32> to vector<16xf32>
      %add3A_1563 = arith.addf %add3A_1554, %get3A_1562 : vector<16xf32>
      %swap3A_1564 = arith.constant 0 : i32
      %swap3A_1565 = arith.constant 0 : i32
      %swap3A_1566 = arith.index_cast %swap3A_1564 : i32 to index
      %swap3A_1567 = arith.index_cast %swap3A_1565 : i32 to index
      %swap3A_1568 = arith.index_cast %scan3A_1502 : i32 to index
      %swap3A_1569 = arith.constant 16 : index
      %swap3A_1570 = tpu.vector_load %arg13[%swap3A_1566, %swap3A_1567, %swap3A_1568, %swap3A_1569] {strides = array<i32>} : memref<2x3x128x128xf32, #tpu.memory_space<vmem>>, vector<1x1x1x16xf32>,
      %swap3A_1571 = vector.shape_cast %swap3A_1570 : vector<1x1x1x16xf32> to vector<16xf32>
      %swap3A_1572 = vector.shape_cast %add3A_1563 : vector<16xf32> to vector<1x1x1x16xf32>
      tpu.vector_store %arg13[%swap3A_1566, %swap3A_1567, %swap3A_1568, %swap3A_1569], %swap3A_1572 {strides = array<i32>} : memref<2x3x128x128xf32, #tpu.memory_space<vmem>>, vector<1x1x1x16xf32>,
      %get3A_1573 = arith.constant 0 : i32
      %get3A_1574 = arith.constant 0 : i32
      %get3A_1575 = arith.index_cast %get3A_1573 : i32 to index
      %get3A_1576 = arith.index_cast %get3A_1574 : i32 to index
      %get3A_1577 = arith.index_cast %scan3A_1502 : i32 to index
      %get3A_1578 = arith.constant 32 : index
      %get3A_1579 = tpu.vector_load %arg13[%get3A_1575, %get3A_1576, %get3A_1577, %get3A_1578] {strides = array<i32>} : memref<2x3x128x128xf32, #tpu.memory_space<vmem>>, vector<1x1x1x16xf32>,
      %get3A_1580 = vector.shape_cast %get3A_1579 : vector<1x1x1x16xf32> to vector<16xf32>
      %get3A_1581 = arith.constant 0 : i32
      %get3A_1582 = arith.constant 1 : i32
      %get3A_1583 = arith.index_cast %get3A_1581 : i32 to index
      %get3A_1584 = arith.index_cast %get3A_1582 : i32 to index
      %get3A_1585 = arith.index_cast %scan3A_1502 : i32 to index
      %get3A_1586 = arith.constant 32 : index
      %get3A_1587 = tpu.vector_load %arg13[%get3A_1583, %get3A_1584, %get3A_1585, %get3A_1586] {strides = array<i32>} : memref<2x3x128x128xf32, #tpu.memory_space<vmem>>, vector<1x1x1x16xf32>,
      %get3A_1588 = vector.shape_cast %get3A_1587 : vector<1x1x1x16xf32> to vector<16xf32>
      %add3A_1589 = arith.addf %get3A_1580, %get3A_1588 : vector<16xf32>
      %get3A_1590 = arith.constant 0 : i32
      %get3A_1591 = arith.constant 2 : i32
      %get3A_1592 = arith.index_cast %get3A_1590 : i32 to index
      %get3A_1593 = arith.index_cast %get3A_1591 : i32 to index
      %get3A_1594 = arith.index_cast %scan3A_1502 : i32 to index
      %get3A_1595 = arith.constant 32 : index
      %get3A_1596 = tpu.vector_load %arg13[%get3A_1592, %get3A_1593, %get3A_1594, %get3A_1595] {strides = array<i32>} : memref<2x3x128x128xf32, #tpu.memory_space<vmem>>, vector<1x1x1x16xf32>,
      %get3A_1597 = vector.shape_cast %get3A_1596 : vector<1x1x1x16xf32> to vector<16xf32>
      %add3A_1598 = arith.addf %add3A_1589, %get3A_1597 : vector<16xf32>
      %swap3A_1599 = arith.constant 0 : i32
      %swap3A_1600 = arith.constant 0 : i32
      %swap3A_1601 = arith.index_cast %swap3A_1599 : i32 to index
      %swap3A_1602 = arith.index_cast %swap3A_1600 : i32 to index
      %swap3A_1603 = arith.index_cast %scan3A_1502 : i32 to index
      %swap3A_1604 = arith.constant 32 : index
      %swap3A_1605 = tpu.vector_load %arg13[%swap3A_1601, %swap3A_1602, %swap3A_1603, %swap3A_1604] {strides = array<i32>} : memref<2x3x128x128xf32, #tpu.memory_space<vmem>>, vector<1x1x1x16xf32>,
      %swap3A_1606 = vector.shape_cast %swap3A_1605 : vector<1x1x1x16xf32> to vector<16xf32>
      %swap3A_1607 = vector.shape_cast %add3A_1598 : vector<16xf32> to vector<1x1x1x16xf32>
      tpu.vector_store %arg13[%swap3A_1601, %swap3A_1602, %swap3A_1603, %swap3A_1604], %swap3A_1607 {strides = array<i32>} : memref<2x3x128x128xf32, #tpu.memory_space<vmem>>, vector<1x1x1x16xf32>,
      %get3A_1608 = arith.constant 0 : i32
      %get3A_1609 = arith.constant 0 : i32
      %get3A_1610 = arith.index_cast %get3A_1608 : i32 to index
      %get3A_1611 = arith.index_cast %get3A_1609 : i32 to index
      %get3A_1612 = arith.index_cast %scan3A_1502 : i32 to index
      %get3A_1613 = arith.constant 48 : index
      %get3A_1614 = tpu.vector_load %arg13[%get3A_1610, %get3A_1611, %get3A_1612, %get3A_1613] {strides = array<i32>} : memref<2x3x128x128xf32, #tpu.memory_space<vmem>>, vector<1x1x1x16xf32>,
      %get3A_1615 = vector.shape_cast %get3A_1614 : vector<1x1x1x16xf32> to vector<16xf32>
      %get3A_1616 = arith.constant 0 : i32
      %get3A_1617 = arith.constant 1 : i32
      %get3A_1618 = arith.index_cast %get3A_1616 : i32 to index
      %get3A_1619 = arith.index_cast %get3A_1617 : i32 to index
      %get3A_1620 = arith.index_cast %scan3A_1502 : i32 to index
      %get3A_1621 = arith.constant 48 : index
      %get3A_1622 = tpu.vector_load %arg13[%get3A_1618, %get3A_1619, %get3A_1620, %get3A_1621] {strides = array<i32>} : memref<2x3x128x128xf32, #tpu.memory_space<vmem>>, vector<1x1x1x16xf32>,
      %get3A_1623 = vector.shape_cast %get3A_1622 : vector<1x1x1x16xf32> to vector<16xf32>
      %add3A_1624 = arith.addf %get3A_1615, %get3A_1623 : vector<16xf32>
      %get3A_1625 = arith.constant 0 : i32
      %get3A_1626 = arith.constant 2 : i32
      %get3A_1627 = arith.index_cast %get3A_1625 : i32 to index
      %get3A_1628 = arith.index_cast %get3A_1626 : i32 to index
      %get3A_1629 = arith.index_cast %scan3A_1502 : i32 to index
      %get3A_1630 = arith.constant 48 : index
      %get3A_1631 = tpu.vector_load %arg13[%get3A_1627, %get3A_1628, %get3A_1629, %get3A_1630] {strides = array<i32>} : memref<2x3x128x128xf32, #tpu.memory_space<vmem>>, vector<1x1x1x16xf32>,
      %get3A_1632 = vector.shape_cast %get3A_1631 : vector<1x1x1x16xf32> to vector<16xf32>
      %add3A_1633 = arith.addf %add3A_1624, %get3A_1632 : vector<16xf32>
      %swap3A_1634 = arith.constant 0 : i32
      %swap3A_1635 = arith.constant 0 : i32
      %swap3A_1636 = arith.index_cast %swap3A_1634 : i32 to index
      %swap3A_1637 = arith.index_cast %swap3A_1635 : i32 to index
      %swap3A_1638 = arith.index_cast %scan3A_1502 : i32 to index
      %swap3A_1639 = arith.constant 48 : index
      %swap3A_1640 = tpu.vector_load %arg13[%swap3A_1636, %swap3A_1637, %swap3A_1638, %swap3A_1639] {strides = array<i32>} : memref<2x3x128x128xf32, #tpu.memory_space<vmem>>, vector<1x1x1x16xf32>,
      %swap3A_1641 = vector.shape_cast %swap3A_1640 : vector<1x1x1x16xf32> to vector<16xf32>
      %swap3A_1642 = vector.shape_cast %add3A_1633 : vector<16xf32> to vector<1x1x1x16xf32>
      tpu.vector_store %arg13[%swap3A_1636, %swap3A_1637, %swap3A_1638, %swap3A_1639], %swap3A_1642 {strides = array<i32>} : memref<2x3x128x128xf32, #tpu.memory_space<vmem>>, vector<1x1x1x16xf32>,
      %get3A_1643 = arith.constant 0 : i32
      %get3A_1644 = arith.constant 0 : i32
      %get3A_1645 = arith.index_cast %get3A_1643 : i32 to index
      %get3A_1646 = arith.index_cast %get3A_1644 : i32 to index
      %get3A_1647 = arith.index_cast %scan3A_1502 : i32 to index
      %get3A_1648 = arith.constant 64 : index
      %get3A_1649 = tpu.vector_load %arg13[%get3A_1645, %get3A_1646, %get3A_1647, %get3A_1648] {strides = array<i32>} : memref<2x3x128x128xf32, #tpu.memory_space<vmem>>, vector<1x1x1x16xf32>,
      %get3A_1650 = vector.shape_cast %get3A_1649 : vector<1x1x1x16xf32> to vector<16xf32>
      %get3A_1651 = arith.constant 0 : i32
      %get3A_1652 = arith.constant 1 : i32
      %get3A_1653 = arith.index_cast %get3A_1651 : i32 to index
      %get3A_1654 = arith.index_cast %get3A_1652 : i32 to index
      %get3A_1655 = arith.index_cast %scan3A_1502 : i32 to index
      %get3A_1656 = arith.constant 64 : index
      %get3A_1657 = tpu.vector_load %arg13[%get3A_1653, %get3A_1654, %get3A_1655, %get3A_1656] {strides = array<i32>} : memref<2x3x128x128xf32, #tpu.memory_space<vmem>>, vector<1x1x1x16xf32>,
      %get3A_1658 = vector.shape_cast %get3A_1657 : vector<1x1x1x16xf32> to vector<16xf32>
      %add3A_1659 = arith.addf %get3A_1650, %get3A_1658 : vector<16xf32>
      %get3A_1660 = arith.constant 0 : i32
      %get3A_1661 = arith.constant 2 : i32
      %get3A_1662 = arith.index_cast %get3A_1660 : i32 to index
      %get3A_1663 = arith.index_cast %get3A_1661 : i32 to index
      %get3A_1664 = arith.index_cast %scan3A_1502 : i32 to index
      %get3A_1665 = arith.constant 64 : index
      %get3A_1666 = tpu.vector_load %arg13[%get3A_1662, %get3A_1663, %get3A_1664, %get3A_1665] {strides = array<i32>} : memref<2x3x128x128xf32, #tpu.memory_space<vmem>>, vector<1x1x1x16xf32>,
      %get3A_1667 = vector.shape_cast %get3A_1666 : vector<1x1x1x16xf32> to vector<16xf32>
      %add3A_1668 = arith.addf %add3A_1659, %get3A_1667 : vector<16xf32>
      %swap3A_1669 = arith.constant 0 : i32
      %swap3A_1670 = arith.constant 0 : i32
      %swap3A_1671 = arith.index_cast %swap3A_1669 : i32 to index
      %swap3A_1672 = arith.index_cast %swap3A_1670 : i32 to index
      %swap3A_1673 = arith.index_cast %scan3A_1502 : i32 to index
      %swap3A_1674 = arith.constant 64 : index
      %swap3A_1675 = tpu.vector_load %arg13[%swap3A_1671, %swap3A_1672, %swap3A_1673, %swap3A_1674] {strides = array<i32>} : memref<2x3x128x128xf32, #tpu.memory_space<vmem>>, vector<1x1x1x16xf32>,
      %swap3A_1676 = vector.shape_cast %swap3A_1675 : vector<1x1x1x16xf32> to vector<16xf32>
      %swap3A_1677 = vector.shape_cast %add3A_1668 : vector<16xf32> to vector<1x1x1x16xf32>
      tpu.vector_store %arg13[%swap3A_1671, %swap3A_1672, %swap3A_1673, %swap3A_1674], %swap3A_1677 {strides = array<i32>} : memref<2x3x128x128xf32, #tpu.memory_space<vmem>>, vector<1x1x1x16xf32>,
      %get3A_1678 = arith.constant 0 : i32
      %get3A_1679 = arith.constant 0 : i32
      %get3A_1680 = arith.index_cast %get3A_1678 : i32 to index
      %get3A_1681 = arith.index_cast %get3A_1679 : i32 to index
      %get3A_1682 = arith.index_cast %scan3A_1502 : i32 to index
      %get3A_1683 = arith.constant 80 : index
      %get3A_1684 = tpu.vector_load %arg13[%get3A_1680, %get3A_1681, %get3A_1682, %get3A_1683] {strides = array<i32>} : memref<2x3x128x128xf32, #tpu.memory_space<vmem>>, vector<1x1x1x16xf32>,
      %get3A_1685 = vector.shape_cast %get3A_1684 : vector<1x1x1x16xf32> to vector<16xf32>
      %get3A_1686 = arith.constant 0 : i32
      %get3A_1687 = arith.constant 1 : i32
      %get3A_1688 = arith.index_cast %get3A_1686 : i32 to index
      %get3A_1689 = arith.index_cast %get3A_1687 : i32 to index
      %get3A_1690 = arith.index_cast %scan3A_1502 : i32 to index
      %get3A_1691 = arith.constant 80 : index
      %get3A_1692 = tpu.vector_load %arg13[%get3A_1688, %get3A_1689, %get3A_1690, %get3A_1691] {strides = array<i32>} : memref<2x3x128x128xf32, #tpu.memory_space<vmem>>, vector<1x1x1x16xf32>,
      %get3A_1693 = vector.shape_cast %get3A_1692 : vector<1x1x1x16xf32> to vector<16xf32>
      %add3A_1694 = arith.addf %get3A_1685, %get3A_1693 : vector<16xf32>
      %get3A_1695 = arith.constant 0 : i32
      %get3A_1696 = arith.constant 2 : i32
      %get3A_1697 = arith.index_cast %get3A_1695 : i32 to index
      %get3A_1698 = arith.index_cast %get3A_1696 : i32 to index
      %get3A_1699 = arith.index_cast %scan3A_1502 : i32 to index
      %get3A_1700 = arith.constant 80 : index
      %get3A_1701 = tpu.vector_load %arg13[%get3A_1697, %get3A_1698, %get3A_1699, %get3A_1700] {strides = array<i32>} : memref<2x3x128x128xf32, #tpu.memory_space<vmem>>, vector<1x1x1x16xf32>,
      %get3A_1702 = vector.shape_cast %get3A_1701 : vector<1x1x1x16xf32> to vector<16xf32>
      %add3A_1703 = arith.addf %add3A_1694, %get3A_1702 : vector<16xf32>
      %swap3A_1704 = arith.constant 0 : i32
      %swap3A_1705 = arith.constant 0 : i32
      %swap3A_1706 = arith.index_cast %swap3A_1704 : i32 to index
      %swap3A_1707 = arith.index_cast %swap3A_1705 : i32 to index
      %swap3A_1708 = arith.index_cast %scan3A_1502 : i32 to index
      %swap3A_1709 = arith.constant 80 : index
      %swap3A_1710 = tpu.vector_load %arg13[%swap3A_1706, %swap3A_1707, %swap3A_1708, %swap3A_1709] {strides = array<i32>} : memref<2x3x128x128xf32, #tpu.memory_space<vmem>>, vector<1x1x1x16xf32>,
      %swap3A_1711 = vector.shape_cast %swap3A_1710 : vector<1x1x1x16xf32> to vector<16xf32>
      %swap3A_1712 = vector.shape_cast %add3A_1703 : vector<16xf32> to vector<1x1x1x16xf32>
      tpu.vector_store %arg13[%swap3A_1706, %swap3A_1707, %swap3A_1708, %swap3A_1709], %swap3A_1712 {strides = array<i32>} : memref<2x3x128x128xf32, #tpu.memory_space<vmem>>, vector<1x1x1x16xf32>,
      %get3A_1713 = arith.constant 0 : i32
      %get3A_1714 = arith.constant 0 : i32
      %get3A_1715 = arith.index_cast %get3A_1713 : i32 to index
      %get3A_1716 = arith.index_cast %get3A_1714 : i32 to index
      %get3A_1717 = arith.index_cast %scan3A_1502 : i32 to index
      %get3A_1718 = arith.constant 96 : index
      %get3A_1719 = tpu.vector_load %arg13[%get3A_1715, %get3A_1716, %get3A_1717, %get3A_1718] {strides = array<i32>} : memref<2x3x128x128xf32, #tpu.memory_space<vmem>>, vector<1x1x1x16xf32>,
      %get3A_1720 = vector.shape_cast %get3A_1719 : vector<1x1x1x16xf32> to vector<16xf32>
      %get3A_1721 = arith.constant 0 : i32
      %get3A_1722 = arith.constant 1 : i32
      %get3A_1723 = arith.index_cast %get3A_1721 : i32 to index
      %get3A_1724 = arith.index_cast %get3A_1722 : i32 to index
      %get3A_1725 = arith.index_cast %scan3A_1502 : i32 to index
      %get3A_1726 = arith.constant 96 : index
      %get3A_1727 = tpu.vector_load %arg13[%get3A_1723, %get3A_1724, %get3A_1725, %get3A_1726] {strides = array<i32>} : memref<2x3x128x128xf32, #tpu.memory_space<vmem>>, vector<1x1x1x16xf32>,
      %get3A_1728 = vector.shape_cast %get3A_1727 : vector<1x1x1x16xf32> to vector<16xf32>
      %add3A_1729 = arith.addf %get3A_1720, %get3A_1728 : vector<16xf32>
      %get3A_1730 = arith.constant 0 : i32
      %get3A_1731 = arith.constant 2 : i32
      %get3A_1732 = arith.index_cast %get3A_1730 : i32 to index
      %get3A_1733 = arith.index_cast %get3A_1731 : i32 to index
      %get3A_1734 = arith.index_cast %scan3A_1502 : i32 to index
      %get3A_1735 = arith.constant 96 : index
      %get3A_1736 = tpu.vector_load %arg13[%get3A_1732, %get3A_1733, %get3A_1734, %get3A_1735] {strides = array<i32>} : memref<2x3x128x128xf32, #tpu.memory_space<vmem>>, vector<1x1x1x16xf32>,
      %get3A_1737 = vector.shape_cast %get3A_1736 : vector<1x1x1x16xf32> to vector<16xf32>
      %add3A_1738 = arith.addf %add3A_1729, %get3A_1737 : vector<16xf32>
      %swap3A_1739 = arith.constant 0 : i32
      %swap3A_1740 = arith.constant 0 : i32
      %swap3A_1741 = arith.index_cast %swap3A_1739 : i32 to index
      %swap3A_1742 = arith.index_cast %swap3A_1740 : i32 to index
      %swap3A_1743 = arith.index_cast %scan3A_1502 : i32 to index
      %swap3A_1744 = arith.constant 96 : index
      %swap3A_1745 = tpu.vector_load %arg13[%swap3A_1741, %swap3A_1742, %swap3A_1743, %swap3A_1744] {strides = array<i32>} : memref<2x3x128x128xf32, #tpu.memory_space<vmem>>, vector<1x1x1x16xf32>,
      %swap3A_1746 = vector.shape_cast %swap3A_1745 : vector<1x1x1x16xf32> to vector<16xf32>
      %swap3A_1747 = vector.shape_cast %add3A_1738 : vector<16xf32> to vector<1x1x1x16xf32>
      tpu.vector_store %arg13[%swap3A_1741, %swap3A_1742, %swap3A_1743, %swap3A_1744], %swap3A_1747 {strides = array<i32>} : memref<2x3x128x128xf32, #tpu.memory_space<vmem>>, vector<1x1x1x16xf32>,
      %get3A_1748 = arith.constant 0 : i32
      %get3A_1749 = arith.constant 0 : i32
      %get3A_1750 = arith.index_cast %get3A_1748 : i32 to index
      %get3A_1751 = arith.index_cast %get3A_1749 : i32 to index
      %get3A_1752 = arith.index_cast %scan3A_1502 : i32 to index
      %get3A_1753 = arith.constant 112 : index
      %get3A_1754 = tpu.vector_load %arg13[%get3A_1750, %get3A_1751, %get3A_1752, %get3A_1753] {strides = array<i32>} : memref<2x3x128x128xf32, #tpu.memory_space<vmem>>, vector<1x1x1x16xf32>,
      %get3A_1755 = vector.shape_cast %get3A_1754 : vector<1x1x1x16xf32> to vector<16xf32>
      %get3A_1756 = arith.constant 0 : i32
      %get3A_1757 = arith.constant 1 : i32
      %get3A_1758 = arith.index_cast %get3A_1756 : i32 to index
      %get3A_1759 = arith.index_cast %get3A_1757 : i32 to index
      %get3A_1760 = arith.index_cast %scan3A_1502 : i32 to index
      %get3A_1761 = arith.constant 112 : index
      %get3A_1762 = tpu.vector_load %arg13[%get3A_1758, %get3A_1759, %get3A_1760, %get3A_1761] {strides = array<i32>} : memref<2x3x128x128xf32, #tpu.memory_space<vmem>>, vector<1x1x1x16xf32>,
      %get3A_1763 = vector.shape_cast %get3A_1762 : vector<1x1x1x16xf32> to vector<16xf32>
      %add3A_1764 = arith.addf %get3A_1755, %get3A_1763 : vector<16xf32>
      %get3A_1765 = arith.constant 0 : i32
      %get3A_1766 = arith.constant 2 : i32
      %get3A_1767 = arith.index_cast %get3A_1765 : i32 to index
      %get3A_1768 = arith.index_cast %get3A_1766 : i32 to index
      %get3A_1769 = arith.index_cast %scan3A_1502 : i32 to index
      %get3A_1770 = arith.constant 112 : index
      %get3A_1771 = tpu.vector_load %arg13[%get3A_1767, %get3A_1768, %get3A_1769, %get3A_1770] {strides = array<i32>} : memref<2x3x128x128xf32, #tpu.memory_space<vmem>>, vector<1x1x1x16xf32>,
      %get3A_1772 = vector.shape_cast %get3A_1771 : vector<1x1x1x16xf32> to vector<16xf32>
      %add3A_1773 = arith.addf %add3A_1764, %get3A_1772 : vector<16xf32>
      %swap3A_1774 = arith.constant 0 : i32
      %swap3A_1775 = arith.constant 0 : i32
      %swap3A_1776 = arith.index_cast %swap3A_1774 : i32 to index
      %swap3A_1777 = arith.index_cast %swap3A_1775 : i32 to index
      %swap3A_1778 = arith.index_cast %scan3A_1502 : i32 to index
      %swap3A_1779 = arith.constant 112 : index
      %swap3A_1780 = tpu.vector_load %arg13[%swap3A_1776, %swap3A_1777, %swap3A_1778, %swap3A_1779] {strides = array<i32>} : memref<2x3x128x128xf32, #tpu.memory_space<vmem>>, vector<1x1x1x16xf32>,
      %swap3A_1781 = vector.shape_cast %swap3A_1780 : vector<1x1x1x16xf32> to vector<16xf32>
      %swap3A_1782 = vector.shape_cast %add3A_1773 : vector<16xf32> to vector<1x1x1x16xf32>
      tpu.vector_store %arg13[%swap3A_1776, %swap3A_1777, %swap3A_1778, %swap3A_1779], %swap3A_1782 {strides = array<i32>} : memref<2x3x128x128xf32, #tpu.memory_space<vmem>>, vector<1x1x1x16xf32>,
    }
    %scan3A_1396 = arith.constant 128 : i32
    %add3A_1397 = arith.constant 256 : i32
    %add3A_1398 = arith.addi %mul3A_2, %add3A_1397 : i32
    %dma_start3A_1399 = arith.constant 0 : i32
    %dma_start3A_1400 = arith.constant 0 : i32
    %dma_start3A_1401 = arith.constant 0 : i32
    %dma_start3A_1402 = arith.constant 0 : i32
    %dma_start3A_1403 = tpu.memref_slice %arg13[%dma_start3A_1399, %dma_start3A_1400, %dma_start3A_1401, %dma_start3A_1402] : memref<2x3x128x128xf32, #tpu.memory_space<vmem>> -> memref<1x1x128x128xf32, #tpu.memory_space<vmem>>
    %dma_start3A_1404 = tpu.memref_squeeze %dma_start3A_1403 : memref<1x1x128x128xf32, #tpu.memory_space<vmem>> -> memref<128x128xf32, #tpu.memory_space<vmem>>
    %dma_start3A_1405 = arith.constant 0 : i32
    %dma_start3A_1406 = tpu.memref_slice %arg10[%add3A_1398, %dma_start3A_1405] : memref<16384x128xf32, #tpu.memory_space<hbm>> -> memref<128x128xf32, #tpu.memory_space<hbm>>
    %dma_start3A_1407 = arith.constant 0 : i32
    %dma_start3A_1408 = tpu.memref_slice %arg10[%add3A_1398, %dma_start3A_1407] : memref<16384x128xf32, #tpu.memory_space<hbm>> -> memref<128x128xf32, #tpu.memory_space<hbm>>
    %dma_start3A_1409 = arith.constant 0 : i32
    %dma_start3A_1410 = arith.constant 0 : i32
    %dma_start3A_1411 = tpu.memref_slice %arg13[%dma_start3A_1399, %dma_start3A_1400, %dma_start3A_1409, %dma_start3A_1410] : memref<2x3x128x128xf32, #tpu.memory_space<vmem>> -> memref<1x1x128x128xf32, #tpu.memory_space<vmem>>
    %dma_start3A_1412 = tpu.memref_squeeze %dma_start3A_1411 : memref<1x1x128x128xf32, #tpu.memory_space<vmem>> -> memref<128x128xf32, #tpu.memory_space<vmem>>
    tpu.enqueue_dma source(%dma_start3A_1412 : memref<128x128xf32, #tpu.memory_space<vmem>>) target(%dma_start3A_1408 : memref<128x128xf32, #tpu.memory_space<hbm>>) target_semaphore(%arg18 : memref<!tpu.dma_semaphore, #tpu.memory_space<semaphore_mem>>)
    %dma_wait3A_1413 = arith.constant 1 : i32
    %dma_wait3A_1414 = arith.constant 1 : i32
    %dma_wait3A_1415 = arith.constant 0 : i32
    %dma_wait3A_1416 = arith.constant 0 : i32
    %dma_wait3A_1417 = arith.constant 0 : i32
    %dma_wait3A_1418 = tpu.memref_slice %arg13[%dma_wait3A_1414, %dma_wait3A_1415, %dma_wait3A_1416, %dma_wait3A_1417] : memref<2x3x128x128xf32, #tpu.memory_space<vmem>> -> memref<1x1x128x128xf32, #tpu.memory_space<vmem>>
    %dma_wait3A_1419 = tpu.memref_squeeze %dma_wait3A_1418 : memref<1x1x128x128xf32, #tpu.memory_space<vmem>> -> memref<128x128xf32, #tpu.memory_space<vmem>>
    %dma_wait3A_1420 = arith.constant 0 : i32
    %dma_wait3A_1421 = tpu.memref_slice %arg12[%dma_wait3A_1413, %dma_wait3A_1420] : memref<2x128xi32, #tpu.memory_space<vmem>> -> memref<1x128xi32, #tpu.memory_space<vmem>>
    %dma_wait3A_1422 = tpu.memref_squeeze %dma_wait3A_1421 : memref<1x128xi32, #tpu.memory_space<vmem>> -> memref<128xi32, #tpu.memory_space<vmem>>
    %dma_wait3A_1423 = arith.constant 0 : i32
    %dma_wait3A_1424 = arith.constant 0 : i32
    %dma_wait3A_1425 = tpu.memref_slice %arg14[%dma_wait3A_1423, %dma_wait3A_1424] : memref<1024x128xf32, #tpu.memory_space<vmem_shared>> -> memref<1024x128xf32, #tpu.memory_space<vmem_shared>>
    tpu.wait_indirect_dma semaphore(%arg17 : memref<!tpu.dma_semaphore, #tpu.memory_space<semaphore_mem>>) src(%dma_wait3A_1425 : memref<1024x128xf32, #tpu.memory_space<vmem_shared>>) dst(%dma_wait3A_1419 : memref<128x128xf32, #tpu.memory_space<vmem>>)
    %dma_wait3A_1426 = arith.constant 3 : i32
    %dma_wait3A_1427 = arith.constant 1 : i32
    %dma_wait3A_1428 = arith.constant 1 : i32
    %dma_wait3A_1429 = arith.constant 0 : i32
    %dma_wait3A_1430 = arith.constant 0 : i32
    %dma_wait3A_1431 = tpu.memref_slice %arg13[%dma_wait3A_1427, %dma_wait3A_1428, %dma_wait3A_1429, %dma_wait3A_1430] : memref<2x3x128x128xf32, #tpu.memory_space<vmem>> -> memref<1x1x128x128xf32, #tpu.memory_space<vmem>>
    %dma_wait3A_1432 = tpu.memref_squeeze %dma_wait3A_1431 : memref<1x1x128x128xf32, #tpu.memory_space<vmem>> -> memref<128x128xf32, #tpu.memory_space<vmem>>
    %dma_wait3A_1433 = arith.constant 384 : i32
    %dma_wait3A_1434 = tpu.memref_slice %arg11[%dma_wait3A_1426, %dma_wait3A_1433] : memref<5x512xi32, #tpu.memory_space<vmem>> -> memref<1x128xi32, #tpu.memory_space<vmem>>
    %dma_wait3A_1435 = tpu.memref_squeeze %dma_wait3A_1434 : memref<1x128xi32, #tpu.memory_space<vmem>> -> memref<128xi32, #tpu.memory_space<vmem>>
    %dma_wait3A_1436 = arith.constant 0 : i32
    %dma_wait3A_1437 = arith.constant 0 : i32
    %dma_wait3A_1438 = tpu.memref_slice %arg15[%dma_wait3A_1436, %dma_wait3A_1437] : memref<64x128xf32, #tpu.memory_space<vmem_shared>> -> memref<64x128xf32, #tpu.memory_space<vmem_shared>>
    tpu.wait_indirect_dma semaphore(%arg17 : memref<!tpu.dma_semaphore, #tpu.memory_space<semaphore_mem>>) src(%dma_wait3A_1438 : memref<64x128xf32, #tpu.memory_space<vmem_shared>>) dst(%dma_wait3A_1432 : memref<128x128xf32, #tpu.memory_space<vmem>>)
    %dma_wait3A_1439 = arith.constant 4 : i32
    %dma_wait3A_1440 = arith.constant 1 : i32
    %dma_wait3A_1441 = arith.constant 2 : i32
    %dma_wait3A_1442 = arith.constant 0 : i32
    %dma_wait3A_1443 = arith.constant 0 : i32
    %dma_wait3A_1444 = tpu.memref_slice %arg13[%dma_wait3A_1440, %dma_wait3A_1441, %dma_wait3A_1442, %dma_wait3A_1443] : memref<2x3x128x128xf32, #tpu.memory_space<vmem>> -> memref<1x1x128x128xf32, #tpu.memory_space<vmem>>
    %dma_wait3A_1445 = tpu.memref_squeeze %dma_wait3A_1444 : memref<1x1x128x128xf32, #tpu.memory_space<vmem>> -> memref<128x128xf32, #tpu.memory_space<vmem>>
    %dma_wait3A_1446 = arith.constant 384 : i32
    %dma_wait3A_1447 = tpu.memref_slice %arg11[%dma_wait3A_1439, %dma_wait3A_1446] : memref<5x512xi32, #tpu.memory_space<vmem>> -> memref<1x128xi32, #tpu.memory_space<vmem>>
    %dma_wait3A_1448 = tpu.memref_squeeze %dma_wait3A_1447 : memref<1x128xi32, #tpu.memory_space<vmem>> -> memref<128xi32, #tpu.memory_space<vmem>>
    %dma_wait3A_1449 = arith.constant 0 : i32
    %dma_wait3A_1450 = arith.constant 0 : i32
    %dma_wait3A_1451 = tpu.memref_slice %arg16[%dma_wait3A_1449, %dma_wait3A_1450] : memref<512x128xf32, #tpu.memory_space<vmem_shared>> -> memref<512x128xf32, #tpu.memory_space<vmem_shared>>
    tpu.wait_indirect_dma semaphore(%arg17 : memref<!tpu.dma_semaphore, #tpu.memory_space<semaphore_mem>>) src(%dma_wait3A_1451 : memref<512x128xf32, #tpu.memory_space<vmem_shared>>) dst(%dma_wait3A_1445 : memref<128x128xf32, #tpu.memory_space<vmem>>)
    %scan3A_1452 = arith.constant 0 : i32
    %scan3A_1453 = arith.constant 0 : i32
    %scan3A_1454 = arith.constant 128 : i32
    %scan3A_1455 = arith.addi %scan3A_1453, %scan3A_1454 : i32
    %scan3A_1456 = arith.constant 1 : i32
    scf.for %scan3A_1502 = %scan3A_1453 to %scan3A_1455 step %scan3A_1456  : i32 {
      %get3A_1503 = arith.constant 1 : i32
      %get3A_1504 = arith.constant 0 : i32
      %get3A_1505 = arith.index_cast %get3A_1503 : i32 to index
      %get3A_1506 = arith.index_cast %get3A_1504 : i32 to index
      %get3A_1507 = arith.index_cast %scan3A_1502 : i32 to index
      %get3A_1508 = arith.constant 0 : index
      %get3A_1509 = tpu.vector_load %arg13[%get3A_1505, %get3A_1506, %get3A_1507, %get3A_1508] {strides = array<i32>} : memref<2x3x128x128xf32, #tpu.memory_space<vmem>>, vector<1x1x1x16xf32>,
      %get3A_1510 = vector.shape_cast %get3A_1509 : vector<1x1x1x16xf32> to vector<16xf32>
      %get3A_1511 = arith.constant 1 : i32
      %get3A_1512 = arith.constant 1 : i32
      %get3A_1513 = arith.index_cast %get3A_1511 : i32 to index
      %get3A_1514 = arith.index_cast %get3A_1512 : i32 to index
      %get3A_1515 = arith.index_cast %scan3A_1502 : i32 to index
      %get3A_1516 = arith.constant 0 : index
      %get3A_1517 = tpu.vector_load %arg13[%get3A_1513, %get3A_1514, %get3A_1515, %get3A_1516] {strides = array<i32>} : memref<2x3x128x128xf32, #tpu.memory_space<vmem>>, vector<1x1x1x16xf32>,
      %get3A_1518 = vector.shape_cast %get3A_1517 : vector<1x1x1x16xf32> to vector<16xf32>
      %add3A_1519 = arith.addf %get3A_1510, %get3A_1518 : vector<16xf32>
      %get3A_1520 = arith.constant 1 : i32
      %get3A_1521 = arith.constant 2 : i32
      %get3A_1522 = arith.index_cast %get3A_1520 : i32 to index
      %get3A_1523 = arith.index_cast %get3A_1521 : i32 to index
      %get3A_1524 = arith.index_cast %scan3A_1502 : i32 to index
      %get3A_1525 = arith.constant 0 : index
      %get3A_1526 = tpu.vector_load %arg13[%get3A_1522, %get3A_1523, %get3A_1524, %get3A_1525] {strides = array<i32>} : memref<2x3x128x128xf32, #tpu.memory_space<vmem>>, vector<1x1x1x16xf32>,
      %get3A_1527 = vector.shape_cast %get3A_1526 : vector<1x1x1x16xf32> to vector<16xf32>
      %add3A_1528 = arith.addf %add3A_1519, %get3A_1527 : vector<16xf32>
      %swap3A_1529 = arith.constant 1 : i32
      %swap3A_1530 = arith.constant 0 : i32
      %swap3A_1531 = arith.index_cast %swap3A_1529 : i32 to index
      %swap3A_1532 = arith.index_cast %swap3A_1530 : i32 to index
      %swap3A_1533 = arith.index_cast %scan3A_1502 : i32 to index
      %swap3A_1534 = arith.constant 0 : index
      %swap3A_1535 = tpu.vector_load %arg13[%swap3A_1531, %swap3A_1532, %swap3A_1533, %swap3A_1534] {strides = array<i32>} : memref<2x3x128x128xf32, #tpu.memory_space<vmem>>, vector<1x1x1x16xf32>,
      %swap3A_1536 = vector.shape_cast %swap3A_1535 : vector<1x1x1x16xf32> to vector<16xf32>
      %swap3A_1537 = vector.shape_cast %add3A_1528 : vector<16xf32> to vector<1x1x1x16xf32>
      tpu.vector_store %arg13[%swap3A_1531, %swap3A_1532, %swap3A_1533, %swap3A_1534], %swap3A_1537 {strides = array<i32>} : memref<2x3x128x128xf32, #tpu.memory_space<vmem>>, vector<1x1x1x16xf32>,
      %get3A_1538 = arith.constant 1 : i32
      %get3A_1539 = arith.constant 0 : i32
      %get3A_1540 = arith.index_cast %get3A_1538 : i32 to index
      %get3A_1541 = arith.index_cast %get3A_1539 : i32 to index
      %get3A_1542 = arith.index_cast %scan3A_1502 : i32 to index
      %get3A_1543 = arith.constant 16 : index
      %get3A_1544 = tpu.vector_load %arg13[%get3A_1540, %get3A_1541, %get3A_1542, %get3A_1543] {strides = array<i32>} : memref<2x3x128x128xf32, #tpu.memory_space<vmem>>, vector<1x1x1x16xf32>,
      %get3A_1545 = vector.shape_cast %get3A_1544 : vector<1x1x1x16xf32> to vector<16xf32>
      %get3A_1546 = arith.constant 1 : i32
      %get3A_1547 = arith.constant 1 : i32
      %get3A_1548 = arith.index_cast %get3A_1546 : i32 to index
      %get3A_1549 = arith.index_cast %get3A_1547 : i32 to index
      %get3A_1550 = arith.index_cast %scan3A_1502 : i32 to index
      %get3A_1551 = arith.constant 16 : index
      %get3A_1552 = tpu.vector_load %arg13[%get3A_1548, %get3A_1549, %get3A_1550, %get3A_1551] {strides = array<i32>} : memref<2x3x128x128xf32, #tpu.memory_space<vmem>>, vector<1x1x1x16xf32>,
      %get3A_1553 = vector.shape_cast %get3A_1552 : vector<1x1x1x16xf32> to vector<16xf32>
      %add3A_1554 = arith.addf %get3A_1545, %get3A_1553 : vector<16xf32>
      %get3A_1555 = arith.constant 1 : i32
      %get3A_1556 = arith.constant 2 : i32
      %get3A_1557 = arith.index_cast %get3A_1555 : i32 to index
      %get3A_1558 = arith.index_cast %get3A_1556 : i32 to index
      %get3A_1559 = arith.index_cast %scan3A_1502 : i32 to index
      %get3A_1560 = arith.constant 16 : index
      %get3A_1561 = tpu.vector_load %arg13[%get3A_1557, %get3A_1558, %get3A_1559, %get3A_1560] {strides = array<i32>} : memref<2x3x128x128xf32, #tpu.memory_space<vmem>>, vector<1x1x1x16xf32>,
      %get3A_1562 = vector.shape_cast %get3A_1561 : vector<1x1x1x16xf32> to vector<16xf32>
      %add3A_1563 = arith.addf %add3A_1554, %get3A_1562 : vector<16xf32>
      %swap3A_1564 = arith.constant 1 : i32
      %swap3A_1565 = arith.constant 0 : i32
      %swap3A_1566 = arith.index_cast %swap3A_1564 : i32 to index
      %swap3A_1567 = arith.index_cast %swap3A_1565 : i32 to index
      %swap3A_1568 = arith.index_cast %scan3A_1502 : i32 to index
      %swap3A_1569 = arith.constant 16 : index
      %swap3A_1570 = tpu.vector_load %arg13[%swap3A_1566, %swap3A_1567, %swap3A_1568, %swap3A_1569] {strides = array<i32>} : memref<2x3x128x128xf32, #tpu.memory_space<vmem>>, vector<1x1x1x16xf32>,
      %swap3A_1571 = vector.shape_cast %swap3A_1570 : vector<1x1x1x16xf32> to vector<16xf32>
      %swap3A_1572 = vector.shape_cast %add3A_1563 : vector<16xf32> to vector<1x1x1x16xf32>
      tpu.vector_store %arg13[%swap3A_1566, %swap3A_1567, %swap3A_1568, %swap3A_1569], %swap3A_1572 {strides = array<i32>} : memref<2x3x128x128xf32, #tpu.memory_space<vmem>>, vector<1x1x1x16xf32>,
      %get3A_1573 = arith.constant 1 : i32
      %get3A_1574 = arith.constant 0 : i32
      %get3A_1575 = arith.index_cast %get3A_1573 : i32 to index
      %get3A_1576 = arith.index_cast %get3A_1574 : i32 to index
      %get3A_1577 = arith.index_cast %scan3A_1502 : i32 to index
      %get3A_1578 = arith.constant 32 : index
      %get3A_1579 = tpu.vector_load %arg13[%get3A_1575, %get3A_1576, %get3A_1577, %get3A_1578] {strides = array<i32>} : memref<2x3x128x128xf32, #tpu.memory_space<vmem>>, vector<1x1x1x16xf32>,
      %get3A_1580 = vector.shape_cast %get3A_1579 : vector<1x1x1x16xf32> to vector<16xf32>
      %get3A_1581 = arith.constant 1 : i32
      %get3A_1582 = arith.constant 1 : i32
      %get3A_1583 = arith.index_cast %get3A_1581 : i32 to index
      %get3A_1584 = arith.index_cast %get3A_1582 : i32 to index
      %get3A_1585 = arith.index_cast %scan3A_1502 : i32 to index
      %get3A_1586 = arith.constant 32 : index
      %get3A_1587 = tpu.vector_load %arg13[%get3A_1583, %get3A_1584, %get3A_1585, %get3A_1586] {strides = array<i32>} : memref<2x3x128x128xf32, #tpu.memory_space<vmem>>, vector<1x1x1x16xf32>,
      %get3A_1588 = vector.shape_cast %get3A_1587 : vector<1x1x1x16xf32> to vector<16xf32>
      %add3A_1589 = arith.addf %get3A_1580, %get3A_1588 : vector<16xf32>
      %get3A_1590 = arith.constant 1 : i32
      %get3A_1591 = arith.constant 2 : i32
      %get3A_1592 = arith.index_cast %get3A_1590 : i32 to index
      %get3A_1593 = arith.index_cast %get3A_1591 : i32 to index
      %get3A_1594 = arith.index_cast %scan3A_1502 : i32 to index
      %get3A_1595 = arith.constant 32 : index
      %get3A_1596 = tpu.vector_load %arg13[%get3A_1592, %get3A_1593, %get3A_1594, %get3A_1595] {strides = array<i32>} : memref<2x3x128x128xf32, #tpu.memory_space<vmem>>, vector<1x1x1x16xf32>,
      %get3A_1597 = vector.shape_cast %get3A_1596 : vector<1x1x1x16xf32> to vector<16xf32>
      %add3A_1598 = arith.addf %add3A_1589, %get3A_1597 : vector<16xf32>
      %swap3A_1599 = arith.constant 1 : i32
      %swap3A_1600 = arith.constant 0 : i32
      %swap3A_1601 = arith.index_cast %swap3A_1599 : i32 to index
      %swap3A_1602 = arith.index_cast %swap3A_1600 : i32 to index
      %swap3A_1603 = arith.index_cast %scan3A_1502 : i32 to index
      %swap3A_1604 = arith.constant 32 : index
      %swap3A_1605 = tpu.vector_load %arg13[%swap3A_1601, %swap3A_1602, %swap3A_1603, %swap3A_1604] {strides = array<i32>} : memref<2x3x128x128xf32, #tpu.memory_space<vmem>>, vector<1x1x1x16xf32>,
      %swap3A_1606 = vector.shape_cast %swap3A_1605 : vector<1x1x1x16xf32> to vector<16xf32>
      %swap3A_1607 = vector.shape_cast %add3A_1598 : vector<16xf32> to vector<1x1x1x16xf32>
      tpu.vector_store %arg13[%swap3A_1601, %swap3A_1602, %swap3A_1603, %swap3A_1604], %swap3A_1607 {strides = array<i32>} : memref<2x3x128x128xf32, #tpu.memory_space<vmem>>, vector<1x1x1x16xf32>,
      %get3A_1608 = arith.constant 1 : i32
      %get3A_1609 = arith.constant 0 : i32
      %get3A_1610 = arith.index_cast %get3A_1608 : i32 to index
      %get3A_1611 = arith.index_cast %get3A_1609 : i32 to index
      %get3A_1612 = arith.index_cast %scan3A_1502 : i32 to index
      %get3A_1613 = arith.constant 48 : index
      %get3A_1614 = tpu.vector_load %arg13[%get3A_1610, %get3A_1611, %get3A_1612, %get3A_1613] {strides = array<i32>} : memref<2x3x128x128xf32, #tpu.memory_space<vmem>>, vector<1x1x1x16xf32>,
      %get3A_1615 = vector.shape_cast %get3A_1614 : vector<1x1x1x16xf32> to vector<16xf32>
      %get3A_1616 = arith.constant 1 : i32
      %get3A_1617 = arith.constant 1 : i32
      %get3A_1618 = arith.index_cast %get3A_1616 : i32 to index
      %get3A_1619 = arith.index_cast %get3A_1617 : i32 to index
      %get3A_1620 = arith.index_cast %scan3A_1502 : i32 to index
      %get3A_1621 = arith.constant 48 : index
      %get3A_1622 = tpu.vector_load %arg13[%get3A_1618, %get3A_1619, %get3A_1620, %get3A_1621] {strides = array<i32>} : memref<2x3x128x128xf32, #tpu.memory_space<vmem>>, vector<1x1x1x16xf32>,
      %get3A_1623 = vector.shape_cast %get3A_1622 : vector<1x1x1x16xf32> to vector<16xf32>
      %add3A_1624 = arith.addf %get3A_1615, %get3A_1623 : vector<16xf32>
      %get3A_1625 = arith.constant 1 : i32
      %get3A_1626 = arith.constant 2 : i32
      %get3A_1627 = arith.index_cast %get3A_1625 : i32 to index
      %get3A_1628 = arith.index_cast %get3A_1626 : i32 to index
      %get3A_1629 = arith.index_cast %scan3A_1502 : i32 to index
      %get3A_1630 = arith.constant 48 : index
      %get3A_1631 = tpu.vector_load %arg13[%get3A_1627, %get3A_1628, %get3A_1629, %get3A_1630] {strides = array<i32>} : memref<2x3x128x128xf32, #tpu.memory_space<vmem>>, vector<1x1x1x16xf32>,
      %get3A_1632 = vector.shape_cast %get3A_1631 : vector<1x1x1x16xf32> to vector<16xf32>
      %add3A_1633 = arith.addf %add3A_1624, %get3A_1632 : vector<16xf32>
      %swap3A_1634 = arith.constant 1 : i32
      %swap3A_1635 = arith.constant 0 : i32
      %swap3A_1636 = arith.index_cast %swap3A_1634 : i32 to index
      %swap3A_1637 = arith.index_cast %swap3A_1635 : i32 to index
      %swap3A_1638 = arith.index_cast %scan3A_1502 : i32 to index
      %swap3A_1639 = arith.constant 48 : index
      %swap3A_1640 = tpu.vector_load %arg13[%swap3A_1636, %swap3A_1637, %swap3A_1638, %swap3A_1639] {strides = array<i32>} : memref<2x3x128x128xf32, #tpu.memory_space<vmem>>, vector<1x1x1x16xf32>,
      %swap3A_1641 = vector.shape_cast %swap3A_1640 : vector<1x1x1x16xf32> to vector<16xf32>
      %swap3A_1642 = vector.shape_cast %add3A_1633 : vector<16xf32> to vector<1x1x1x16xf32>
      tpu.vector_store %arg13[%swap3A_1636, %swap3A_1637, %swap3A_1638, %swap3A_1639], %swap3A_1642 {strides = array<i32>} : memref<2x3x128x128xf32, #tpu.memory_space<vmem>>, vector<1x1x1x16xf32>,
      %get3A_1643 = arith.constant 1 : i32
      %get3A_1644 = arith.constant 0 : i32
      %get3A_1645 = arith.index_cast %get3A_1643 : i32 to index
      %get3A_1646 = arith.index_cast %get3A_1644 : i32 to index
      %get3A_1647 = arith.index_cast %scan3A_1502 : i32 to index
      %get3A_1648 = arith.constant 64 : index
      %get3A_1649 = tpu.vector_load %arg13[%get3A_1645, %get3A_1646, %get3A_1647, %get3A_1648] {strides = array<i32>} : memref<2x3x128x128xf32, #tpu.memory_space<vmem>>, vector<1x1x1x16xf32>,
      %get3A_1650 = vector.shape_cast %get3A_1649 : vector<1x1x1x16xf32> to vector<16xf32>
      %get3A_1651 = arith.constant 1 : i32
      %get3A_1652 = arith.constant 1 : i32
      %get3A_1653 = arith.index_cast %get3A_1651 : i32 to index
      %get3A_1654 = arith.index_cast %get3A_1652 : i32 to index
      %get3A_1655 = arith.index_cast %scan3A_1502 : i32 to index
      %get3A_1656 = arith.constant 64 : index
      %get3A_1657 = tpu.vector_load %arg13[%get3A_1653, %get3A_1654, %get3A_1655, %get3A_1656] {strides = array<i32>} : memref<2x3x128x128xf32, #tpu.memory_space<vmem>>, vector<1x1x1x16xf32>,
      %get3A_1658 = vector.shape_cast %get3A_1657 : vector<1x1x1x16xf32> to vector<16xf32>
      %add3A_1659 = arith.addf %get3A_1650, %get3A_1658 : vector<16xf32>
      %get3A_1660 = arith.constant 1 : i32
      %get3A_1661 = arith.constant 2 : i32
      %get3A_1662 = arith.index_cast %get3A_1660 : i32 to index
      %get3A_1663 = arith.index_cast %get3A_1661 : i32 to index
      %get3A_1664 = arith.index_cast %scan3A_1502 : i32 to index
      %get3A_1665 = arith.constant 64 : index
      %get3A_1666 = tpu.vector_load %arg13[%get3A_1662, %get3A_1663, %get3A_1664, %get3A_1665] {strides = array<i32>} : memref<2x3x128x128xf32, #tpu.memory_space<vmem>>, vector<1x1x1x16xf32>,
      %get3A_1667 = vector.shape_cast %get3A_1666 : vector<1x1x1x16xf32> to vector<16xf32>
      %add3A_1668 = arith.addf %add3A_1659, %get3A_1667 : vector<16xf32>
      %swap3A_1669 = arith.constant 1 : i32
      %swap3A_1670 = arith.constant 0 : i32
      %swap3A_1671 = arith.index_cast %swap3A_1669 : i32 to index
      %swap3A_1672 = arith.index_cast %swap3A_1670 : i32 to index
      %swap3A_1673 = arith.index_cast %scan3A_1502 : i32 to index
      %swap3A_1674 = arith.constant 64 : index
      %swap3A_1675 = tpu.vector_load %arg13[%swap3A_1671, %swap3A_1672, %swap3A_1673, %swap3A_1674] {strides = array<i32>} : memref<2x3x128x128xf32, #tpu.memory_space<vmem>>, vector<1x1x1x16xf32>,
      %swap3A_1676 = vector.shape_cast %swap3A_1675 : vector<1x1x1x16xf32> to vector<16xf32>
      %swap3A_1677 = vector.shape_cast %add3A_1668 : vector<16xf32> to vector<1x1x1x16xf32>
      tpu.vector_store %arg13[%swap3A_1671, %swap3A_1672, %swap3A_1673, %swap3A_1674], %swap3A_1677 {strides = array<i32>} : memref<2x3x128x128xf32, #tpu.memory_space<vmem>>, vector<1x1x1x16xf32>,
      %get3A_1678 = arith.constant 1 : i32
      %get3A_1679 = arith.constant 0 : i32
      %get3A_1680 = arith.index_cast %get3A_1678 : i32 to index
      %get3A_1681 = arith.index_cast %get3A_1679 : i32 to index
      %get3A_1682 = arith.index_cast %scan3A_1502 : i32 to index
      %get3A_1683 = arith.constant 80 : index
      %get3A_1684 = tpu.vector_load %arg13[%get3A_1680, %get3A_1681, %get3A_1682, %get3A_1683] {strides = array<i32>} : memref<2x3x128x128xf32, #tpu.memory_space<vmem>>, vector<1x1x1x16xf32>,
      %get3A_1685 = vector.shape_cast %get3A_1684 : vector<1x1x1x16xf32> to vector<16xf32>
      %get3A_1686 = arith.constant 1 : i32
      %get3A_1687 = arith.constant 1 : i32
      %get3A_1688 = arith.index_cast %get3A_1686 : i32 to index
      %get3A_1689 = arith.index_cast %get3A_1687 : i32 to index
      %get3A_1690 = arith.index_cast %scan3A_1502 : i32 to index
      %get3A_1691 = arith.constant 80 : index
      %get3A_1692 = tpu.vector_load %arg13[%get3A_1688, %get3A_1689, %get3A_1690, %get3A_1691] {strides = array<i32>} : memref<2x3x128x128xf32, #tpu.memory_space<vmem>>, vector<1x1x1x16xf32>,
      %get3A_1693 = vector.shape_cast %get3A_1692 : vector<1x1x1x16xf32> to vector<16xf32>
      %add3A_1694 = arith.addf %get3A_1685, %get3A_1693 : vector<16xf32>
      %get3A_1695 = arith.constant 1 : i32
      %get3A_1696 = arith.constant 2 : i32
      %get3A_1697 = arith.index_cast %get3A_1695 : i32 to index
      %get3A_1698 = arith.index_cast %get3A_1696 : i32 to index
      %get3A_1699 = arith.index_cast %scan3A_1502 : i32 to index
      %get3A_1700 = arith.constant 80 : index
      %get3A_1701 = tpu.vector_load %arg13[%get3A_1697, %get3A_1698, %get3A_1699, %get3A_1700] {strides = array<i32>} : memref<2x3x128x128xf32, #tpu.memory_space<vmem>>, vector<1x1x1x16xf32>,
      %get3A_1702 = vector.shape_cast %get3A_1701 : vector<1x1x1x16xf32> to vector<16xf32>
      %add3A_1703 = arith.addf %add3A_1694, %get3A_1702 : vector<16xf32>
      %swap3A_1704 = arith.constant 1 : i32
      %swap3A_1705 = arith.constant 0 : i32
      %swap3A_1706 = arith.index_cast %swap3A_1704 : i32 to index
      %swap3A_1707 = arith.index_cast %swap3A_1705 : i32 to index
      %swap3A_1708 = arith.index_cast %scan3A_1502 : i32 to index
      %swap3A_1709 = arith.constant 80 : index
      %swap3A_1710 = tpu.vector_load %arg13[%swap3A_1706, %swap3A_1707, %swap3A_1708, %swap3A_1709] {strides = array<i32>} : memref<2x3x128x128xf32, #tpu.memory_space<vmem>>, vector<1x1x1x16xf32>,
      %swap3A_1711 = vector.shape_cast %swap3A_1710 : vector<1x1x1x16xf32> to vector<16xf32>
      %swap3A_1712 = vector.shape_cast %add3A_1703 : vector<16xf32> to vector<1x1x1x16xf32>
      tpu.vector_store %arg13[%swap3A_1706, %swap3A_1707, %swap3A_1708, %swap3A_1709], %swap3A_1712 {strides = array<i32>} : memref<2x3x128x128xf32, #tpu.memory_space<vmem>>, vector<1x1x1x16xf32>,
      %get3A_1713 = arith.constant 1 : i32
      %get3A_1714 = arith.constant 0 : i32
      %get3A_1715 = arith.index_cast %get3A_1713 : i32 to index
      %get3A_1716 = arith.index_cast %get3A_1714 : i32 to index
      %get3A_1717 = arith.index_cast %scan3A_1502 : i32 to index
      %get3A_1718 = arith.constant 96 : index
      %get3A_1719 = tpu.vector_load %arg13[%get3A_1715, %get3A_1716, %get3A_1717, %get3A_1718] {strides = array<i32>} : memref<2x3x128x128xf32, #tpu.memory_space<vmem>>, vector<1x1x1x16xf32>,
      %get3A_1720 = vector.shape_cast %get3A_1719 : vector<1x1x1x16xf32> to vector<16xf32>
      %get3A_1721 = arith.constant 1 : i32
      %get3A_1722 = arith.constant 1 : i32
      %get3A_1723 = arith.index_cast %get3A_1721 : i32 to index
      %get3A_1724 = arith.index_cast %get3A_1722 : i32 to index
      %get3A_1725 = arith.index_cast %scan3A_1502 : i32 to index
      %get3A_1726 = arith.constant 96 : index
      %get3A_1727 = tpu.vector_load %arg13[%get3A_1723, %get3A_1724, %get3A_1725, %get3A_1726] {strides = array<i32>} : memref<2x3x128x128xf32, #tpu.memory_space<vmem>>, vector<1x1x1x16xf32>,
      %get3A_1728 = vector.shape_cast %get3A_1727 : vector<1x1x1x16xf32> to vector<16xf32>
      %add3A_1729 = arith.addf %get3A_1720, %get3A_1728 : vector<16xf32>
      %get3A_1730 = arith.constant 1 : i32
      %get3A_1731 = arith.constant 2 : i32
      %get3A_1732 = arith.index_cast %get3A_1730 : i32 to index
      %get3A_1733 = arith.index_cast %get3A_1731 : i32 to index
      %get3A_1734 = arith.index_cast %scan3A_1502 : i32 to index
      %get3A_1735 = arith.constant 96 : index
      %get3A_1736 = tpu.vector_load %arg13[%get3A_1732, %get3A_1733, %get3A_1734, %get3A_1735] {strides = array<i32>} : memref<2x3x128x128xf32, #tpu.memory_space<vmem>>, vector<1x1x1x16xf32>,
      %get3A_1737 = vector.shape_cast %get3A_1736 : vector<1x1x1x16xf32> to vector<16xf32>
      %add3A_1738 = arith.addf %add3A_1729, %get3A_1737 : vector<16xf32>
      %swap3A_1739 = arith.constant 1 : i32
      %swap3A_1740 = arith.constant 0 : i32
      %swap3A_1741 = arith.index_cast %swap3A_1739 : i32 to index
      %swap3A_1742 = arith.index_cast %swap3A_1740 : i32 to index
      %swap3A_1743 = arith.index_cast %scan3A_1502 : i32 to index
      %swap3A_1744 = arith.constant 96 : index
      %swap3A_1745 = tpu.vector_load %arg13[%swap3A_1741, %swap3A_1742, %swap3A_1743, %swap3A_1744] {strides = array<i32>} : memref<2x3x128x128xf32, #tpu.memory_space<vmem>>, vector<1x1x1x16xf32>,
      %swap3A_1746 = vector.shape_cast %swap3A_1745 : vector<1x1x1x16xf32> to vector<16xf32>
      %swap3A_1747 = vector.shape_cast %add3A_1738 : vector<16xf32> to vector<1x1x1x16xf32>
      tpu.vector_store %arg13[%swap3A_1741, %swap3A_1742, %swap3A_1743, %swap3A_1744], %swap3A_1747 {strides = array<i32>} : memref<2x3x128x128xf32, #tpu.memory_space<vmem>>, vector<1x1x1x16xf32>,
      %get3A_1748 = arith.constant 1 : i32
      %get3A_1749 = arith.constant 0 : i32
      %get3A_1750 = arith.index_cast %get3A_1748 : i32 to index
      %get3A_1751 = arith.index_cast %get3A_1749 : i32 to index
      %get3A_1752 = arith.index_cast %scan3A_1502 : i32 to index
      %get3A_1753 = arith.constant 112 : index
      %get3A_1754 = tpu.vector_load %arg13[%get3A_1750, %get3A_1751, %get3A_1752, %get3A_1753] {strides = array<i32>} : memref<2x3x128x128xf32, #tpu.memory_space<vmem>>, vector<1x1x1x16xf32>,
      %get3A_1755 = vector.shape_cast %get3A_1754 : vector<1x1x1x16xf32> to vector<16xf32>
      %get3A_1756 = arith.constant 1 : i32
      %get3A_1757 = arith.constant 1 : i32
      %get3A_1758 = arith.index_cast %get3A_1756 : i32 to index
      %get3A_1759 = arith.index_cast %get3A_1757 : i32 to index
      %get3A_1760 = arith.index_cast %scan3A_1502 : i32 to index
      %get3A_1761 = arith.constant 112 : index
      %get3A_1762 = tpu.vector_load %arg13[%get3A_1758, %get3A_1759, %get3A_1760, %get3A_1761] {strides = array<i32>} : memref<2x3x128x128xf32, #tpu.memory_space<vmem>>, vector<1x1x1x16xf32>,
      %get3A_1763 = vector.shape_cast %get3A_1762 : vector<1x1x1x16xf32> to vector<16xf32>
      %add3A_1764 = arith.addf %get3A_1755, %get3A_1763 : vector<16xf32>
      %get3A_1765 = arith.constant 1 : i32
      %get3A_1766 = arith.constant 2 : i32
      %get3A_1767 = arith.index_cast %get3A_1765 : i32 to index
      %get3A_1768 = arith.index_cast %get3A_1766 : i32 to index
      %get3A_1769 = arith.index_cast %scan3A_1502 : i32 to index
      %get3A_1770 = arith.constant 112 : index
      %get3A_1771 = tpu.vector_load %arg13[%get3A_1767, %get3A_1768, %get3A_1769, %get3A_1770] {strides = array<i32>} : memref<2x3x128x128xf32, #tpu.memory_space<vmem>>, vector<1x1x1x16xf32>,
      %get3A_1772 = vector.shape_cast %get3A_1771 : vector<1x1x1x16xf32> to vector<16xf32>
      %add3A_1773 = arith.addf %add3A_1764, %get3A_1772 : vector<16xf32>
      %swap3A_1774 = arith.constant 1 : i32
      %swap3A_1775 = arith.constant 0 : i32
      %swap3A_1776 = arith.index_cast %swap3A_1774 : i32 to index
      %swap3A_1777 = arith.index_cast %swap3A_1775 : i32 to index
      %swap3A_1778 = arith.index_cast %scan3A_1502 : i32 to index
      %swap3A_1779 = arith.constant 112 : index
      %swap3A_1780 = tpu.vector_load %arg13[%swap3A_1776, %swap3A_1777, %swap3A_1778, %swap3A_1779] {strides = array<i32>} : memref<2x3x128x128xf32, #tpu.memory_space<vmem>>, vector<1x1x1x16xf32>,
      %swap3A_1781 = vector.shape_cast %swap3A_1780 : vector<1x1x1x16xf32> to vector<16xf32>
      %swap3A_1782 = vector.shape_cast %add3A_1773 : vector<16xf32> to vector<1x1x1x16xf32>
      tpu.vector_store %arg13[%swap3A_1776, %swap3A_1777, %swap3A_1778, %swap3A_1779], %swap3A_1782 {strides = array<i32>} : memref<2x3x128x128xf32, #tpu.memory_space<vmem>>, vector<1x1x1x16xf32>,
    }
    %scan3A_1457 = arith.constant 128 : i32
    %add3A_1458 = arith.constant 384 : i32
    %add3A_1459 = arith.addi %mul3A_2, %add3A_1458 : i32
    %dma_start3A_1460 = arith.constant 1 : i32
    %dma_start3A_1461 = arith.constant 0 : i32
    %dma_start3A_1462 = arith.constant 0 : i32
    %dma_start3A_1463 = arith.constant 0 : i32
    %dma_start3A_1464 = tpu.memref_slice %arg13[%dma_start3A_1460, %dma_start3A_1461, %dma_start3A_1462, %dma_start3A_1463] : memref<2x3x128x128xf32, #tpu.memory_space<vmem>> -> memref<1x1x128x128xf32, #tpu.memory_space<vmem>>
    %dma_start3A_1465 = tpu.memref_squeeze %dma_start3A_1464 : memref<1x1x128x128xf32, #tpu.memory_space<vmem>> -> memref<128x128xf32, #tpu.memory_space<vmem>>
    %dma_start3A_1466 = arith.constant 0 : i32
    %dma_start3A_1467 = tpu.memref_slice %arg10[%add3A_1459, %dma_start3A_1466] : memref<16384x128xf32, #tpu.memory_space<hbm>> -> memref<128x128xf32, #tpu.memory_space<hbm>>
    %dma_start3A_1468 = arith.constant 0 : i32
    %dma_start3A_1469 = tpu.memref_slice %arg10[%add3A_1459, %dma_start3A_1468] : memref<16384x128xf32, #tpu.memory_space<hbm>> -> memref<128x128xf32, #tpu.memory_space<hbm>>
    %dma_start3A_1470 = arith.constant 0 : i32
    %dma_start3A_1471 = arith.constant 0 : i32
    %dma_start3A_1472 = tpu.memref_slice %arg13[%dma_start3A_1460, %dma_start3A_1461, %dma_start3A_1470, %dma_start3A_1471] : memref<2x3x128x128xf32, #tpu.memory_space<vmem>> -> memref<1x1x128x128xf32, #tpu.memory_space<vmem>>
    %dma_start3A_1473 = tpu.memref_squeeze %dma_start3A_1472 : memref<1x1x128x128xf32, #tpu.memory_space<vmem>> -> memref<128x128xf32, #tpu.memory_space<vmem>>
    tpu.enqueue_dma source(%dma_start3A_1473 : memref<128x128xf32, #tpu.memory_space<vmem>>) target(%dma_start3A_1469 : memref<128x128xf32, #tpu.memory_space<hbm>>) target_semaphore(%arg18 : memref<!tpu.dma_semaphore, #tpu.memory_space<semaphore_mem>>)
    %dma_wait3A_1474 = arith.constant 0 : i32
    %dma_wait3A_1475 = arith.constant 0 : i32
    %dma_wait3A_1476 = arith.constant 0 : i32
    %dma_wait3A_1477 = arith.constant 0 : i32
    %dma_wait3A_1478 = tpu.memref_slice %arg13[%dma_wait3A_1474, %dma_wait3A_1475, %dma_wait3A_1476, %dma_wait3A_1477] : memref<2x3x128x128xf32, #tpu.memory_space<vmem>> -> memref<1x1x128x128xf32, #tpu.memory_space<vmem>>
    %dma_wait3A_1479 = tpu.memref_squeeze %dma_wait3A_1478 : memref<1x1x128x128xf32, #tpu.memory_space<vmem>> -> memref<128x128xf32, #tpu.memory_space<vmem>>
    %dma_wait3A_1480 = arith.constant 0 : i32
    %dma_wait3A_1481 = tpu.memref_slice %arg10[%add3A_1398, %dma_wait3A_1480] : memref<16384x128xf32, #tpu.memory_space<hbm>> -> memref<128x128xf32, #tpu.memory_space<hbm>>
    %dma_wait3A_1482 = arith.constant 0 : i32
    %dma_wait3A_1483 = tpu.memref_slice %arg10[%add3A_1398, %dma_wait3A_1482] : memref<16384x128xf32, #tpu.memory_space<hbm>> -> memref<128x128xf32, #tpu.memory_space<hbm>>
    %dma_wait3A_1484 = arith.constant 0 : i32
    %dma_wait3A_1485 = arith.constant 0 : i32
    %dma_wait3A_1486 = tpu.memref_slice %arg13[%dma_wait3A_1474, %dma_wait3A_1475, %dma_wait3A_1484, %dma_wait3A_1485] : memref<2x3x128x128xf32, #tpu.memory_space<vmem>> -> memref<1x1x128x128xf32, #tpu.memory_space<vmem>>
    %dma_wait3A_1487 = tpu.memref_squeeze %dma_wait3A_1486 : memref<1x1x128x128xf32, #tpu.memory_space<vmem>> -> memref<128x128xf32, #tpu.memory_space<vmem>>
    tpu.wait_dma2 semaphore(%arg18 : memref<!tpu.dma_semaphore, #tpu.memory_space<semaphore_mem>>) src(%dma_wait3A_1487 : memref<128x128xf32, #tpu.memory_space<vmem>>) dst(%dma_wait3A_1483 : memref<128x128xf32, #tpu.memory_space<hbm>>)
    %dma_wait3A_1488 = arith.constant 1 : i32
    %dma_wait3A_1489 = arith.constant 0 : i32
    %dma_wait3A_1490 = arith.constant 0 : i32
    %dma_wait3A_1491 = arith.constant 0 : i32
    %dma_wait3A_1492 = tpu.memref_slice %arg13[%dma_wait3A_1488, %dma_wait3A_1489, %dma_wait3A_1490, %dma_wait3A_1491] : memref<2x3x128x128xf32, #tpu.memory_space<vmem>> -> memref<1x1x128x128xf32, #tpu.memory_space<vmem>>
    %dma_wait3A_1493 = tpu.memref_squeeze %dma_wait3A_1492 : memref<1x1x128x128xf32, #tpu.memory_space<vmem>> -> memref<128x128xf32, #tpu.memory_space<vmem>>
    %dma_wait3A_1494 = arith.constant 0 : i32
    %dma_wait3A_1495 = tpu.memref_slice %arg10[%add3A_1459, %dma_wait3A_1494] : memref<16384x128xf32, #tpu.memory_space<hbm>> -> memref<128x128xf32, #tpu.memory_space<hbm>>
    %dma_wait3A_1496 = arith.constant 0 : i32
    %dma_wait3A_1497 = tpu.memref_slice %arg10[%add3A_1459, %dma_wait3A_1496] : memref<16384x128xf32, #tpu.memory_space<hbm>> -> memref<128x128xf32, #tpu.memory_space<hbm>>
    %dma_wait3A_1498 = arith.constant 0 : i32
    %dma_wait3A_1499 = arith.constant 0 : i32
    %dma_wait3A_1500 = tpu.memref_slice %arg13[%dma_wait3A_1488, %dma_wait3A_1489, %dma_wait3A_1498, %dma_wait3A_1499] : memref<2x3x128x128xf32, #tpu.memory_space<vmem>> -> memref<1x1x128x128xf32, #tpu.memory_space<vmem>>
    %dma_wait3A_1501 = tpu.memref_squeeze %dma_wait3A_1500 : memref<1x1x128x128xf32, #tpu.memory_space<vmem>> -> memref<128x128xf32, #tpu.memory_space<vmem>>
    tpu.wait_dma2 semaphore(%arg18 : memref<!tpu.dma_semaphore, #tpu.memory_space<semaphore_mem>>) src(%dma_wait3A_1501 : memref<128x128xf32, #tpu.memory_space<vmem>>) dst(%dma_wait3A_1497 : memref<128x128xf32, #tpu.memory_space<hbm>>)
    return
  }
}

module attributes {stable_mosaic.version = 14 : i64} {
  func.func @_ln_body(%arg0: i32, %arg1: memref<16384x128xf32, #tpu.memory_space<vmem>>, %arg2: memref<16384x128xf32, #tpu.memory_space<vmem>>, %arg3: memref<128xf32, #tpu.memory_space<vmem>>, %arg4: memref<128xf32, #tpu.memory_space<vmem>>, %arg5: memref<16384x128xf32, #tpu.memory_space<vmem>>) attributes {dimension_semantics = [#tpu.dimension_semantics<arbitrary>], iteration_bounds = array<i64: 1>, scalar_prefetch = 0 : i64, scratch_operands = 0 : i64, tpu.core_type = #tpu.core_type<tc>, window_params = [{transform_indices = @transform_0, window_bounds = array<i64: 16384, 128>}, {transform_indices = @transform_1, window_bounds = array<i64: 16384, 128>}, {pipeline_mode = #tpu.pipeline_mode<synchronous>, transform_indices = @transform_2, window_bounds = array<i64: 128>}, {pipeline_mode = #tpu.pipeline_mode<synchronous>, transform_indices = @transform_3, window_bounds = array<i64: 128>}, {transform_indices = @transform_4, window_bounds = array<i64: 16384, 128>}]} {
    %get3A = arith.constant 0 : index
    %get3A_0 = arith.constant 0 : index
    %get3A_1 = vector.load %arg1[%get3A, %get3A_0] : memref<16384x128xf32, #tpu.memory_space<vmem>>, vector<16384x128xf32>
    %get3A_2 = arith.constant 0 : index
    %get3A_3 = arith.constant 0 : index
    %get3A_4 = vector.load %arg2[%get3A_2, %get3A_3] : memref<16384x128xf32, #tpu.memory_space<vmem>>, vector<16384x128xf32>
    %add3A = arith.addf %get3A_1, %get3A_4 : vector<16384x128xf32>
    %reduce_sum3A = arith.constant dense<0.000000e+00> : vector<16384xf32>
    %reduce_sum3A_5 = vector.multi_reduction <add>, %add3A, %reduce_sum3A [1] : vector<16384x128xf32> to vector<16384xf32>
    %broadcast_in_dim3A = vector.shape_cast %reduce_sum3A_5 : vector<16384xf32> to vector<16384x1xf32>
    %div3A = arith.constant 1.280000e+02 : f32
    %div3A_6 = vector.broadcast %div3A : f32 to vector<16384x1xf32>
    %div3A_7 = arith.divf %broadcast_in_dim3A, %div3A_6 : vector<16384x1xf32>
    %sub3A = vector.broadcast %div3A_7 : vector<16384x1xf32> to vector<16384x128xf32>
    %sub3A_8 = arith.subf %add3A, %sub3A : vector<16384x128xf32>
    %mul3A = arith.mulf %sub3A_8, %sub3A_8 : vector<16384x128xf32>
    %reduce_sum3A_9 = arith.constant dense<0.000000e+00> : vector<16384xf32>
    %reduce_sum3A_10 = vector.multi_reduction <add>, %mul3A, %reduce_sum3A_9 [1] : vector<16384x128xf32> to vector<16384xf32>
    %broadcast_in_dim3A_11 = vector.shape_cast %reduce_sum3A_10 : vector<16384xf32> to vector<16384x1xf32>
    %div3A_12 = arith.constant 1.280000e+02 : f32
    %div3A_13 = vector.broadcast %div3A_12 : f32 to vector<16384x1xf32>
    %div3A_14 = arith.divf %broadcast_in_dim3A_11, %div3A_13 : vector<16384x1xf32>
    %add3A_15 = arith.constant 9.99999974E-6 : f32
    %add3A_16 = vector.broadcast %add3A_15 : f32 to vector<16384x1xf32>
    %add3A_17 = arith.addf %div3A_14, %add3A_16 : vector<16384x1xf32>
    %rsqrt3A = math.rsqrt %add3A_17 : vector<16384x1xf32>
    %mul3A_18 = vector.broadcast %rsqrt3A : vector<16384x1xf32> to vector<16384x128xf32>
    %mul3A_19 = arith.mulf %sub3A_8, %mul3A_18 : vector<16384x128xf32>
    %get3A_20 = arith.constant 0 : index
    %get3A_21 = vector.load %arg3[%get3A_20] : memref<128xf32, #tpu.memory_space<vmem>>, vector<128xf32>
    %broadcast_in_dim3A_22 = vector.shape_cast %get3A_21 : vector<128xf32> to vector<1x128xf32>
    %mul3A_23 = vector.broadcast %broadcast_in_dim3A_22 : vector<1x128xf32> to vector<16384x128xf32>
    %mul3A_24 = arith.mulf %mul3A_19, %mul3A_23 : vector<16384x128xf32>
    %get3A_25 = arith.constant 0 : index
    %get3A_26 = vector.load %arg4[%get3A_25] : memref<128xf32, #tpu.memory_space<vmem>>, vector<128xf32>
    %broadcast_in_dim3A_27 = vector.shape_cast %get3A_26 : vector<128xf32> to vector<1x128xf32>
    %add3A_28 = vector.broadcast %broadcast_in_dim3A_27 : vector<1x128xf32> to vector<16384x128xf32>
    %add3A_29 = arith.addf %mul3A_24, %add3A_28 : vector<16384x128xf32>
    %swap3A = arith.constant 0 : index
    %swap3A_30 = arith.constant 0 : index
    %swap3A_31 = vector.load %arg5[%swap3A, %swap3A_30] : memref<16384x128xf32, #tpu.memory_space<vmem>>, vector<16384x128xf32>
    tpu.vector_store %arg5[%swap3A, %swap3A_30], %add3A_29 {strides = array<i32>} : memref<16384x128xf32, #tpu.memory_space<vmem>>, vector<16384x128xf32>,
    return
  }
  func.func @transform_0(%arg0: i32) -> (i32, i32) {
    %c0_i32 = arith.constant 0 : i32
    %c0_i32_0 = arith.constant 0 : i32
    return %arg0, %c0_i32 : i32, i32
  }
  func.func @transform_1(%arg0: i32) -> (i32, i32) {
    %c0_i32 = arith.constant 0 : i32
    %c0_i32_0 = arith.constant 0 : i32
    return %arg0, %c0_i32 : i32, i32
  }
  func.func @transform_2(%arg0: i32) -> i32 {
    %c0_i32 = arith.constant 0 : i32
    %c0_i32_0 = arith.constant 0 : i32
    return %c0_i32 : i32
  }
  func.func @transform_3(%arg0: i32) -> i32 {
    %c0_i32 = arith.constant 0 : i32
    %c0_i32_0 = arith.constant 0 : i32
    return %c0_i32 : i32
  }
  func.func @transform_4(%arg0: i32) -> (i32, i32) {
    %c0_i32 = arith.constant 0 : i32
    %c0_i32_0 = arith.constant 0 : i32
    return %arg0, %c0_i32 : i32, i32
  }
}

module attributes {stable_mosaic.version = 14 : i64} {
  func.func @_mlp_body(%arg0: i32, %arg1: memref<4096x1xf32, #tpu.memory_space<vmem>>, %arg2: memref<1x128xf32, #tpu.memory_space<vmem>>, %arg3: memref<128xf32, #tpu.memory_space<vmem>>, %arg4: memref<128x128xf32, #tpu.memory_space<vmem>>, %arg5: memref<128xf32, #tpu.memory_space<vmem>>, %arg6: memref<4096x128xf32, #tpu.memory_space<vmem>>) attributes {dimension_semantics = [#tpu.dimension_semantics<arbitrary>], iteration_bounds = array<i64: 4>, scalar_prefetch = 0 : i64, scratch_operands = 0 : i64, tpu.core_type = #tpu.core_type<tc>, window_params = [{transform_indices = @transform_0, window_bounds = array<i64: 4096, 1>}, {pipeline_mode = #tpu.pipeline_mode<synchronous>, transform_indices = @transform_1, window_bounds = array<i64: 1, 128>}, {pipeline_mode = #tpu.pipeline_mode<synchronous>, transform_indices = @transform_2, window_bounds = array<i64: 128>}, {pipeline_mode = #tpu.pipeline_mode<synchronous>, transform_indices = @transform_3, window_bounds = array<i64: 128, 128>}, {pipeline_mode = #tpu.pipeline_mode<synchronous>, transform_indices = @transform_4, window_bounds = array<i64: 128>}, {transform_indices = @transform_5, window_bounds = array<i64: 4096, 128>}]} {
    %get3A = arith.constant 0 : index
    %get3A_0 = arith.constant 0 : index
    %get3A_1 = vector.load %arg1[%get3A, %get3A_0] : memref<4096x1xf32, #tpu.memory_space<vmem>>, vector<4096x1xf32>
    %sign3A = tpu.bitcast %get3A_1 : vector<4096x1xf32> -> vector<4096x1xi32>
    %sign3A_2 = arith.constant -2147483648 : i32
    %sign3A_3 = vector.broadcast %sign3A_2 : i32 to vector<4096x1xi32>
    %sign3A_4 = arith.andi %sign3A, %sign3A_3 : vector<4096x1xi32>
    %sign3A_5 = arith.constant 1065353216 : i32
    %sign3A_6 = vector.broadcast %sign3A_5 : i32 to vector<4096x1xi32>
    %sign3A_7 = arith.ori %sign3A_6, %sign3A_4 : vector<4096x1xi32>
    %sign3A_8 = tpu.bitcast %sign3A_7 : vector<4096x1xi32> -> vector<4096x1xf32>
    %sign3A_9 = math.absf %get3A_1 : vector<4096x1xf32>
    %sign3A_10 = arith.constant 0.000000e+00 : f32
    %sign3A_11 = vector.broadcast %sign3A_10 : f32 to vector<4096x1xf32>
    %sign3A_12 = arith.cmpf ogt, %sign3A_9, %sign3A_11 : vector<4096x1xf32>
    %sign3A_13 = arith.select %sign3A_12, %sign3A_8, %get3A_1 : vector<4096x1xi1>, vector<4096x1xf32>
    %abs3A = math.absf %get3A_1 : vector<4096x1xf32>
    %log1p3A = math.log1p %abs3A : vector<4096x1xf32>
    %mul3A = arith.mulf %sign3A_13, %log1p3A : vector<4096x1xf32>
    %get3A_14 = arith.constant 0 : index
    %get3A_15 = arith.constant 0 : index
    %get3A_16 = vector.load %arg2[%get3A_14, %get3A_15] : memref<1x128xf32, #tpu.memory_space<vmem>>, vector<1x128xf32>
    %mul3A_17 = vector.broadcast %mul3A : vector<4096x1xf32> to vector<4096x128xf32>
    %mul3A_18 = vector.broadcast %get3A_16 : vector<1x128xf32> to vector<4096x128xf32>
    %mul3A_19 = arith.mulf %mul3A_17, %mul3A_18 : vector<4096x128xf32>
    %get3A_20 = arith.constant 0 : index
    %get3A_21 = vector.load %arg3[%get3A_20] : memref<128xf32, #tpu.memory_space<vmem>>, vector<128xf32>
    %broadcast_in_dim3A = vector.shape_cast %get3A_21 : vector<128xf32> to vector<1x128xf32>
    %add3A = vector.broadcast %broadcast_in_dim3A : vector<1x128xf32> to vector<4096x128xf32>
    %add3A_22 = arith.addf %mul3A_19, %add3A : vector<4096x128xf32>
    %mul3A_23 = arith.constant 5.000000e-01 : f32
    %mul3A_24 = vector.broadcast %mul3A_23 : f32 to vector<4096x128xf32>
    %mul3A_25 = arith.mulf %mul3A_24, %add3A_22 : vector<4096x128xf32>
    %mul3A_26 = arith.constant 0.707106769 : f32
    %mul3A_27 = vector.broadcast %mul3A_26 : f32 to vector<4096x128xf32>
    %mul3A_28 = arith.mulf %add3A_22, %mul3A_27 : vector<4096x128xf32>
    %erf3A = math.erf %mul3A_28 : vector<4096x128xf32>
    %add3A_29 = arith.constant 1.000000e+00 : f32
    %add3A_30 = vector.broadcast %add3A_29 : f32 to vector<4096x128xf32>
    %add3A_31 = arith.addf %add3A_30, %erf3A : vector<4096x128xf32>
    %mul3A_32 = arith.mulf %mul3A_25, %add3A_31 : vector<4096x128xf32>
    %get3A_33 = arith.constant 0 : index
    %get3A_34 = arith.constant 0 : index
    %get3A_35 = vector.load %arg4[%get3A_33, %get3A_34] : memref<128x128xf32, #tpu.memory_space<vmem>>, vector<128x128xf32>
    %dot_general3A = arith.constant dense<0.000000e+00> : vector<4096x128xf32>
    %dot_general3A_36 = tpu.matmul %mul3A_32, %get3A_35, %dot_general3A {dimension_numbers = #tpu.dot_dimension_numbers<[1], [0], [0], [1], [0, 0, 1, 1], [], []>, transpose_lhs_hint = false} : vector<4096x128xf32>, vector<128x128xf32>, vector<4096x128xf32> -> vector<4096x128xf32>
    %get3A_37 = arith.constant 0 : index
    %get3A_38 = vector.load %arg5[%get3A_37] : memref<128xf32, #tpu.memory_space<vmem>>, vector<128xf32>
    %broadcast_in_dim3A_39 = vector.shape_cast %get3A_38 : vector<128xf32> to vector<1x128xf32>
    %add3A_40 = vector.broadcast %broadcast_in_dim3A_39 : vector<1x128xf32> to vector<4096x128xf32>
    %add3A_41 = arith.addf %dot_general3A_36, %add3A_40 : vector<4096x128xf32>
    %swap3A = arith.constant 0 : index
    %swap3A_42 = arith.constant 0 : index
    %swap3A_43 = vector.load %arg6[%swap3A, %swap3A_42] : memref<4096x128xf32, #tpu.memory_space<vmem>>, vector<4096x128xf32>
    tpu.vector_store %arg6[%swap3A, %swap3A_42], %add3A_41 {strides = array<i32>} : memref<4096x128xf32, #tpu.memory_space<vmem>>, vector<4096x128xf32>,
    return
  }
  func.func @transform_0(%arg0: i32) -> (i32, i32) {
    %c0_i32 = arith.constant 0 : i32
    %c0_i32_0 = arith.constant 0 : i32
    return %arg0, %c0_i32 : i32, i32
  }
  func.func @transform_1(%arg0: i32) -> (i32, i32) {
    %c0_i32 = arith.constant 0 : i32
    %c0_i32_0 = arith.constant 0 : i32
    %c0_i32_1 = arith.constant 0 : i32
    return %c0_i32, %c0_i32_0 : i32, i32
  }
  func.func @transform_2(%arg0: i32) -> i32 {
    %c0_i32 = arith.constant 0 : i32
    %c0_i32_0 = arith.constant 0 : i32
    return %c0_i32 : i32
  }
  func.func @transform_3(%arg0: i32) -> (i32, i32) {
    %c0_i32 = arith.constant 0 : i32
    %c0_i32_0 = arith.constant 0 : i32
    %c0_i32_1 = arith.constant 0 : i32
    return %c0_i32, %c0_i32_0 : i32, i32
  }
  func.func @transform_4(%arg0: i32) -> i32 {
    %c0_i32 = arith.constant 0 : i32
    %c0_i32_0 = arith.constant 0 : i32
    return %c0_i32 : i32
  }
  func.func @transform_5(%arg0: i32) -> (i32, i32) {
    %c0_i32 = arith.constant 0 : i32
    %c0_i32_0 = arith.constant 0 : i32
    return %arg0, %c0_i32 : i32, i32
  }
}

</mosaic_0001>

<sc_bundles>
// kernel: kernel.5.cloned.1.call-start
scs
__scs_entry_jumppad:
0x0: {  	(pc) =	sbr.rel $0x88, $3  }
0x1: {  	(tag) =	ssettag $0x0;
	lr =	simm.s32 $0x1  }
0x2: {  	[smem:$0x3F90] =	sst lr;
	_ =	strace $0xD0000000  }
0x3: {  	_ = 	snop  }
0x4: {  	_ = 	snop  }
0x5: {  	_ = 	snop  }
0x6: {  	_ = 	snop  }
0x7: {  	_ = 	snop  }
__scs_overlays_trampoline_lowered:
0x8: {  	[smem:$0x3F9F] =	sst s0  }
0x9: {  	[smem:$0x3FA0] =	sst s1  }
0xa: {  	[smem:$0x3FA1] =	sst s2  }
0xb: {  	[smem:$0x3FA2] =	sst s3  }
0xc: {  	[smem:$0x3FA3] =	sst s4  }
0xd: {  	[smem:$0x3FA4] =	sst s5  }
0xe: {  	[smem:$0x3FA5] =	sst s6  }
0xf: {  	[smem:$0x3FA6] =	sst s7  }
0x10: {  	[smem:$0x3FA7] =	sst s8  }
0x11: {  	[smem:$0x3FA8] =	sst s9;
	s0 =	simm.s32 @!p0 $0x0  }
0x12: {  	s1 =	sld [smem:$0x3F8E];
	s0 =	simm.s32 @p0 $0x1  }
0x13: {  	[smem:$0x3FA9] =	sst s0;
	s0 =	simm.s32 @!p1 $0x0  }
0x14: {  	s2 =	sld [smem:$0x3F8D];
	s0 =	simm.s32 @p1 $0x1  }
0x15: {  	[smem:$0x3FAA] =	sst s0;
	s0 =	simm.s32 @!p2 $0x0  }
0x16: {  	s3 =	sld [smem:$0x3FDB];
	s0 =	simm.s32 @p2 $0x1  }
0x17: {  	s4 =	simm.s32 $0x1BF5;
	[smem:$0x3FAC] =	sst s0  }
0x18: {  	s0 =	sld [smem:$0x3F8F];
	_ =	swait.ge [sflag:s4], $0x0  }
0x19: {  	s7 =	sld [smem:$0x3F90]  }
0x1a: {  	s8 =	sadd.s32 $0xFFFFE003, lr  }
0x1b: {  	s9 =	sadd.s32 $0xFFFFFEF7, lr;
	s5 =	simm.s32 $0xFFFFFFFF;
	p2 =	slt.u32 s8, $0xFFFFF086  }
0x1c: {  	p1 =	slt.u32 s9, $0xF7A;
	s5 =	simm.s32 @!p2 $0x0  }
0x1d: {  	s5 =	simm.s32 @p1 $0x1;
	p0 =	seq.s32 s7, s2  }
0x1e: {  	s7 =	smul.u32 @!p0 $0xF7A, s2;
	p2 =	seq.s32 @!p0 s5, $0x0  }
0x1f: {  	s9 =	smul.u32 $0xF7A, s1;
	s8 =	simm.s32 @!p0 $0x1BF5;
	p2 =	por !p2, p0  }
0x20: {  	[sflag:s8] =	ssyncset.s32 @!p0 $0xFFFFF086;
	s6 =	sadd.s32 @!p0 s3, s7;
	s7 =	simm.s32 @!p0 $0x108  }
0x21: {  	s3 =	sadd.s32 s3, s9;
	s6 =	sadd.s32 @!p0 $0x88, s6;
	s7 =	simm.s32 @p2 $0x1082  }
0x22: {  	[simem:s7], [sflag:s8] =	dma.local @!p0 [hbm:s6], $0xF7A  }
0x23: {  	s9 =	sor.u32 $0xD0000000, s2;
	s6 =	simm.s32 $0x108;
	_ =	swait.ge @!p0 [sflag:s8], $0x0  }
0x24: {  	s3 =	sadd.s32 $0x88, s3;
	s6 =	simm.s32 @!p1 $0x1082;
	[sflag:s4] =	ssyncset.s32 $0xFFFFF086  }
0x25: {  	[simem:s6], [sflag:s4] =	dma.local [hbm:s3], $0xF7A  }
0x26: {  	[smem:$0x3F90] =	sst s1;
	(tag) =	ssettag s2;
	_ =	strace s9  }
0x27: {  	s1 =	sld [smem:$0x3FA0]  }
0x28: {  	s2 =	sld [smem:$0x3FA1]  }
0x29: {  	s4 =	sld [smem:$0x3FA3]  }
0x2a: {  	p0 =	seq.s32 s5, $0x0;
	s5 =	sld [smem:$0x3FA4]  }
0x2b: {  	s6 =	sld [smem:$0x3FA5]  }
0x2c: {  	s7 =	sld [smem:$0x3FA6]  }
0x2d: {  	s3 =	simm.s32 $0x108;
	s8 =	sld [smem:$0x3FA7]  }
0x2e: {  	s3 =	simm.s32 @!p0 $0x1082;
	s9 =	sld [smem:$0x3FA8]  }
0x2f: {  	lr =	sadd.s32 s0, s3;
	s0 =	sld [smem:$0x3F9F]  }
0x30: {  	s3 =	sld [smem:$0x3FA2]  }
0x31: {  	[smem:$0x3FAB] =	sst s10  }
0x32: {  	s10 =	sld [smem:$0x3FA9];
	_ =	sdelay $0x3  }
0x33: {  	p0 =	seq.s32 s10, $0x1;
	s10 =	sld [smem:$0x3FAB];
	_ =	sdelay $0x3  }
0x34: {  	[smem:$0x3FAB] =	sst s10  }
0x35: {  	s10 =	sld [smem:$0x3FAA];
	_ =	sdelay $0x3  }
0x36: {  	p1 =	seq.s32 s10, $0x1;
	s10 =	sld [smem:$0x3FAB];
	_ =	sdelay $0x3  }
0x37: {  	[smem:$0x3FAB] =	sst s10  }
0x38: {  	s10 =	sld [smem:$0x3FAC]  }
0x39: {  	_ = 	snop;
	(pc) =	sbr.ind lr, $3  }
0x3a: {  	_ = 	snop  }
0x3b: {  	_ = 	snop  }
0x3c: {  	p2 =	seq.s32 s10, $0x1;
	s10 =	sld [smem:$0x3FAB]  }
0x3d: {  	_ =	shalt  }
0x3e: {  	_ =	shalt  }
0x3f: {  	_ =	shalt  }
0x40: {  	_ =	shalt  }
0x41: {  	_ =	shalt  }
0x42: {  	_ =	shalt  }
0x43: {  	_ =	shalt  }
0x44: {  	_ =	shalt  }
0x45: {  	_ =	shalt  }
0x46: {  	_ =	shalt  }
0x47: {  	_ =	shalt  }
0x48: {  	_ =	shalt  }
0x49: {  	_ =	shalt  }
0x4a: {  	_ =	shalt  }
0x4b: {  	_ =	shalt  }
0x4c: {  	_ =	shalt  }
0x4d: {  	_ =	shalt  }
0x4e: {  	_ =	shalt  }
0x4f: {  	_ =	shalt  }
0x50: {  	_ =	shalt  }
0x51: {  	_ =	shalt  }
0x52: {  	_ =	shalt  }
0x53: {  	_ =	shalt  }
0x54: {  	_ =	shalt  }
0x55: {  	_ =	shalt  }
0x56: {  	_ =	shalt  }
0x57: {  	_ =	shalt  }
0x58: {  	_ =	shalt  }
0x59: {  	_ =	shalt  }
0x5a: {  	_ =	shalt  }
0x5b: {  	_ =	shalt  }
0x5c: {  	_ =	shalt  }
0x5d: {  	_ =	shalt  }
0x5e: {  	_ =	shalt  }
0x5f: {  	_ =	shalt  }
0x60: {  	_ =	shalt  }
0x61: {  	_ =	shalt  }
0x62: {  	_ =	shalt  }
0x63: {  	_ =	shalt  }
0x64: {  	_ =	shalt  }
0x65: {  	_ =	shalt  }
0x66: {  	_ =	shalt  }
0x67: {  	_ =	shalt  }
0x68: {  	_ =	shalt  }
0x69: {  	_ =	shalt  }
0x6a: {  	_ =	shalt  }
0x6b: {  	_ =	shalt  }
0x6c: {  	_ =	shalt  }
0x6d: {  	_ =	shalt  }
0x6e: {  	_ =	shalt  }
0x6f: {  	_ =	shalt  }
0x70: {  	_ =	shalt  }
0x71: {  	_ =	shalt  }
0x72: {  	_ =	shalt  }
0x73: {  	_ =	shalt  }
0x74: {  	_ =	shalt  }
0x75: {  	_ =	shalt  }
0x76: {  	_ =	shalt  }
0x77: {  	_ =	shalt  }
0x78: {  	_ =	shalt  }
0x79: {  	_ =	shalt  }
0x7a: {  	_ =	shalt  }
0x7b: {  	_ =	shalt  }
0x7c: {  	_ =	shalt  }
0x7d: {  	_ =	shalt  }
0x7e: {  	_ =	shalt  }
0x7f: {  	_ =	shalt  }
0x80: {  	_ =	shalt  }
0x81: {  	_ =	shalt  }
0x82: {  	_ =	shalt  }
0x83: {  	_ =	shalt  }
0x84: {  	_ =	shalt  }
0x85: {  	_ =	shalt  }
0x86: {  	_ =	shalt  }
0x87: {  	_ =	shalt  }
.Lfunc_end0:
.L_simem_size_0:
called_computation_lowered:
.L_overlay_start_0:
0x88: {  	s2 =	sld [smem:$0x3FD9]  }
0x89: {  	s3 =	sld [smem:$0x3FFE];
	_ =	sdelay $0x1  }
0x8a: {  	s1 =	srdreg.scid  }
0x8b: {  	s0 =	sand.u32 $0x1, s1  }
0x8c: {  	s17 =	sshll.u32 s0, $0xA;
	s2 =	sadd.s32 s3, s2  }
0x8d: {  	s2 =	sadd.s32 s2, s17  }
0x8e: {  	[smem:$0x3FB7] =	sst s2  }
0x8f: {  	_ = 	snop  }
0x90: {  	s2 =	sld [smem:$0x3FC8]  }
0x91: {  	s18 =	sld [smem:$0x3FC7]  }
0x92: {  	s4 =	sld [smem:$0x3FC6]  }
0x93: {  	s5 =	sld [smem:$0x3FC5]  }
0x94: {  	s6 =	sld [smem:$0x3FC4]  }
0x95: {  	s7 =	sld [smem:$0x3FC0]  }
0x96: {  	s8 =	sld [smem:$0x3FBF]  }
0x97: {  	s9 =	sld [smem:$0x3FD0];
	(tm) =	ssettm $0x1  }
0x98: {  	s10 =	sld [smem:$0x3FFB];
	_ =	sdelay $0x3  }
0x99: {  	_ =	strace s10  }
0x9a: {  	s10 =	sld [smem:$0x3FFC];
	_ =	sdelay $0x3  }
0x9b: {  	_ =	strace s10  }
0x9c: {  	s10 =	sld [smem:$0x3FFD];
	_ =	sdelay $0x3  }
0x9d: {  	_ =	strace s10  }
0x9e: {  	_ =	strace $0x8FFFFFFF  }
0x9f: {  	s19 =	sld [smem:$0x3FDB];
	_ =	sdelay $0x1  }
0xa0: {  	s11 =	simm.s32 $_scs_section_size  }
0xa1: {  	s12 =	simm.s32 $_size__tile_overlayer_lowered;
	s13 =	simm.s32 $_tile_overlayer_lowered  }
0xa2: {  	s22 =	simm.s32 $0x1BFF;
	s21 =	sshll.u32 s13, $0x1;
	s10 =	sadd.s32 s11, s19  }
0xa3: {  	s14 =	simm.s32 $0x0;
	s20 =	sshll.u32 s12, $0x1;
	s12 =	sadd.s32 s21, s10  }
0xa4: {  	[timem:s14], [sflag:s22] =	dma.local [hbm:s12], s20  }
0xa5: {  	_ =	swait.ge [sflag:s22], s20  }
0xa6: {  	s11 =	ssub.s32 $0x0, s20;
	[sflag:s22] =	ssyncset.done $0x0  }
0xa7: {  	[sflag:s22] =	ssyncadd.s32 s11;
	_ =	sdelay $0x1  }
0xa8: {  	s23 =	simm.s32 $0x1B8B  }
0xa9: {  	_ =	swait.ge [sflag:s23], $0x1  }
0xaa: {  	[sflag:s23] =	ssyncset.done $0x0  }
0xab: {  	s25 =	simm.s32 $0x1B8E;
	s24 =	sld [smem:$0x3FFE];
	[sflag:s23] =	ssyncadd.s32 $0xFFFFFFFF  }
0xac: {  	s26 =	simm.s32 $execute0_lowered;
	[smem:$0x3FD2] =	sst s25  }
0xad: {  	s12 =	sshll.u32 s26, $0x1;
	_ =	strace $0x80000046;
	[dreg:$0x1] =	wrdreg $0xFFFFFFFF  }
0xae: {  	s28 =	simm.s32 $_size_execute0_lowered;
	s10 =	sadd.s32 s10, s12;
	[dreg:$0x0] =	wrdreg $0x0  }
0xaf: {  	s12 =	sshll.u32 s28, $0x1;
	[dreg:$0x2] =	wrdreg s10  }
0xb0: {  	[dreg:$0x3] =	wrdreg s12  }
0xb1: {  	[dreg:$0x4] =	wrdreg $0xC0  }
0xb2: {  	_ =	task [dreg:s14], $0x5FFFF  }
0xb3: {  	[dreg:$0x1] =	wrdreg $0xFFFFFFFF  }
0xb4: {  	[dreg:$0x0] =	wrdreg $0x60  }
0xb5: {  	[dreg:$0x2] =	wrdreg s24  }
0xb6: {  	[dreg:$0x3] =	wrdreg s7  }
0xb7: {  	[dreg:$0x4] =	wrdreg s8  }
0xb8: {  	[dreg:$0x5] =	wrdreg s2  }
0xb9: {  	[dreg:$0x6] =	wrdreg s18  }
0xba: {  	[dreg:$0x7] =	wrdreg s4  }
0xbb: {  	[dreg:$0x8] =	wrdreg s5  }
0xbc: {  	[dreg:$0x9] =	wrdreg s6  }
0xbd: {  	[dreg:$0xa] =	wrdreg s9  }
0xbe: {  	[dreg:$0xb] =	wrdreg $0x18B000  }
0xbf: {  	[dreg:$0xc] =	wrdreg $0x1AB000  }
0xc0: {  	[dreg:$0xd] =	wrdreg $0x1AD000  }
0xc1: {  	[dreg:$0xe] =	wrdreg $0x9  }
0xc2: {  	_ =	task.clear_ibuf [dreg:s14], $0xFFFFF;
	_ =	strace $0x90000046  }
0xc3: {  	s29 =	simm.s32 $0x9;
	_ =	strace $0x80000048  }
0xc4: {  	_ =	swait.ge [sflag:s29], $0x1  }
0xc5: {  	[sflag:s29] =	ssyncadd.s32 $0xFFFFFFFF  }
0xc6: {  	_ =	strace $0x90000048  }
0xc7: {  	_ =	sfence  }
0xc8: {  	s30 =	sld [smem:$0x0];
	_ =	sdelay $0x2  }
0xc9: {  	s31 =	sshll.u32 s1, $0xD;
	s1 =	sshrl.u32 s1, $0x2  }
0xca: {  	s3 =	sand.u32 $0x4000, s31;
	s1 =	sadd.s32 s1, s30  }
0xcb: {  	s0 =	sor.u32 s3, s0;
	s1 =	sshll.u32 s1, $0x11  }
0xcc: {  	s0 =	sor.u32 s1, s0  }
0xcd: {  	s0 =	sadd.s32 $0x8F2B, s0  }
0xce: {  	[sflag:s0] =	ssyncadd.remote.s32 $0x1  }
0xcf: {  	_ =	sfence.sel $0xFFFF  }
0xd0: {  	[dreg:$0x0] =	wrdreg $0xFFFFFFFF;
	(pc) =	sbr.abs _section_cstart, $3  }
0xd1: {  	[dreg:$0x1] =	wrdreg $0xFFFFFFFF  }
0xd2: {  	_ =	task.clear_ibuf [dreg:s14], $0x2FFFF;
	_ =	strace $0x9FFFFFFF  }
0xd3: {  	(tm) =	ssettm $0x7FFFFFFF  }
tec
execute0_lowered:
.L_overlay_start_1:
0x0: {  	(tag) =	ssettag $0x1  }
0x1: {  	s0 =	rddreg [dreg:$0x0]  }
0x2: {  	s3 =	rddreg [dreg:$0x1]  }
0x3: {  	s6 =	rddreg [dreg:$0x2]  }
0x4: {  	s7 =	rddreg [dreg:$0x3]  }
0x5: {  	s8 =	rddreg [dreg:$0x4]  }
0x6: {  	s9 =	rddreg [dreg:$0x5]  }
0x7: {  	s10 =	rddreg [dreg:$0x6]  }
0x8: {  	s11 =	rddreg [dreg:$0x7]  }
0x9: {  	s14 =	rddreg [dreg:$0x8]  }
0xa: {  	s1 =	rddreg [dreg:$0x9]  }
0xb: {  	s2 =	rddreg [dreg:$0xa]  }
0xc: {  	s4 =	rddreg [dreg:$0xb];
	s12 =	srdreg.scid  }
0xd: {  	s5 =	simm.s32 $0x0;
	s17 =	stileid.u32;
	s28 =	simm.s32 $0x1  }
0xe: {  	s29 =	simm.s32 $0x80;
	s30 =	simm.s32 $0xA00;
	s31 =	simm.s32 $0xB00  }
0xf: {  	s12 =	sand.u32 $0x1, s12;
	[smem:$0x7FF] =	sst s5;
	s13 =	sshll.u32 s17, $0xA  }
0x10: {  	s20 =	sshll.u32 s17, $0x6;
	s21 =	sshll.u32 s17, $0x9;
	s24 =	sshll.u32 s17, $0xC  }
0x11: {  	s15 =	sshll.u32 s12, $0x9;
	_ =	strace $0x80000047;
	s12 =	ssub.s32 $0x2, s12  }
0x12: {  	s0 =	sadd.s32 s13, s0;
	s22 =	sadd.s32 s21, s2;
	s15 =	sor.u32 s15, s13  }
0x13: {  	s26 =	sshrl.u32 s12, $0x1;
	s13 =	sshll.u32 s17, $0xD;
	s0 =	sadd.s32 $0x1400, s0  }
0x14: {  	s16 =	sshrl.u32 s15, $0x3;
	s19 =	ssub.s32 s12, s26;
	[dreg:$0x12] =	wrdreg s0  }
0x15: {  	s25 =	sshll.u32 s15, $0x4;
	s26 =	sadd.s32 s24, s4;
	s15 =	sadd.s32 s6, s21  }
0x16: {  	s24 =	sshrl.u32 s22, $0x3;
	s0 =	simm.s32 $0x4B00;
	s7 =	sadd.s32 s7, s16  }
0x17: {  	s21 =	simm.s32 $0xCB00;
	s8 =	sadd.s32 s8, s16;
	[dreg:$0xd] =	wrdreg s7  }
0x18: {  	s6 =	simm.s32 $0x10B00;
	s9 =	sadd.s32 s9, s16;
	[dreg:$0xe] =	wrdreg s8  }
0x19: {  	s12 =	sadd.s32 s10, s16;
	s18 =	sadd.s32 s11, s16;
	[dreg:$0xf] =	wrdreg s9  }
0x1a: {  	s14 =	sadd.s32 s14, s25;
	s19 =	smax.u32 s19, $0x1;
	[dreg:$0x10] =	wrdreg s12  }
0x1b: {  	s25 =	sshrl.u32 s26, $0x3;
	s26 =	simm.s32 $0x800;
	[dreg:$0x11] =	wrdreg s18  }
0x1c: {  	s7 =	sadd.s32 s13, s1;
	s12 =	sor.u32 $0x1C01, s20;
	s13 =	sadd.s32 s3, s20  }
0x1d: {  	s16 =	sadd.s32 $0x800, s14;
	s17 =	sadd.s32 $0x1000, s14;
	s18 =	sadd.s32 $0x1800, s14  }
0x1e: {  	s3 =	simm.s32 $0x8B00;
	s20 =	simm.s32 $0xA80;
	s8 =	simm.s32 $0x2  }
0x1f: {  	s9 =	simm.s32 $0x0;
	s23 =	sshrl.u32 s7, $0x3;
	s7 =	simm.s32 $0x14B00  }
.LBB2_1:
0x20: {  	s10 =	rddreg [dreg:$0xd]  }
0x21: {  	[tilespmem:s5], [sflag:$0x1] =	stream.linear.gather [hbm4b:s10+s5], $0x200, $0x38;
	[tilespmem:$0x1BD00] =	vst v63  }
0x22: {  	s22 =	rddreg [dreg:$0xe];
	s11 =	simm.s32 $0x200  }
0x23: {  	[tilespmem:s11], [sflag:$0x1] =	stream.linear.gather [hbm4b:s22+s5], $0x200, $0x38;
	[tilespmem:$0x1BD00] =	vst v63  }
0x24: {  	s11 =	rddreg [dreg:$0xf];
	s22 =	simm.s32 $0x400  }
0x25: {  	[tilespmem:s22], [sflag:$0x1] =	stream.linear.gather [hbm4b:s11+s5], $0x200, $0x38;
	[tilespmem:$0x1BD00] =	vst v63  }
0x26: {  	s22 =	rddreg [dreg:$0x10];
	s11 =	simm.s32 $0x600  }
0x27: {  	[tilespmem:s11], [sflag:$0x1] =	stream.linear.gather [hbm4b:s22+s5], $0x200, $0x38;
	[tilespmem:$0x1BD00] =	vst v63  }
0x28: {  	s22 =	rddreg [dreg:$0x11]  }
0x29: {  	[tilespmem:s26], [sflag:$0x1] =	stream.linear.gather [hbm4b:s22+s5], $0x200, $0x38;
	[tilespmem:$0x1BD00] =	vst v63  }
0x2a: {  	s22 =	rddreg [dreg:$0x12]  }
0x2b: {  	[spmem:s23], [sflag:s12] =	dma.local [hbm:s22], $0x400  }
0x2c: {  	[spmem:s24], [sflag:s12] =	dma.local [hbm:s13], $0x40  }
0x2d: {  	[spmem:s25], [sflag:s12] =	dma.local [hbm:s15], $0x200  }
0x2e: {  	_ =	swait.ge [sflag:s28], $0x200  }
0x2f: {  	[sflag:s28] =	ssyncset.done $0x0  }
0x30: {  	[sflag:s28] =	ssyncadd.s32 $0xFFFFFE00  }
0x31: {  	_ =	swait.ge [sflag:s28], $0x200  }
0x32: {  	[sflag:s28] =	ssyncset.done $0x0  }
0x33: {  	[sflag:s28] =	ssyncadd.s32 $0xFFFFFE00  }
0x34: {  	_ =	swait.ge [sflag:s28], $0x200  }
0x35: {  	[sflag:s28] =	ssyncset.done $0x0  }
0x36: {  	[sflag:s28] =	ssyncadd.s32 $0xFFFFFE00  }
0x37: {  	_ =	swait.ge [sflag:s28], $0x200  }
0x38: {  	[sflag:s28] =	ssyncset.done $0x0  }
0x39: {  	[sflag:s28] =	ssyncadd.s32 $0xFFFFFE00  }
0x3a: {  	_ =	swait.ge [sflag:s28], $0x200  }
0x3b: {  	[sflag:s28] =	ssyncset.done $0x0  }
0x3c: {  	[sflag:s28] =	ssyncadd.s32 $0xFFFFFE00  }
0x3d: {  	_ =	swait.ge [sflag:s28], $0x400  }
0x3e: {  	[sflag:s28] =	ssyncset.done $0x0  }
0x3f: {  	[sflag:s28] =	ssyncadd.s32 $0xFFFFFC00  }
0x40: {  	_ =	swait.ge [sflag:s28], $0x40  }
0x41: {  	[sflag:s28] =	ssyncset.done $0x0  }
0x42: {  	[sflag:s28] =	ssyncadd.s32 $0xFFFFFFC0  }
0x43: {  	_ =	swait.ge [sflag:s28], $0x200  }
0x44: {  	[sflag:s28] =	ssyncset.done $0x0  }
0x45: {  	[sflag:s28] =	ssyncadd.s32 $0xFFFFFE00  }
0x46: {  	[bflag:$0x0] =	sbarrier.arrive $0xFFFF  }
0x47: {  	v0 =	vld [tilespmem:$0x0]  }
0x48: {  	v1 =	vld [tilespmem:$0x200]  }
0x49: {  	v2 =	vld [tilespmem:$0x400]  }
0x4a: {  	v3 =	vld [tilespmem:$0x10]  }
0x4b: {  	v4 =	vld [tilespmem:$0x210]  }
0x4c: {  	v5 =	vld [tilespmem:$0x410]  }
0x4d: {  	v6 =	vld [tilespmem:$0x20]  }
0x4e: {  	v7 =	vld [tilespmem:$0x220]  }
0x4f: {  	v8 =	vld [tilespmem:$0x420]  }
0x50: {  	v9 =	vld [tilespmem:$0x30]  }
0x51: {  	v10 =	vld [tilespmem:$0x230]  }
0x52: {  	v11 =	vld [tilespmem:$0x430]  }
0x53: {  	v12 =	vld [tilespmem:$0x40]  }
0x54: {  	v13 =	vld [tilespmem:$0x240]  }
0x55: {  	v14 =	vld [tilespmem:$0x440]  }
0x56: {  	v15 =	vld [tilespmem:$0x50]  }
0x57: {  	v16 =	vld [tilespmem:$0x250]  }
0x58: {  	v17 =	vld [tilespmem:$0x450];
	v0 =	vshll.u32 v0, $0x5;
	v1 =	vshll.u32 v1, $0x2  }
0x59: {  	v0 =	vadd.s32 v0, v1;
	v1 =	vshll.u32 v3, $0x5;
	v3 =	vshll.u32 v4, $0x2;
	v4 =	vld [tilespmem:$0x60]  }
0x5a: {  	v1 =	vadd.s32 v1, v3;
	v3 =	vshll.u32 v6, $0x5;
	v6 =	vshll.u32 v7, $0x2;
	v7 =	vld [tilespmem:$0x260]  }
0x5b: {  	v0 =	vadd.s32 v2, v0;
	v1 =	vadd.s32 v5, v1;
	v2 =	vadd.s32 v3, v6;
	v3 =	vld [tilespmem:$0x70]  }
0x5c: {  	v5 =	vshll.u32 v9, $0x5;
	v6 =	vshll.u32 v10, $0x2;
	v2 =	vadd.s32 v8, v2;
	v8 =	vld [tilespmem:$0x270]  }
0x5d: {  	[tilespmem:$0xA00] =	vst v0;
	v9 =	vld [tilespmem:$0x460];
	v0 =	vadd.s32 v5, v6;
	v5 =	vshll.u32 v12, $0x5;
	v6 =	vshll.u32 v13, $0x2  }
0x5e: {  	v10 =	vld [tilespmem:$0x470];
	[tilespmem:$0xA10] =	vst v1;
	v1 =	vadd.s32 v5, v6;
	v5 =	vshll.u32 v15, $0x5;
	v6 =	vshll.u32 v16, $0x2  }
0x5f: {  	[tilespmem:$0xA20] =	vst v2;
	v0 =	vadd.s32 v11, v0;
	v1 =	vadd.s32 v14, v1;
	v2 =	vadd.s32 v5, v6  }
0x60: {  	[tilespmem:$0xA30] =	vst v0;
	v0 =	vadd.s32 v17, v2;
	v2 =	vshll.u32 v4, $0x5;
	v4 =	vshll.u32 v7, $0x2  }
0x61: {  	[tilespmem:$0xA40] =	vst v1;
	v1 =	vadd.s32 v2, v4;
	v2 =	vshll.u32 v3, $0x5;
	v3 =	vshll.u32 v8, $0x2  }
0x62: {  	[tilespmem:$0xA50] =	vst v0;
	v0 =	vadd.s32 v9, v1;
	v1 =	vadd.s32 v2, v3  }
0x63: {  	[tilespmem:$0xA60] =	vst v0;
	v0 =	vadd.s32 v10, v1  }
0x64: {  	[tilespmem:$0xA70] =	vst v0  }
0x65: {  	[tilespmem:s31], [sflag:$0x1] =	stream.indirect.gather [spmem:s1], $0x80, s30, s29, $0xb8;
	[tilespmem:$0x1BD00] =	vst v63  }
0x66: {  	_ = 	snop  }
0x67: {  	[tilespmem:s0], [sflag:$0x1] =	stream.indirect.gather [spmem:s2], $0x80, s11, s29, $0xb8;
	[tilespmem:$0x1BD00] =	vst v63  }
0x68: {  	_ = 	snop  }
0x69: {  	[tilespmem:s3], [sflag:$0x1] =	stream.indirect.gather [spmem:s4], $0x80, s26, s29, $0xb8;
	[tilespmem:$0x1BD00] =	vst v63  }
0x6a: {  	v0 =	vld [tilespmem:$0x80]  }
0x6b: {  	v1 =	vld [tilespmem:$0x280]  }
0x6c: {  	v2 =	vld [tilespmem:$0x480]  }
0x6d: {  	v3 =	vld [tilespmem:$0x90]  }
0x6e: {  	v4 =	vld [tilespmem:$0x290]  }
0x6f: {  	v5 =	vld [tilespmem:$0x490]  }
0x70: {  	v6 =	vld [tilespmem:$0xA0]  }
0x71: {  	v7 =	vld [tilespmem:$0x2A0]  }
0x72: {  	v8 =	vld [tilespmem:$0x4A0]  }
0x73: {  	v9 =	vld [tilespmem:$0xB0]  }
0x74: {  	v10 =	vld [tilespmem:$0x2B0]  }
0x75: {  	v11 =	vld [tilespmem:$0x4B0]  }
0x76: {  	v12 =	vld [tilespmem:$0xC0]  }
0x77: {  	v13 =	vld [tilespmem:$0x2C0]  }
0x78: {  	v14 =	vld [tilespmem:$0x4C0]  }
0x79: {  	v15 =	vld [tilespmem:$0xD0]  }
0x7a: {  	v16 =	vld [tilespmem:$0x2D0]  }
0x7b: {  	v17 =	vld [tilespmem:$0x4D0];
	v0 =	vshll.u32 v0, $0x5;
	v1 =	vshll.u32 v1, $0x2  }
0x7c: {  	v0 =	vadd.s32 v0, v1;
	v1 =	vshll.u32 v3, $0x5;
	v3 =	vshll.u32 v4, $0x2;
	v4 =	vld [tilespmem:$0xE0]  }
0x7d: {  	v1 =	vadd.s32 v1, v3;
	v3 =	vshll.u32 v6, $0x5;
	v6 =	vshll.u32 v7, $0x2;
	v7 =	vld [tilespmem:$0x2E0]  }
0x7e: {  	v0 =	vadd.s32 v2, v0;
	v1 =	vadd.s32 v5, v1;
	v2 =	vadd.s32 v3, v6;
	v3 =	vld [tilespmem:$0xF0]  }
0x7f: {  	v5 =	vshll.u32 v9, $0x5;
	v6 =	vshll.u32 v10, $0x2;
	v2 =	vadd.s32 v8, v2;
	v8 =	vld [tilespmem:$0x2F0]  }
0x80: {  	[tilespmem:$0xA80] =	vst v0;
	v9 =	vld [tilespmem:$0x4E0];
	v0 =	vadd.s32 v5, v6;
	v5 =	vshll.u32 v12, $0x5;
	v6 =	vshll.u32 v13, $0x2  }
0x81: {  	v10 =	vld [tilespmem:$0x4F0];
	[tilespmem:$0xA90] =	vst v1;
	v1 =	vadd.s32 v5, v6;
	v5 =	vshll.u32 v15, $0x5;
	v6 =	vshll.u32 v16, $0x2  }
0x82: {  	[tilespmem:$0xAA0] =	vst v2;
	v0 =	vadd.s32 v11, v0;
	v1 =	vadd.s32 v14, v1;
	v2 =	vadd.s32 v5, v6  }
0x83: {  	[tilespmem:$0xAB0] =	vst v0;
	v0 =	vadd.s32 v17, v2;
	v2 =	vshll.u32 v4, $0x5;
	v4 =	vshll.u32 v7, $0x2  }
0x84: {  	[tilespmem:$0xAC0] =	vst v1;
	v1 =	vadd.s32 v2, v4;
	v2 =	vshll.u32 v3, $0x5;
	v3 =	vshll.u32 v8, $0x2  }
0x85: {  	[tilespmem:$0xAD0] =	vst v0;
	v0 =	vadd.s32 v9, v1;
	v1 =	vadd.s32 v2, v3  }
0x86: {  	[tilespmem:$0xAE0] =	vst v0;
	v0 =	vadd.s32 v10, v1  }
0x87: {  	[tilespmem:$0xAF0] =	vst v0  }
0x88: {  	[tilespmem:s21], [sflag:$0x1] =	stream.indirect.gather [spmem:s1], $0x80, s20, s29, $0xb8;
	[tilespmem:$0x1BD00] =	vst v63  }
0x89: {  	s11 =	simm.s32 $0x680  }
0x8a: {  	[tilespmem:s6], [sflag:$0x1] =	stream.indirect.gather [spmem:s2], $0x80, s11, s29, $0xb8;
	[tilespmem:$0x1BD00] =	vst v63  }
0x8b: {  	s22 =	simm.s32 $0x880  }
0x8c: {  	[tilespmem:s7], [sflag:$0x1] =	stream.indirect.gather [spmem:s4], $0x80, s22, s29, $0xb8;
	[tilespmem:$0x1BD00] =	vst v63  }
0x8d: {  	_ =	swait.ge [sflag:s28], $0x4000  }
0x8e: {  	[sflag:s28] =	ssyncset.done $0x0  }
0x8f: {  	[sflag:s28] =	ssyncadd.s32 $0xFFFFC000  }
0x90: {  	_ =	swait.ge [sflag:s28], $0x4000  }
0x91: {  	[sflag:s28] =	ssyncset.done $0x0  }
0x92: {  	[sflag:s28] =	ssyncadd.s32 $0xFFFFC000  }
0x93: {  	_ =	swait.ge [sflag:s28], $0x4000  }
0x94: {  	[sflag:s28] =	ssyncset.done $0x0  }
0x95: {  	s10 =	simm.s32 $0x0;
	[sflag:s28] =	ssyncadd.s32 $0xFFFFC000  }
0x96: {  	v5 =	vld [tilespmem:s10+$0x8B00]  }
0x97: {  	v4 =	vld [tilespmem:s10+$0x8B10]  }
0x98: {  	v3 =	vld [tilespmem:s10+$0x8B20]  }
0x99: {  	v2 =	vld [tilespmem:s10+$0x8B30]  }
0x9a: {  	v1 =	vld [tilespmem:s10+$0x8B40]  }
0x9b: {  	v0 =	vld [tilespmem:s10+$0x8B50]  }
0x9c: {  	v12 =	vld [tilespmem:s10+$0x4B00]  }
0x9d: {  	v17 =	vld [tilespmem:s10+$0x4B10]  }
0x9e: {  	v11 =	vld [tilespmem:s10+$0x4B20]  }
0x9f: {  	v10 =	vld [tilespmem:s10+$0x4B30]  }
0xa0: {  	v9 =	vld [tilespmem:s10+$0x4B40]  }
0xa1: {  	v8 =	vld [tilespmem:s10+$0x4B50]  }
0xa2: {  	v7 =	vld [tilespmem:s10+$0x4B60]  }
0xa3: {  	v6 =	vld [tilespmem:s10+$0x4B70]  }
0xa4: {  	v18 =	vld [tilespmem:s10+$0xB00]  }
0xa5: {  	v19 =	vld [tilespmem:s10+$0xB10]  }
0xa6: {  	v16 =	vld [tilespmem:s10+$0xB20]  }
0xa7: {  	v15 =	vld [tilespmem:s10+$0xB30]  }
0xa8: {  	v14 =	vld [tilespmem:s10+$0xB40]  }
0xa9: {  	v13 =	vld [tilespmem:s10+$0xB50];
	v18 =	vadd.f32 v12, v18  }
0xaa: {  	s11 =	simm.s32 $0x200;
	v17 =	vadd.f32 v17, v19;
	v12 =	vld [tilespmem:s10+$0xB60]  }
.LBB2_2:
0xab: {  	p0 =	sne.s32 s11, $0xFE00;
	v5 =	vadd.f32 v5, v18;
	v11 =	vadd.f32 v11, v16;
	v16 =	vld [tilespmem:s10+$0xB70]  }
0xac: {  	v4 =	vadd.f32 v4, v17;
	v10 =	vadd.f32 v10, v15;
	v15 =	vld [tilespmem:s10+$0x8B60]  }
0xad: {  	s22 =	sshra.s32 s11, $0x2;
	[tilespmem:s10+$0xB00] =	vst v5;
	v3 =	vadd.f32 v3, v11;
	v9 =	vadd.f32 v9, v14;
	v11 =	vld [tilespmem:s10+$0x8B70]  }
0xae: {  	v5 =	vld [tilespmem:s22+$0x8B00];
	[tilespmem:s10+$0xB10] =	vst v4;
	v2 =	vadd.f32 v2, v10;
	v8 =	vadd.f32 v8, v13  }
0xaf: {  	v4 =	vld [tilespmem:s22+$0x8B10];
	[tilespmem:s10+$0xB20] =	vst v3;
	v1 =	vadd.f32 v1, v9;
	v7 =	vadd.f32 v7, v12  }
0xb0: {  	v3 =	vld [tilespmem:s22+$0x8B20];
	[tilespmem:s10+$0xB30] =	vst v2;
	v0 =	vadd.f32 v0, v8;
	v6 =	vadd.f32 v6, v16  }
0xb1: {  	v2 =	vld [tilespmem:s22+$0x8B30];
	[tilespmem:s10+$0xB40] =	vst v1;
	v7 =	vadd.f32 v15, v7  }
0xb2: {  	v1 =	vld [tilespmem:s22+$0x8B40];
	[tilespmem:s10+$0xB50] =	vst v0;
	v6 =	vadd.f32 v11, v6  }
0xb3: {  	v0 =	vld [tilespmem:s22+$0x8B50];
	[tilespmem:s10+$0xB60] =	vst v7  }
0xb4: {  	v12 =	vld [tilespmem:s22+$0x4B00];
	[tilespmem:s10+$0xB70] =	vst v6;
	s10 =	smov.u32 s22  }
0xb5: {  	v17 =	vld [tilespmem:s10+$0x4B10]  }
0xb6: {  	v11 =	vld [tilespmem:s10+$0x4B20]  }
0xb7: {  	v10 =	vld [tilespmem:s10+$0x4B30]  }
0xb8: {  	v9 =	vld [tilespmem:s10+$0x4B40]  }
0xb9: {  	v8 =	vld [tilespmem:s10+$0x4B50]  }
0xba: {  	v7 =	vld [tilespmem:s10+$0x4B60]  }
0xbb: {  	v6 =	vld [tilespmem:s10+$0x4B70]  }
0xbc: {  	v13 =	vld [tilespmem:s10+$0xB00]  }
0xbd: {  	v19 =	vld [tilespmem:s10+$0xB10]  }
.Ltmp0:
0xbe: {  	v16 =	vld [tilespmem:s10+$0xB20];
	(pc) =	sbr.rel @p0 .LBB2_2-.Ltmp0, $4  }
0xbf: {  	v15 =	vld [tilespmem:s10+$0xB30]  }
0xc0: {  	v14 =	vld [tilespmem:s10+$0xB40]  }
0xc1: {  	v18 =	vadd.f32 v12, v13;
	v13 =	vld [tilespmem:s10+$0xB50]  }
0xc2: {  	s11 =	sadd.s32 $0x200, s11;
	v17 =	vadd.f32 v17, v19;
	v12 =	vld [tilespmem:s10+$0xB60]  }
0xc3: {  	v5 =	vadd.f32 v5, v18;
	v18 =	vld [tilespmem:s10+$0xB70];
	v11 =	vadd.f32 v11, v16  }
0xc4: {  	v16 =	vld [tilespmem:s10+$0x8B60];
	v4 =	vadd.f32 v4, v17;
	v10 =	vadd.f32 v10, v15  }
0xc5: {  	[tilespmem:s10+$0xB00] =	vst v5;
	v3 =	vadd.f32 v3, v11;
	v5 =	vadd.f32 v9, v14;
	v9 =	vld [tilespmem:s10+$0x8B70]  }
0xc6: {  	[tilespmem:s10+$0xB10] =	vst v4;
	v2 =	vadd.f32 v2, v10;
	v4 =	vadd.f32 v8, v13  }
0xc7: {  	[tilespmem:s10+$0xB20] =	vst v3;
	v1 =	vadd.f32 v1, v5;
	v3 =	vadd.f32 v7, v12  }
0xc8: {  	[tilespmem:s10+$0xB30] =	vst v2;
	v0 =	vadd.f32 v0, v4;
	v2 =	vadd.f32 v6, v18  }
0xc9: {  	[tilespmem:s10+$0xB40] =	vst v1;
	v1 =	vadd.f32 v16, v3  }
0xca: {  	[tilespmem:s10+$0xB50] =	vst v0;
	v0 =	vadd.f32 v9, v2  }
0xcb: {  	[tilespmem:s10+$0xB60] =	vst v1  }
0xcc: {  	s22 =	simm.s32 $0x0;
	[tilespmem:s10+$0xB70] =	vst v0  }
0xcd: {  	[hbm4b:s14+s22] =	stream.linear.scatter [tilespmem:s31], [sflag:$0x2], $0x4000, $0x38;
	[tilespmem:$0x1BD00] =	vst v63  }
0xce: {  	_ =	swait.ge [sflag:s8], $0x4000  }
0xcf: {  	[sflag:s8] =	ssyncset.done $0x0  }
0xd0: {  	[sflag:s8] =	ssyncadd.s32 $0xFFFFC000  }
0xd1: {  	v0 =	vld [tilespmem:$0x100]  }
0xd2: {  	v1 =	vld [tilespmem:$0x300]  }
0xd3: {  	v2 =	vld [tilespmem:$0x500]  }
0xd4: {  	v3 =	vld [tilespmem:$0x110]  }
0xd5: {  	v4 =	vld [tilespmem:$0x310]  }
0xd6: {  	v5 =	vld [tilespmem:$0x510]  }
0xd7: {  	v6 =	vld [tilespmem:$0x120]  }
0xd8: {  	v7 =	vld [tilespmem:$0x320]  }
0xd9: {  	v8 =	vld [tilespmem:$0x520]  }
0xda: {  	v9 =	vld [tilespmem:$0x130]  }
0xdb: {  	v10 =	vld [tilespmem:$0x330]  }
0xdc: {  	v11 =	vld [tilespmem:$0x530]  }
0xdd: {  	v12 =	vld [tilespmem:$0x140]  }
0xde: {  	v13 =	vld [tilespmem:$0x340]  }
0xdf: {  	v14 =	vld [tilespmem:$0x540]  }
0xe0: {  	v15 =	vld [tilespmem:$0x150]  }
0xe1: {  	v16 =	vld [tilespmem:$0x350]  }
0xe2: {  	v17 =	vld [tilespmem:$0x550];
	v0 =	vshll.u32 v0, $0x5;
	v1 =	vshll.u32 v1, $0x2  }
0xe3: {  	v0 =	vadd.s32 v0, v1;
	v1 =	vshll.u32 v3, $0x5;
	v3 =	vshll.u32 v4, $0x2;
	v4 =	vld [tilespmem:$0x160]  }
0xe4: {  	v1 =	vadd.s32 v1, v3;
	v3 =	vshll.u32 v6, $0x5;
	v6 =	vshll.u32 v7, $0x2;
	v7 =	vld [tilespmem:$0x360]  }
0xe5: {  	v0 =	vadd.s32 v2, v0;
	v1 =	vadd.s32 v5, v1;
	v2 =	vadd.s32 v3, v6;
	v3 =	vld [tilespmem:$0x170]  }
0xe6: {  	v5 =	vshll.u32 v9, $0x5;
	v6 =	vshll.u32 v10, $0x2;
	v2 =	vadd.s32 v8, v2;
	v8 =	vld [tilespmem:$0x370]  }
0xe7: {  	[tilespmem:$0xA00] =	vst v0;
	v9 =	vld [tilespmem:$0x560];
	v0 =	vadd.s32 v5, v6;
	v5 =	vshll.u32 v12, $0x5;
	v6 =	vshll.u32 v13, $0x2  }
0xe8: {  	v10 =	vld [tilespmem:$0x570];
	[tilespmem:$0xA10] =	vst v1;
	v1 =	vadd.s32 v5, v6;
	v5 =	vshll.u32 v15, $0x5;
	v6 =	vshll.u32 v16, $0x2  }
0xe9: {  	[tilespmem:$0xA20] =	vst v2;
	v0 =	vadd.s32 v11, v0;
	v1 =	vadd.s32 v14, v1;
	v2 =	vadd.s32 v5, v6  }
0xea: {  	[tilespmem:$0xA30] =	vst v0;
	v0 =	vadd.s32 v17, v2;
	v2 =	vshll.u32 v4, $0x5;
	v4 =	vshll.u32 v7, $0x2  }
0xeb: {  	[tilespmem:$0xA40] =	vst v1;
	v1 =	vadd.s32 v2, v4;
	v2 =	vshll.u32 v3, $0x5;
	v3 =	vshll.u32 v8, $0x2  }
0xec: {  	[tilespmem:$0xA50] =	vst v0;
	v0 =	vadd.s32 v9, v1;
	v1 =	vadd.s32 v2, v3  }
0xed: {  	[tilespmem:$0xA60] =	vst v0;
	v0 =	vadd.s32 v10, v1  }
0xee: {  	[tilespmem:$0xA70] =	vst v0  }
0xef: {  	[tilespmem:s31], [sflag:$0x1] =	stream.indirect.gather [spmem:s1], $0x80, s30, s29, $0xb8;
	[tilespmem:$0x1BD00] =	vst v63  }
0xf0: {  	s11 =	simm.s32 $0x700  }
0xf1: {  	[tilespmem:s0], [sflag:$0x1] =	stream.indirect.gather [spmem:s2], $0x80, s11, s29, $0xb8;
	[tilespmem:$0x1BD00] =	vst v63  }
0xf2: {  	s22 =	simm.s32 $0x900  }
0xf3: {  	[tilespmem:s3], [sflag:$0x1] =	stream.indirect.gather [spmem:s4], $0x80, s22, s29, $0xb8;
	[tilespmem:$0x1BD00] =	vst v63  }
0xf4: {  	_ =	swait.ge [sflag:s28], $0x4000  }
0xf5: {  	[sflag:s28] =	ssyncset.done $0x0  }
0xf6: {  	[sflag:s28] =	ssyncadd.s32 $0xFFFFC000  }
0xf7: {  	_ =	swait.ge [sflag:s28], $0x4000  }
0xf8: {  	[sflag:s28] =	ssyncset.done $0x0  }
0xf9: {  	[sflag:s28] =	ssyncadd.s32 $0xFFFFC000  }
0xfa: {  	_ =	swait.ge [sflag:s28], $0x4000  }
0xfb: {  	[sflag:s28] =	ssyncset.done $0x0  }
0xfc: {  	s10 =	simm.s32 $0x0;
	[sflag:s28] =	ssyncadd.s32 $0xFFFFC000  }
0xfd: {  	v5 =	vld [tilespmem:s10+$0x14B00]  }
0xfe: {  	v4 =	vld [tilespmem:s10+$0x14B10]  }
0xff: {  	v3 =	vld [tilespmem:s10+$0x14B20]  }
0x100: {  	v2 =	vld [tilespmem:s10+$0x14B30]  }
0x101: {  	v1 =	vld [tilespmem:s10+$0x14B40]  }
0x102: {  	v0 =	vld [tilespmem:s10+$0x14B50]  }
0x103: {  	v12 =	vld [tilespmem:s10+$0x10B00]  }
0x104: {  	v17 =	vld [tilespmem:s10+$0x10B10]  }
0x105: {  	v11 =	vld [tilespmem:s10+$0x10B20]  }
0x106: {  	v10 =	vld [tilespmem:s10+$0x10B30]  }
0x107: {  	v9 =	vld [tilespmem:s10+$0x10B40]  }
0x108: {  	v8 =	vld [tilespmem:s10+$0x10B50]  }
0x109: {  	v7 =	vld [tilespmem:s10+$0x10B60]  }
0x10a: {  	v6 =	vld [tilespmem:s10+$0x10B70]  }
0x10b: {  	v18 =	vld [tilespmem:s10+$0xCB00]  }
0x10c: {  	v19 =	vld [tilespmem:s10+$0xCB10]  }
0x10d: {  	v16 =	vld [tilespmem:s10+$0xCB20]  }
0x10e: {  	v15 =	vld [tilespmem:s10+$0xCB30]  }
0x10f: {  	v14 =	vld [tilespmem:s10+$0xCB40]  }
0x110: {  	v13 =	vld [tilespmem:s10+$0xCB50];
	v18 =	vadd.f32 v12, v18  }
0x111: {  	s11 =	simm.s32 $0x200;
	v17 =	vadd.f32 v17, v19;
	v12 =	vld [tilespmem:s10+$0xCB60]  }
.LBB2_4:
0x112: {  	p0 =	sne.s32 s11, $0xFE00;
	v5 =	vadd.f32 v5, v18;
	v11 =	vadd.f32 v11, v16;
	v16 =	vld [tilespmem:s10+$0xCB70]  }
0x113: {  	v4 =	vadd.f32 v4, v17;
	v10 =	vadd.f32 v10, v15;
	v15 =	vld [tilespmem:s10+$0x14B60]  }
0x114: {  	s22 =	sshra.s32 s11, $0x2;
	[tilespmem:s10+$0xCB00] =	vst v5;
	v3 =	vadd.f32 v3, v11;
	v9 =	vadd.f32 v9, v14;
	v11 =	vld [tilespmem:s10+$0x14B70]  }
0x115: {  	v5 =	vld [tilespmem:s22+$0x14B00];
	[tilespmem:s10+$0xCB10] =	vst v4;
	v2 =	vadd.f32 v2, v10;
	v8 =	vadd.f32 v8, v13  }
0x116: {  	v4 =	vld [tilespmem:s22+$0x14B10];
	[tilespmem:s10+$0xCB20] =	vst v3;
	v1 =	vadd.f32 v1, v9;
	v7 =	vadd.f32 v7, v12  }
0x117: {  	v3 =	vld [tilespmem:s22+$0x14B20];
	[tilespmem:s10+$0xCB30] =	vst v2;
	v0 =	vadd.f32 v0, v8;
	v6 =	vadd.f32 v6, v16  }
0x118: {  	v2 =	vld [tilespmem:s22+$0x14B30];
	[tilespmem:s10+$0xCB40] =	vst v1;
	v7 =	vadd.f32 v15, v7  }
0x119: {  	v1 =	vld [tilespmem:s22+$0x14B40];
	[tilespmem:s10+$0xCB50] =	vst v0;
	v6 =	vadd.f32 v11, v6  }
0x11a: {  	v0 =	vld [tilespmem:s22+$0x14B50];
	[tilespmem:s10+$0xCB60] =	vst v7  }
0x11b: {  	v12 =	vld [tilespmem:s22+$0x10B00];
	[tilespmem:s10+$0xCB70] =	vst v6;
	s10 =	smov.u32 s22  }
0x11c: {  	v17 =	vld [tilespmem:s10+$0x10B10]  }
0x11d: {  	v11 =	vld [tilespmem:s10+$0x10B20]  }
0x11e: {  	v10 =	vld [tilespmem:s10+$0x10B30]  }
0x11f: {  	v9 =	vld [tilespmem:s10+$0x10B40]  }
0x120: {  	v8 =	vld [tilespmem:s10+$0x10B50]  }
0x121: {  	v7 =	vld [tilespmem:s10+$0x10B60]  }
0x122: {  	v6 =	vld [tilespmem:s10+$0x10B70]  }
0x123: {  	v13 =	vld [tilespmem:s10+$0xCB00]  }
0x124: {  	v19 =	vld [tilespmem:s10+$0xCB10]  }
.Ltmp1:
0x125: {  	v16 =	vld [tilespmem:s10+$0xCB20];
	(pc) =	sbr.rel @p0 .LBB2_4-.Ltmp1, $4  }
0x126: {  	v15 =	vld [tilespmem:s10+$0xCB30]  }
0x127: {  	v14 =	vld [tilespmem:s10+$0xCB40]  }
0x128: {  	v18 =	vadd.f32 v12, v13;
	v13 =	vld [tilespmem:s10+$0xCB50]  }
0x129: {  	s11 =	sadd.s32 $0x200, s11;
	v17 =	vadd.f32 v17, v19;
	v12 =	vld [tilespmem:s10+$0xCB60]  }
0x12a: {  	v5 =	vadd.f32 v5, v18;
	v18 =	vld [tilespmem:s10+$0xCB70];
	v11 =	vadd.f32 v11, v16  }
0x12b: {  	v16 =	vld [tilespmem:s10+$0x14B60];
	v4 =	vadd.f32 v4, v17;
	v10 =	vadd.f32 v10, v15  }
0x12c: {  	[tilespmem:s10+$0xCB00] =	vst v5;
	v3 =	vadd.f32 v3, v11;
	v5 =	vadd.f32 v9, v14;
	v9 =	vld [tilespmem:s10+$0x14B70]  }
0x12d: {  	[tilespmem:s10+$0xCB10] =	vst v4;
	v2 =	vadd.f32 v2, v10;
	v4 =	vadd.f32 v8, v13  }
0x12e: {  	[tilespmem:s10+$0xCB20] =	vst v3;
	v1 =	vadd.f32 v1, v5;
	v3 =	vadd.f32 v7, v12  }
0x12f: {  	[tilespmem:s10+$0xCB30] =	vst v2;
	v0 =	vadd.f32 v0, v4;
	v2 =	vadd.f32 v6, v18  }
0x130: {  	[tilespmem:s10+$0xCB40] =	vst v1;
	v1 =	vadd.f32 v16, v3  }
0x131: {  	[tilespmem:s10+$0xCB50] =	vst v0;
	v0 =	vadd.f32 v9, v2  }
0x132: {  	[tilespmem:s10+$0xCB60] =	vst v1  }
0x133: {  	s22 =	simm.s32 $0x0;
	[tilespmem:s10+$0xCB70] =	vst v0  }
0x134: {  	[hbm4b:s16+s22] =	stream.linear.scatter [tilespmem:s21], [sflag:$0x2], $0x4000, $0x38;
	[tilespmem:$0x1BD00] =	vst v63  }
0x135: {  	_ =	swait.ge [sflag:s8], $0x4000  }
0x136: {  	[sflag:s8] =	ssyncset.done $0x0  }
0x137: {  	[sflag:s8] =	ssyncadd.s32 $0xFFFFC000  }
0x138: {  	v0 =	vld [tilespmem:$0x180]  }
0x139: {  	v1 =	vld [tilespmem:$0x380]  }
0x13a: {  	v2 =	vld [tilespmem:$0x580]  }
0x13b: {  	v3 =	vld [tilespmem:$0x190]  }
0x13c: {  	v4 =	vld [tilespmem:$0x390]  }
0x13d: {  	v5 =	vld [tilespmem:$0x590]  }
0x13e: {  	v6 =	vld [tilespmem:$0x1A0]  }
0x13f: {  	v7 =	vld [tilespmem:$0x3A0]  }
0x140: {  	v8 =	vld [tilespmem:$0x5A0]  }
0x141: {  	v9 =	vld [tilespmem:$0x1B0]  }
0x142: {  	v10 =	vld [tilespmem:$0x3B0]  }
0x143: {  	v11 =	vld [tilespmem:$0x5B0]  }
0x144: {  	v12 =	vld [tilespmem:$0x1C0]  }
0x145: {  	v13 =	vld [tilespmem:$0x3C0]  }
0x146: {  	v14 =	vld [tilespmem:$0x5C0]  }
0x147: {  	v15 =	vld [tilespmem:$0x1D0]  }
0x148: {  	v16 =	vld [tilespmem:$0x3D0]  }
0x149: {  	v17 =	vld [tilespmem:$0x5D0];
	v0 =	vshll.u32 v0, $0x5;
	v1 =	vshll.u32 v1, $0x2  }
0x14a: {  	v0 =	vadd.s32 v0, v1;
	v1 =	vshll.u32 v3, $0x5;
	v3 =	vshll.u32 v4, $0x2;
	v4 =	vld [tilespmem:$0x1E0]  }
0x14b: {  	v1 =	vadd.s32 v1, v3;
	v3 =	vshll.u32 v6, $0x5;
	v6 =	vshll.u32 v7, $0x2;
	v7 =	vld [tilespmem:$0x3E0]  }
0x14c: {  	v0 =	vadd.s32 v2, v0;
	v1 =	vadd.s32 v5, v1;
	v2 =	vadd.s32 v3, v6;
	v3 =	vld [tilespmem:$0x1F0]  }
0x14d: {  	v5 =	vshll.u32 v9, $0x5;
	v6 =	vshll.u32 v10, $0x2;
	v2 =	vadd.s32 v8, v2;
	v8 =	vld [tilespmem:$0x3F0]  }
0x14e: {  	[tilespmem:$0xA80] =	vst v0;
	v9 =	vld [tilespmem:$0x5E0];
	v0 =	vadd.s32 v5, v6;
	v5 =	vshll.u32 v12, $0x5;
	v6 =	vshll.u32 v13, $0x2  }
0x14f: {  	v10 =	vld [tilespmem:$0x5F0];
	[tilespmem:$0xA90] =	vst v1;
	v1 =	vadd.s32 v5, v6;
	v5 =	vshll.u32 v15, $0x5;
	v6 =	vshll.u32 v16, $0x2  }
0x150: {  	[tilespmem:$0xAA0] =	vst v2;
	v0 =	vadd.s32 v11, v0;
	v1 =	vadd.s32 v14, v1;
	v2 =	vadd.s32 v5, v6  }
0x151: {  	[tilespmem:$0xAB0] =	vst v0;
	v0 =	vadd.s32 v17, v2;
	v2 =	vshll.u32 v4, $0x5;
	v4 =	vshll.u32 v7, $0x2  }
0x152: {  	[tilespmem:$0xAC0] =	vst v1;
	v1 =	vadd.s32 v2, v4;
	v2 =	vshll.u32 v3, $0x5;
	v3 =	vshll.u32 v8, $0x2  }
0x153: {  	[tilespmem:$0xAD0] =	vst v0;
	v0 =	vadd.s32 v9, v1;
	v1 =	vadd.s32 v2, v3  }
0x154: {  	[tilespmem:$0xAE0] =	vst v0;
	v0 =	vadd.s32 v10, v1  }
0x155: {  	[tilespmem:$0xAF0] =	vst v0  }
0x156: {  	[tilespmem:s21], [sflag:$0x1] =	stream.indirect.gather [spmem:s1], $0x80, s20, s29, $0xb8;
	[tilespmem:$0x1BD00] =	vst v63  }
0x157: {  	s11 =	simm.s32 $0x780  }
0x158: {  	[tilespmem:s6], [sflag:$0x1] =	stream.indirect.gather [spmem:s2], $0x80, s11, s29, $0xb8;
	[tilespmem:$0x1BD00] =	vst v63  }
0x159: {  	s22 =	simm.s32 $0x980  }
0x15a: {  	[tilespmem:s7], [sflag:$0x1] =	stream.indirect.gather [spmem:s4], $0x80, s22, s29, $0xb8;
	[tilespmem:$0x1BD00] =	vst v63  }
0x15b: {  	_ =	swait.ge [sflag:s28], $0x4000  }
0x15c: {  	[sflag:s28] =	ssyncset.done $0x0  }
0x15d: {  	[sflag:s28] =	ssyncadd.s32 $0xFFFFC000  }
0x15e: {  	_ =	swait.ge [sflag:s28], $0x4000  }
0x15f: {  	[sflag:s28] =	ssyncset.done $0x0  }
0x160: {  	[sflag:s28] =	ssyncadd.s32 $0xFFFFC000  }
0x161: {  	_ =	swait.ge [sflag:s28], $0x4000  }
0x162: {  	[sflag:s28] =	ssyncset.done $0x0  }
0x163: {  	s10 =	simm.s32 $0x0;
	[sflag:s28] =	ssyncadd.s32 $0xFFFFC000  }
0x164: {  	v5 =	vld [tilespmem:s10+$0x8B00]  }
0x165: {  	v4 =	vld [tilespmem:s10+$0x8B10]  }
0x166: {  	v3 =	vld [tilespmem:s10+$0x8B20]  }
0x167: {  	v2 =	vld [tilespmem:s10+$0x8B30]  }
0x168: {  	v1 =	vld [tilespmem:s10+$0x8B40]  }
0x169: {  	v0 =	vld [tilespmem:s10+$0x8B50]  }
0x16a: {  	v12 =	vld [tilespmem:s10+$0x4B00]  }
0x16b: {  	v17 =	vld [tilespmem:s10+$0x4B10]  }
0x16c: {  	v11 =	vld [tilespmem:s10+$0x4B20]  }
0x16d: {  	v10 =	vld [tilespmem:s10+$0x4B30]  }
0x16e: {  	v9 =	vld [tilespmem:s10+$0x4B40]  }
0x16f: {  	v8 =	vld [tilespmem:s10+$0x4B50]  }
0x170: {  	v7 =	vld [tilespmem:s10+$0x4B60]  }
0x171: {  	v6 =	vld [tilespmem:s10+$0x4B70]  }
0x172: {  	v18 =	vld [tilespmem:s10+$0xB00]  }
0x173: {  	v19 =	vld [tilespmem:s10+$0xB10]  }
0x174: {  	v16 =	vld [tilespmem:s10+$0xB20]  }
0x175: {  	v15 =	vld [tilespmem:s10+$0xB30]  }
0x176: {  	v14 =	vld [tilespmem:s10+$0xB40]  }
0x177: {  	v13 =	vld [tilespmem:s10+$0xB50];
	v18 =	vadd.f32 v12, v18  }
0x178: {  	s11 =	simm.s32 $0x200;
	v17 =	vadd.f32 v17, v19;
	v12 =	vld [tilespmem:s10+$0xB60]  }
.LBB2_6:
0x179: {  	p0 =	sne.s32 s11, $0xFE00;
	v5 =	vadd.f32 v5, v18;
	v11 =	vadd.f32 v11, v16;
	v16 =	vld [tilespmem:s10+$0xB70]  }
0x17a: {  	v4 =	vadd.f32 v4, v17;
	v10 =	vadd.f32 v10, v15;
	v15 =	vld [tilespmem:s10+$0x8B60]  }
0x17b: {  	s22 =	sshra.s32 s11, $0x2;
	[tilespmem:s10+$0xB00] =	vst v5;
	v3 =	vadd.f32 v3, v11;
	v9 =	vadd.f32 v9, v14;
	v11 =	vld [tilespmem:s10+$0x8B70]  }
0x17c: {  	v5 =	vld [tilespmem:s22+$0x8B00];
	[tilespmem:s10+$0xB10] =	vst v4;
	v2 =	vadd.f32 v2, v10;
	v8 =	vadd.f32 v8, v13  }
0x17d: {  	v4 =	vld [tilespmem:s22+$0x8B10];
	[tilespmem:s10+$0xB20] =	vst v3;
	v1 =	vadd.f32 v1, v9;
	v7 =	vadd.f32 v7, v12  }
0x17e: {  	v3 =	vld [tilespmem:s22+$0x8B20];
	[tilespmem:s10+$0xB30] =	vst v2;
	v0 =	vadd.f32 v0, v8;
	v6 =	vadd.f32 v6, v16  }
0x17f: {  	v2 =	vld [tilespmem:s22+$0x8B30];
	[tilespmem:s10+$0xB40] =	vst v1;
	v7 =	vadd.f32 v15, v7  }
0x180: {  	v1 =	vld [tilespmem:s22+$0x8B40];
	[tilespmem:s10+$0xB50] =	vst v0;
	v6 =	vadd.f32 v11, v6  }
0x181: {  	v0 =	vld [tilespmem:s22+$0x8B50];
	[tilespmem:s10+$0xB60] =	vst v7  }
0x182: {  	v12 =	vld [tilespmem:s22+$0x4B00];
	[tilespmem:s10+$0xB70] =	vst v6;
	s10 =	smov.u32 s22  }
0x183: {  	v17 =	vld [tilespmem:s10+$0x4B10]  }
0x184: {  	v11 =	vld [tilespmem:s10+$0x4B20]  }
0x185: {  	v10 =	vld [tilespmem:s10+$0x4B30]  }
0x186: {  	v9 =	vld [tilespmem:s10+$0x4B40]  }
0x187: {  	v8 =	vld [tilespmem:s10+$0x4B50]  }
0x188: {  	v7 =	vld [tilespmem:s10+$0x4B60]  }
0x189: {  	v6 =	vld [tilespmem:s10+$0x4B70]  }
0x18a: {  	v13 =	vld [tilespmem:s10+$0xB00]  }
0x18b: {  	v19 =	vld [tilespmem:s10+$0xB10]  }
.Ltmp2:
0x18c: {  	v16 =	vld [tilespmem:s10+$0xB20];
	(pc) =	sbr.rel @p0 .LBB2_6-.Ltmp2, $4  }
0x18d: {  	v15 =	vld [tilespmem:s10+$0xB30]  }
0x18e: {  	v14 =	vld [tilespmem:s10+$0xB40]  }
0x18f: {  	v18 =	vadd.f32 v12, v13;
	v13 =	vld [tilespmem:s10+$0xB50]  }
0x190: {  	s11 =	sadd.s32 $0x200, s11;
	v17 =	vadd.f32 v17, v19;
	v12 =	vld [tilespmem:s10+$0xB60]  }
0x191: {  	v5 =	vadd.f32 v5, v18;
	v18 =	vld [tilespmem:s10+$0xB70];
	v11 =	vadd.f32 v11, v16  }
0x192: {  	v16 =	vld [tilespmem:s10+$0x8B60];
	v4 =	vadd.f32 v4, v17;
	v10 =	vadd.f32 v10, v15  }
0x193: {  	[tilespmem:s10+$0xB00] =	vst v5;
	v3 =	vadd.f32 v3, v11;
	v5 =	vadd.f32 v9, v14;
	v9 =	vld [tilespmem:s10+$0x8B70]  }
0x194: {  	[tilespmem:s10+$0xB10] =	vst v4;
	v2 =	vadd.f32 v2, v10;
	v4 =	vadd.f32 v8, v13  }
0x195: {  	[tilespmem:s10+$0xB20] =	vst v3;
	v1 =	vadd.f32 v1, v5;
	v3 =	vadd.f32 v7, v12  }
0x196: {  	[tilespmem:s10+$0xB30] =	vst v2;
	v0 =	vadd.f32 v0, v4;
	v2 =	vadd.f32 v6, v18  }
0x197: {  	[tilespmem:s10+$0xB40] =	vst v1;
	v1 =	vadd.f32 v16, v3  }
0x198: {  	[tilespmem:s10+$0xB50] =	vst v0;
	v0 =	vadd.f32 v9, v2  }
0x199: {  	[tilespmem:s10+$0xB60] =	vst v1  }
0x19a: {  	s22 =	simm.s32 $0x0;
	[tilespmem:s10+$0xB70] =	vst v0  }
0x19b: {  	[hbm4b:s17+s22] =	stream.linear.scatter [tilespmem:s31], [sflag:$0x2], $0x4000, $0x38;
	[tilespmem:$0x1BD00] =	vst v63  }
0x19c: {  	_ =	swait.ge [sflag:s28], $0x4000  }
0x19d: {  	[sflag:s28] =	ssyncset.done $0x0  }
0x19e: {  	[sflag:s28] =	ssyncadd.s32 $0xFFFFC000  }
0x19f: {  	_ =	swait.ge [sflag:s28], $0x4000  }
0x1a0: {  	[sflag:s28] =	ssyncset.done $0x0  }
0x1a1: {  	[sflag:s28] =	ssyncadd.s32 $0xFFFFC000  }
0x1a2: {  	_ =	swait.ge [sflag:s28], $0x4000  }
0x1a3: {  	[sflag:s28] =	ssyncset.done $0x0  }
0x1a4: {  	s10 =	simm.s32 $0x0;
	[sflag:s28] =	ssyncadd.s32 $0xFFFFC000  }
0x1a5: {  	v5 =	vld [tilespmem:s10+$0x14B00]  }
0x1a6: {  	v4 =	vld [tilespmem:s10+$0x14B10]  }
0x1a7: {  	v3 =	vld [tilespmem:s10+$0x14B20]  }
0x1a8: {  	v2 =	vld [tilespmem:s10+$0x14B30]  }
0x1a9: {  	v1 =	vld [tilespmem:s10+$0x14B40]  }
0x1aa: {  	v0 =	vld [tilespmem:s10+$0x14B50]  }
0x1ab: {  	v12 =	vld [tilespmem:s10+$0x10B00]  }
0x1ac: {  	v17 =	vld [tilespmem:s10+$0x10B10]  }
0x1ad: {  	v11 =	vld [tilespmem:s10+$0x10B20]  }
0x1ae: {  	v10 =	vld [tilespmem:s10+$0x10B30]  }
0x1af: {  	v9 =	vld [tilespmem:s10+$0x10B40]  }
0x1b0: {  	v8 =	vld [tilespmem:s10+$0x10B50]  }
0x1b1: {  	v7 =	vld [tilespmem:s10+$0x10B60]  }
0x1b2: {  	v6 =	vld [tilespmem:s10+$0x10B70]  }
0x1b3: {  	v18 =	vld [tilespmem:s10+$0xCB00]  }
0x1b4: {  	v19 =	vld [tilespmem:s10+$0xCB10]  }
0x1b5: {  	v16 =	vld [tilespmem:s10+$0xCB20]  }
0x1b6: {  	v15 =	vld [tilespmem:s10+$0xCB30]  }
0x1b7: {  	v14 =	vld [tilespmem:s10+$0xCB40]  }
0x1b8: {  	v13 =	vld [tilespmem:s10+$0xCB50];
	v18 =	vadd.f32 v12, v18  }
0x1b9: {  	s11 =	simm.s32 $0x200;
	v17 =	vadd.f32 v17, v19;
	v12 =	vld [tilespmem:s10+$0xCB60]  }
.LBB2_8:
0x1ba: {  	p0 =	sne.s32 s11, $0xFE00;
	v5 =	vadd.f32 v5, v18;
	v11 =	vadd.f32 v11, v16;
	v16 =	vld [tilespmem:s10+$0xCB70]  }
0x1bb: {  	v4 =	vadd.f32 v4, v17;
	v10 =	vadd.f32 v10, v15;
	v15 =	vld [tilespmem:s10+$0x14B60]  }
0x1bc: {  	s22 =	sshra.s32 s11, $0x2;
	[tilespmem:s10+$0xCB00] =	vst v5;
	v3 =	vadd.f32 v3, v11;
	v9 =	vadd.f32 v9, v14;
	v11 =	vld [tilespmem:s10+$0x14B70]  }
0x1bd: {  	v5 =	vld [tilespmem:s22+$0x14B00];
	[tilespmem:s10+$0xCB10] =	vst v4;
	v2 =	vadd.f32 v2, v10;
	v8 =	vadd.f32 v8, v13  }
0x1be: {  	v4 =	vld [tilespmem:s22+$0x14B10];
	[tilespmem:s10+$0xCB20] =	vst v3;
	v1 =	vadd.f32 v1, v9;
	v7 =	vadd.f32 v7, v12  }
0x1bf: {  	v3 =	vld [tilespmem:s22+$0x14B20];
	[tilespmem:s10+$0xCB30] =	vst v2;
	v0 =	vadd.f32 v0, v8;
	v6 =	vadd.f32 v6, v16  }
0x1c0: {  	v2 =	vld [tilespmem:s22+$0x14B30];
	[tilespmem:s10+$0xCB40] =	vst v1;
	v7 =	vadd.f32 v15, v7  }
0x1c1: {  	v1 =	vld [tilespmem:s22+$0x14B40];
	[tilespmem:s10+$0xCB50] =	vst v0;
	v6 =	vadd.f32 v11, v6  }
0x1c2: {  	v0 =	vld [tilespmem:s22+$0x14B50];
	[tilespmem:s10+$0xCB60] =	vst v7  }
0x1c3: {  	v12 =	vld [tilespmem:s22+$0x10B00];
	[tilespmem:s10+$0xCB70] =	vst v6;
	s10 =	smov.u32 s22  }
0x1c4: {  	v17 =	vld [tilespmem:s10+$0x10B10]  }
0x1c5: {  	v11 =	vld [tilespmem:s10+$0x10B20]  }
0x1c6: {  	v10 =	vld [tilespmem:s10+$0x10B30]  }
0x1c7: {  	v9 =	vld [tilespmem:s10+$0x10B40]  }
0x1c8: {  	v8 =	vld [tilespmem:s10+$0x10B50]  }
0x1c9: {  	v7 =	vld [tilespmem:s10+$0x10B60]  }
0x1ca: {  	v6 =	vld [tilespmem:s10+$0x10B70]  }
0x1cb: {  	v13 =	vld [tilespmem:s10+$0xCB00]  }
0x1cc: {  	v19 =	vld [tilespmem:s10+$0xCB10]  }
.Ltmp3:
0x1cd: {  	v16 =	vld [tilespmem:s10+$0xCB20];
	(pc) =	sbr.rel @p0 .LBB2_8-.Ltmp3, $4  }
0x1ce: {  	v15 =	vld [tilespmem:s10+$0xCB30]  }
0x1cf: {  	v14 =	vld [tilespmem:s10+$0xCB40]  }
0x1d0: {  	v18 =	vadd.f32 v12, v13;
	v13 =	vld [tilespmem:s10+$0xCB50]  }
0x1d1: {  	s11 =	sadd.s32 $0x200, s11;
	v17 =	vadd.f32 v17, v19;
	v12 =	vld [tilespmem:s10+$0xCB60]  }
0x1d2: {  	v5 =	vadd.f32 v5, v18;
	v55 =	vld [tilespmem:s10+$0xCB70];
	v11 =	vadd.f32 v11, v16  }
0x1d3: {  	v56 =	vld [tilespmem:s10+$0x14B60];
	v4 =	vadd.f32 v4, v17;
	v10 =	vadd.f32 v10, v15  }
0x1d4: {  	v58 =	vld [tilespmem:s10+$0x14B70];
	[tilespmem:s10+$0xCB00] =	vst v5;
	v3 =	vadd.f32 v3, v11;
	v57 =	vadd.f32 v9, v14  }
0x1d5: {  	[tilespmem:s10+$0xCB10] =	vst v4;
	v2 =	vadd.f32 v2, v10;
	v59 =	vadd.f32 v8, v13  }
0x1d6: {  	[tilespmem:s10+$0xCB20] =	vst v3;
	v1 =	vadd.f32 v1, v57;
	v60 =	vadd.f32 v7, v12  }
0x1d7: {  	[tilespmem:s10+$0xCB30] =	vst v2;
	v0 =	vadd.f32 v0, v59;
	v61 =	vadd.f32 v6, v55  }
0x1d8: {  	[tilespmem:s10+$0xCB40] =	vst v1;
	v62 =	vadd.f32 v56, v60  }
0x1d9: {  	[tilespmem:s10+$0xCB50] =	vst v0;
	v63 =	vadd.f32 v58, v61  }
0x1da: {  	[tilespmem:s10+$0xCB60] =	vst v62  }
0x1db: {  	s9 =	sadd.s32 $0x1, s9;
	[tilespmem:s10+$0xCB70] =	vst v63  }
0x1dc: {  	[hbm4b:s18+s5] =	stream.linear.scatter [tilespmem:s21], [sflag:$0x2], $0x4000, $0x38;
	[tilespmem:$0x1BD00] =	vst v63  }
0x1dd: {  	p0 =	sne.s32 s9, s19;
	_ =	swait.ge [sflag:s8], $0x4000  }
.Ltmp4:
0x1de: {  	[sflag:s8] =	ssyncset.done $0x0;
	(pc) =	sbr.rel @p0 .LBB2_1-.Ltmp4, $4  }
0x1df: {  	[sflag:s8] =	ssyncadd.s32 $0xFFFFC000  }
0x1e0: {  	_ =	swait.ge [sflag:s8], $0x4000  }
0x1e1: {  	[sflag:s8] =	ssyncset.done $0x0  }
0x1e2: {  	[sflag:s8] =	ssyncadd.s32 $0xFFFFC000  }
0x1e3: {  	_ =	sfence.sel $0x180000  }
0x1e4: {  	[bflag:$0x0] =	sbarrier.arrive $0xFFFF  }
0x1e5: {  	_ =	strace $0x90000047  }
0x1e6: {  	s0 =	stileid.u32;
	[bflag:$0x2] =	sbarrier.arrive $0xFFFF  }
0x1e7: {  	p0 =	sne.s32 s0, $0x0;
	s0 =	rddreg [dreg:$0xc]  }
0x1e8: {  	s0 =	sadd.s32 @!p0 $0x100000, s0  }
0x1e9: {  	[sflag:s0] =	ssyncadd.tile.s32 @!p0 $0x1;
	_ =	shalt  }
.Lfunc_end2:
_tile_overlayer_lowered:
.L_overlay_start_2:
0x1ea: {  	(tag) =	ssettag $0x2  }
0x1eb: {  	s0 =	rddreg [dreg:$0x0];
	s2 =	stileid.u32  }
0x1ec: {  	s1 =	rddreg [dreg:$0x1];
	p0 =	sne.s32 s2, $0x0  }
0x1ed: {  	s3 =	rddreg [dreg:$0x2];
	[bflag:$0x3] =	sbarrier.arrive $0xFFFF;
	s2 =	simm.s32 @!p0 $0x1C03  }
0x1ee: {  	[timem:s3], [sflag:s2] =	dma.local @!p0 [hbm:s0], s1  }
0x1ef: {  	s0 =	simm.s32 @!p0 $0x3  }
0x1f0: {  	_ =	swait.ge @!p0 [sflag:s0], s1  }
0x1f1: {  	s1 =	ssub.s32 @!p0 $0x0, s1;
	[sflag:s0] =	ssyncset.done @!p0 $0x0  }
0x1f2: {  	[sflag:s0] =	ssyncadd.s32 @!p0 s1  }
0x1f3: {  	[bflag:$0x3] =	sbarrier.arrive $0xFFFF  }
0x1f4: {  	_ =	shalt  }

</sc_bundles>
